<compile_context>
chip_gen: v7x
topology: tpu7x:2x2x1
jax: 0.10.2.dev20260603
libtpu: 0.0.44.dev20260713+nightly
codegen_flags: <defaults>
</compile_context>

<pallas_src>
import jax
import jax.numpy as jnp
from jax import lax
from jax.experimental import pallas as pl
from jax.experimental.pallas import tpu as pltpu
from jax.experimental.pallas import tpu_sc as plsc

N = 10000
E = 320000
D = 128
G = 64
NC, NS = 2, 16
NW = NC * NS
CH = 128
SG = 8
NCH = 80
TOT = NW * NCH
GRP = 2 * SG
NGRP = TOT // NC // GRP
CLAIMS = 10
EPT = NCH * CH
EPAD = NW * EPT
ACC = 10240
RPT = ACC // NS
TRASH = N
BLK = 1000
NBLK = N // BLK
BN_S = 1.0 / (1.0 + 1e-5) ** 0.5

def _hist_body(dst_hbm, ones_hbm, zeros_hbm, out_hbm, dstv, onesv, acc):
    c = lax.axis_index("c")
    s = lax.axis_index("s")
    wid = c * NS + s
    pltpu.sync_copy(zeros_hbm, acc.at[pl.ds(s * RPT, RPT)])
    pltpu.sync_copy(ones_hbm, onesv)
    pltpu.sync_copy(dst_hbm.at[wid], dstv)
    plsc.subcore_barrier()

    def body(j, carry):
        pltpu.sync_copy(onesv, acc.at[dstv.at[j]], add=True)
        return carry

    lax.fori_loop(0, NCH, body, 0)
    plsc.subcore_barrier()
    pltpu.sync_copy(acc.at[pl.ds(s * RPT, RPT)],
                    out_hbm.at[c, pl.ds(s * RPT, RPT)])


_sc_cache = {}


def _sc_kernels():
    if "hist" not in _sc_cache:
        mesh = plsc.VectorSubcoreMesh(
            core_axis_name="c", subcore_axis_name="s",
            num_cores=NC, num_subcores=NS)
        _sc_cache["hist"] = pl.kernel(
            _hist_body,
            out_type=jax.ShapeDtypeStruct((NC, ACC), jnp.float32),
            mesh=mesh,
            scratch_types=[
                pltpu.VMEM((NCH, CH), jnp.int32),
                pltpu.VMEM((CH,), jnp.float32),
                pltpu.VMEM_SHARED((ACC,), jnp.float32),
            ],
        )
        _sc_cache["msg"] = pl.kernel(
            _msg_body,
            out_type=jax.ShapeDtypeStruct((NC, ACC, D), jnp.float32),
            mesh=mesh,
            scratch_types=[
                pltpu.VMEM((SG, CH), jnp.int32),
                pltpu.VMEM((SG, CH), jnp.int32),
                pltpu.VMEM((SG, CH), jnp.int32),
                pltpu.VMEM((SG, CH), jnp.int32),
                pltpu.VMEM((CH, D), jnp.float32),
                pltpu.VMEM((CH, D), jnp.float32),
                pltpu.VMEM_SHARED((ACC, D), jnp.float32),
                pltpu.SMEM((1,), jnp.int32),
                pltpu.SemaphoreType.DMA,
                pltpu.SemaphoreType.DMA,
            ],
        )
    return _sc_cache["hist"], _sc_cache["msg"]


def _msg_body(xs_hbm, src_hbm, dst_hbm, zeros_hbm, out_hbm,
              si_a, di_a, si_b, di_b, r_a, r_b, acc, cnt, sem_a, sem_b):
    c = lax.axis_index("c")
    s = lax.axis_index("s")

    @pl.when(s == 0)
    def _():
        cnt[0] = 0

    with jax.named_scope("msg_zero"):
        pltpu.sync_copy(zeros_hbm, acc.at[pl.ds(s * RPT, RPT)])
        plsc.subcore_barrier()

    rows = (r_a, r_b)
    sems = (sem_a, sem_b)
    sidx = (si_a, si_b)
    didx = (di_a, di_b)

    def do_group(g):
        base = c * (NGRP * GRP) + g * GRP
        pltpu.sync_copy(src_hbm.at[pl.ds(base, SG)], si_a)
        pltpu.sync_copy(dst_hbm.at[pl.ds(base, SG)], di_a)
        pltpu.sync_copy(src_hbm.at[pl.ds(base + SG, SG)], si_b)
        pltpu.sync_copy(dst_hbm.at[pl.ds(base + SG, SG)], di_b)
        pltpu.async_copy(xs_hbm.at[si_a.at[0]], r_a, sem_a)
        for k in range(GRP):
            b = k % 2
            if k + 1 < GRP:
                k2 = k + 1
                pltpu.async_copy(xs_hbm.at[sidx[k2 // SG].at[k2 % SG]],
                                 rows[1 - b], sems[1 - b])
            pltpu.make_async_copy(
                xs_hbm.at[pl.ds(0, CH)], rows[b], sems[b]).wait()
            pltpu.sync_copy(rows[b], acc.at[didx[k // SG].at[k % SG]],
                            add=True)

    with jax.named_scope("msg_loop"):
        def body(i, carry):
            g = plsc.fetch_and_add(cnt.at[0], 1, subcore_id=0)

            @pl.when(g < NGRP)
            def _():
                do_group(g)

            return carry

        lax.fori_loop(0, CLAIMS, body, 0)
    with jax.named_scope("msg_tail"):
        plsc.subcore_barrier()
        pltpu.sync_copy(acc.at[pl.ds(s * RPT, RPT)],
                        out_hbm.at[c, pl.ds(s * RPT, RPT)])


def _k1_body(x_ref, w_ref, p0_ref, p1_ref, o_ref):
    dinv = lax.rsqrt(1.0 + p0_ref[:, :1] + p1_ref[:, :1])
    o_ref[...] = jnp.dot(x_ref[...], w_ref[...],
                         preferred_element_type=jnp.float32) * dinv


def _k2_body(a0, a1, xs, p0, p1, b1, g1, be1, w2, o):
    dinv = lax.rsqrt(1.0 + p0[:, :1] + p1[:, :1])
    pre = dinv * (a0[...] + a1[...] + xs[...]) + b1[...]
    h = jnp.maximum(pre * (g1[...] * BN_S) + be1[...], 0.0)
    o[...] = jnp.dot(h, w2[...], preferred_element_type=jnp.float32) * dinv


def _k3_body(a0, a1, xs, p0, p1, b2, g2, be2, bt, wh1, bh1, wh2, bh2,
             o, sums, counts):
    i = pl.program_id(0)

    @pl.when(i == 0)
    def _():
        sums[...] = jnp.zeros_like(sums)
        counts[...] = jnp.zeros_like(counts)

    dinv = lax.rsqrt(1.0 + p0[:, :1] + p1[:, :1])
    pre = dinv * (a0[...] + a1[...] + xs[...]) + b2[...]
    h = jnp.maximum(pre * (g2[...] * BN_S) + be2[...], 0.0)
    b = bt[...].reshape(1, BLK)
    onehot = (lax.broadcasted_iota(jnp.int32, (G, BLK), 0)
              == jnp.broadcast_to(b, (G, BLK))).astype(jnp.float32)
    sums[...] += jnp.dot(onehot, h, preferred_element_type=jnp.float32)
    counts[...] += jnp.broadcast_to(
        jnp.sum(onehot, axis=1, keepdims=True), (G, D))

    @pl.when(i == NBLK - 1)
    def _():
        pooled = sums[...] / jnp.maximum(counts[...], 1.0)
        hh = jnp.maximum(
            jnp.dot(pooled, wh1[...], preferred_element_type=jnp.float32)
            + bh1[...], 0.0)
        o[...] = jnp.dot(hh, wh2[...],
                         preferred_element_type=jnp.float32) + bh2[...]


def _row_spec(i):
    return (i, 0)


def _fix_spec(i):
    return (0, 0)


def kernel(x, edge_index, batch, W1, b1, g1, be1, W2, b2, g2, be2,
           Wh1, bh1, Wh2, bh2):
    src = edge_index[0].astype(jnp.int32)
    dst = edge_index[1].astype(jnp.int32)
    pad = EPAD - E
    src_p = jnp.concatenate(
        [src, jnp.zeros((pad,), jnp.int32)]).reshape(NW, NCH, CH)
    trash = TRASH + jnp.arange(pad, dtype=jnp.int32) % (ACC - N)
    dst_p = jnp.concatenate([dst, trash]).reshape(NW, NCH, CH)
    ones_dw = jnp.ones((CH,), jnp.float32)
    zeros_dw = jnp.zeros((RPT,), jnp.float32)
    zeros_d = jnp.zeros((RPT, D), jnp.float32)

    _hist, _msg = _sc_kernels()
    degp = _hist(dst_p, ones_dw, zeros_dw)
    p0 = degp[0, :N].reshape(N, 1)
    p1 = degp[1, :N].reshape(N, 1)

    blk_d = pl.BlockSpec((BLK, D), _row_spec)
    blk_dw = pl.BlockSpec((BLK, 1), _row_spec)
    full_dd = pl.BlockSpec((D, D), _fix_spec)
    vec_d = pl.BlockSpec((1, D), _fix_spec)

    xs = pl.pallas_call(
        _k1_body, grid=(NBLK,),
        in_specs=[blk_d, full_dd, blk_dw, blk_dw],
        out_specs=blk_d,
        out_shape=jax.ShapeDtypeStruct((N, D), jnp.float32),
    )(x, W1, p0, p1)

    src_f = src_p.reshape(TOT // NW, NW, CH).transpose(1, 0, 2).reshape(TOT, CH)
    dst_f = dst_p.reshape(TOT // NW, NW, CH).transpose(1, 0, 2).reshape(TOT, CH)
    acc = _msg(xs, src_f, dst_f, zeros_d)

    xs2 = pl.pallas_call(
        _k2_body, grid=(NBLK,),
        in_specs=[blk_d, blk_d, blk_d, blk_dw, blk_dw,
                  vec_d, vec_d, vec_d, full_dd],
        out_specs=blk_d,
        out_shape=jax.ShapeDtypeStruct((N, D), jnp.float32),
    )(acc[0, :N], acc[1, :N], xs, p0, p1,
      b1.reshape(1, D), g1.reshape(1, D), be1.reshape(1, D), W2)

    acc2 = _msg(xs2, src_f, dst_f, zeros_d)

    batch_p = batch.astype(jnp.int32).reshape(NBLK, 1, BLK)
    Wh2p = jnp.pad(Wh2, ((0, 0), (0, D - Wh2.shape[1])))
    bh2p = jnp.pad(bh2, (0, D - bh2.shape[0])).reshape(1, D)

    out = pl.pallas_call(
        _k3_body, grid=(NBLK,),
        in_specs=[blk_d, blk_d, blk_d, blk_dw, blk_dw,
                  vec_d, vec_d, vec_d,
                  pl.BlockSpec((1, 1, BLK), lambda i: (i, 0, 0)),
                  full_dd, vec_d, full_dd, vec_d],
        out_specs=pl.BlockSpec((G, D), _fix_spec),
        out_shape=jax.ShapeDtypeStruct((G, D), jnp.float32),
        scratch_shapes=[pltpu.VMEM((G, D), jnp.float32),
                        pltpu.VMEM((G, D), jnp.float32)],
    )(acc2[0, :N], acc2[1, :N], xs2, p0, p1,
      b2.reshape(1, D), g2.reshape(1, D), be2.reshape(1, D),
      batch_p, Wh1, bh1.reshape(1, D), Wh2p, bh2p)

    return out[:, :Wh2.shape[1]]

# --- scband reference (transcript-rebuilt; emitter-appended) ---
"""Pipeline reference for scband-gcn-67877663146444 (READ-ONLY COPY).

The authoritative reference and input builder live on the scoring server;
editing this copy changes nothing except your own understanding.
"""

import jax, jax.numpy as jnp
import numpy as np

N_NODES = 10000
N_EDGES = 320000
D_IN = 128
D_HID = 128
D_OUT = 2
N_GRAPHS = 64


def setup_inputs(seed: int = 0) -> dict:
    key = jax.random.key(seed)
    ks = jax.random.split(key, 16)
    x = jax.random.normal(ks[0], (N_NODES, D_IN), dtype=jnp.float32)
    edge_index = jax.random.randint(ks[1], (2, N_EDGES), 0, N_NODES, dtype=jnp.int64)
    batch = jnp.sort(jax.random.randint(ks[2], (N_NODES,), 0, N_GRAPHS, dtype=jnp.int64))
    s1 = 1.0 / np.sqrt(D_IN)
    s2 = 1.0 / np.sqrt(D_HID)
    W1 = jax.random.uniform(ks[3], (D_IN, D_HID), jnp.float32, -s1, s1)
    b1 = jnp.zeros((D_HID,), jnp.float32)
    g1 = jnp.ones((D_HID,), jnp.float32)
    be1 = jnp.zeros((D_HID,), jnp.float32)
    W2 = jax.random.uniform(ks[4], (D_HID, D_HID), jnp.float32, -s2, s2)
    b2 = jnp.zeros((D_HID,), jnp.float32)
    g2 = jnp.ones((D_HID,), jnp.float32)
    be2 = jnp.zeros((D_HID,), jnp.float32)
    Wh1 = jax.random.uniform(ks[5], (D_HID, D_HID), jnp.float32, -s2, s2)
    bh1 = jnp.zeros((D_HID,), jnp.float32)
    Wh2 = jax.random.uniform(ks[6], (D_HID, D_OUT), jnp.float32, -s2, s2)
    bh2 = jnp.zeros((D_OUT,), jnp.float32)
    return {"x": x, "edge_index": edge_index, "batch": batch,
            "W1": W1, "b1": b1, "g1": g1, "be1": be1,
            "W2": W2, "b2": b2, "g2": g2, "be2": be2,
            "Wh1": Wh1, "bh1": bh1, "Wh2": Wh2, "bh2": bh2}


def _gcn_conv(x, W, b, src, dst, n_nodes):
    # GCNConv with added self-loops and symmetric normalization
    xw = x @ W
    loops = jnp.arange(n_nodes, dtype=src.dtype)
    src_sl = jnp.concatenate([src, loops])
    dst_sl = jnp.concatenate([dst, loops])
    ones = jnp.ones((src_sl.shape[0],), dtype=jnp.float32)
    deg = jax.ops.segment_sum(ones, dst_sl, num_segments=n_nodes)
    dinv = jax.lax.rsqrt(jnp.maximum(deg, 1.0))
    norm = dinv[src_sl] * dinv[dst_sl]
    msg = norm[:, None] * jnp.take(xw, src_sl, axis=0)
    out = jax.ops.segment_sum(msg, dst_sl, num_segments=n_nodes)
    return out + b


def _bn_eval(x, g, be, eps=1e-5):
    # BatchNorm1d in eval mode with running_mean=0, running_var=1
    return x * (g / jnp.sqrt(1.0 + eps)) + be


def reference(x, edge_index, batch, W1, b1, g1, be1, W2, b2, g2, be2, Wh1, bh1, Wh2, bh2):
    src, dst = edge_index[0], edge_index[1]
    h = _gcn_conv(x, W1, b1, src, dst, N_NODES)
    h = _bn_eval(h, g1, be1)
    h = jax.nn.relu(h)
    h = _gcn_conv(h, W2, b2, src, dst, N_NODES)
    h = _bn_eval(h, g2, be2)
    h = jax.nn.relu(h)
    # global mean pool per graph
    sums = jax.ops.segment_sum(h, batch, num_segments=N_GRAPHS)
    counts = jax.ops.segment_sum(jnp.ones((N_NODES,), jnp.float32), batch, num_segments=N_GRAPHS)
    pooled = sums / jnp.maximum(counts, 1.0)[:, None]
    # head MLP [128, 128, 2], relu between, dropout is identity in eval
    hh = jax.nn.relu(pooled @ Wh1 + bh1)
    out = hh @ Wh2 + bh2
    return out

if __name__ == "__main__":
    import jax
    _d = setup_inputs()
    print(jax.jit(kernel)(*tuple(_d.values())))

</pallas_src>

<mosaic_0001>
#map = affine_map<(d0, d1) -> (0, 0, 0)>
#map1 = affine_map<(d0, d1) -> (0)>
#map2 = affine_map<(d0, d1) -> (0, 0)>
module attributes {stable_mosaic.version = 14 : i64} {
  func.func @_hist_body(%arg0: i32, %arg1: i32, %arg2: memref<32x80x128xi32, #tpu.memory_space<hbm>>, %arg3: memref<128xf32, #tpu.memory_space<hbm>>, %arg4: memref<640xf32, #tpu.memory_space<hbm>>, %arg5: memref<2x10240xf32, #tpu.memory_space<hbm>>, %arg6: memref<80x128xi32, #tpu.memory_space<vmem>>, %arg7: memref<128xf32, #tpu.memory_space<vmem>>, %arg8: memref<10240xf32, #tpu.memory_space<vmem_shared>>) attributes {dimension_semantics = [#tpu.dimension_semantics<core_parallel>, #tpu.dimension_semantics<subcore_parallel>], iteration_bounds = array<i64: 2, 16>, scalar_prefetch = 0 : i64, scratch_operands = 3 : i64, tpu.core_type = #tpu.core_type<sc_vector_subcore>, window_params = [{transform_indices = #map}, {transform_indices = #map1}, {transform_indices = #map1}, {transform_indices = #map2}]} {
    %mul3A = arith.constant 16 : i32
    %mul3A_0 = arith.muli %arg0, %mul3A : i32
    %add3A = arith.addi %mul3A_0, %arg1 : i32
    %mul3A_1 = arith.constant 640 : i32
    %mul3A_2 = arith.muli %arg1, %mul3A_1 : i32
    "tpu.region"() ({
      %run_scoped3A = tpu.sem_alloc : memref<!tpu.dma_semaphore, #tpu.memory_space<semaphore_mem>>
      %dma_start3A = tpu.memref_slice %arg8[%mul3A_2] : memref<10240xf32, #tpu.memory_space<vmem_shared>> -> memref<640xf32, #tpu.memory_space<vmem_shared>>
      tpu.enqueue_dma source(%arg4 : memref<640xf32, #tpu.memory_space<hbm>>) target(%dma_start3A : memref<640xf32, #tpu.memory_space<vmem_shared>>) target_semaphore(%run_scoped3A : memref<!tpu.dma_semaphore, #tpu.memory_space<semaphore_mem>>)
      %dma_wait3A = tpu.memref_slice %arg8[%mul3A_2] : memref<10240xf32, #tpu.memory_space<vmem_shared>> -> memref<640xf32, #tpu.memory_space<vmem_shared>>
      tpu.wait_dma2 semaphore(%run_scoped3A : memref<!tpu.dma_semaphore, #tpu.memory_space<semaphore_mem>>) src(%arg4 : memref<640xf32, #tpu.memory_space<hbm>>) dst(%dma_wait3A : memref<640xf32, #tpu.memory_space<vmem_shared>>)
      tpu.yield
    }) : () -> ()
    "tpu.region"() ({
      %run_scoped3A = tpu.sem_alloc : memref<!tpu.dma_semaphore, #tpu.memory_space<semaphore_mem>>
      tpu.enqueue_dma source(%arg3 : memref<128xf32, #tpu.memory_space<hbm>>) target(%arg7 : memref<128xf32, #tpu.memory_space<vmem>>) target_semaphore(%run_scoped3A : memref<!tpu.dma_semaphore, #tpu.memory_space<semaphore_mem>>)
      tpu.wait_dma2 semaphore(%run_scoped3A : memref<!tpu.dma_semaphore, #tpu.memory_space<semaphore_mem>>) src(%arg3 : memref<128xf32, #tpu.memory_space<hbm>>) dst(%arg7 : memref<128xf32, #tpu.memory_space<vmem>>)
      tpu.yield
    }) : () -> ()
    "tpu.region"() ({
      %run_scoped3A = tpu.sem_alloc : memref<!tpu.dma_semaphore, #tpu.memory_space<semaphore_mem>>
      %dma_start3A = arith.constant 0 : i32
      %dma_start3A_13 = arith.constant 0 : i32
      %dma_start3A_14 = tpu.memref_slice %arg2[%add3A, %dma_start3A, %dma_start3A_13] : memref<32x80x128xi32, #tpu.memory_space<hbm>> -> memref<1x80x128xi32, #tpu.memory_space<hbm>>
      %dma_start3A_15 = tpu.memref_squeeze %dma_start3A_14 : memref<1x80x128xi32, #tpu.memory_space<hbm>> -> memref<80x128xi32, #tpu.memory_space<hbm>>
      %dma_start3A_16 = arith.constant 0 : i32
      %dma_start3A_17 = arith.constant 0 : i32
      %dma_start3A_18 = tpu.memref_slice %arg2[%add3A, %dma_start3A_16, %dma_start3A_17] : memref<32x80x128xi32, #tpu.memory_space<hbm>> -> memref<1x80x128xi32, #tpu.memory_space<hbm>>
      %dma_start3A_19 = tpu.memref_squeeze %dma_start3A_18 : memref<1x80x128xi32, #tpu.memory_space<hbm>> -> memref<80x128xi32, #tpu.memory_space<hbm>>
      tpu.enqueue_dma source(%dma_start3A_19 : memref<80x128xi32, #tpu.memory_space<hbm>>) target(%arg6 : memref<80x128xi32, #tpu.memory_space<vmem>>) target_semaphore(%run_scoped3A : memref<!tpu.dma_semaphore, #tpu.memory_space<semaphore_mem>>)
      %dma_wait3A = arith.constant 0 : i32
      %dma_wait3A_20 = arith.constant 0 : i32
      %dma_wait3A_21 = tpu.memref_slice %arg2[%add3A, %dma_wait3A, %dma_wait3A_20] : memref<32x80x128xi32, #tpu.memory_space<hbm>> -> memref<1x80x128xi32, #tpu.memory_space<hbm>>
      %dma_wait3A_22 = tpu.memref_squeeze %dma_wait3A_21 : memref<1x80x128xi32, #tpu.memory_space<hbm>> -> memref<80x128xi32, #tpu.memory_space<hbm>>
      %dma_wait3A_23 = arith.constant 0 : i32
      %dma_wait3A_24 = arith.constant 0 : i32
      %dma_wait3A_25 = tpu.memref_slice %arg2[%add3A, %dma_wait3A_23, %dma_wait3A_24] : memref<32x80x128xi32, #tpu.memory_space<hbm>> -> memref<1x80x128xi32, #tpu.memory_space<hbm>>
      %dma_wait3A_26 = tpu.memref_squeeze %dma_wait3A_25 : memref<1x80x128xi32, #tpu.memory_space<hbm>> -> memref<80x128xi32, #tpu.memory_space<hbm>>
      tpu.wait_dma2 semaphore(%run_scoped3A : memref<!tpu.dma_semaphore, #tpu.memory_space<semaphore_mem>>) src(%dma_wait3A_26 : memref<80x128xi32, #tpu.memory_space<hbm>>) dst(%arg6 : memref<80x128xi32, #tpu.memory_space<vmem>>)
      tpu.yield
    }) : () -> ()
    %barrier3A = arith.constant 0 : index
    tpu.barrier barrier_id(%barrier3A)
    %scan3A = arith.constant 0 : i32
    %scan3A_3 = arith.constant 0 : i32
    %scan3A_4 = arith.constant 80 : i32
    %scan3A_5 = arith.addi %scan3A_3, %scan3A_4 : i32
    %scan3A_6 = arith.constant 1 : i32
    scf.for %scan3A_13 = %scan3A_3 to %scan3A_5 step %scan3A_6  : i32 {
      "tpu.region"() ({
        %run_scoped3A = tpu.sem_alloc : memref<!tpu.dma_semaphore, #tpu.memory_space<semaphore_mem>>
        %dma_start3A = arith.constant 0 : i32
        %dma_start3A_14 = tpu.memref_slice %arg6[%scan3A_13, %dma_start3A] : memref<80x128xi32, #tpu.memory_space<vmem>> -> memref<1x128xi32, #tpu.memory_space<vmem>>
        %dma_start3A_15 = tpu.memref_squeeze %dma_start3A_14 : memref<1x128xi32, #tpu.memory_space<vmem>> -> memref<128xi32, #tpu.memory_space<vmem>>
        %dma_start3A_16 = arith.constant 0 : i32
        %dma_start3A_17 = tpu.memref_slice %arg8[%dma_start3A_16] : memref<10240xf32, #tpu.memory_space<vmem_shared>> -> memref<10240xf32, #tpu.memory_space<vmem_shared>>
        tpu.enqueue_indirect_dma source(%arg7 : memref<128xf32, #tpu.memory_space<vmem>>) target(%dma_start3A_17 : memref<10240xf32, #tpu.memory_space<vmem_shared>>) offsets(%dma_start3A_15 : memref<128xi32, #tpu.memory_space<vmem>>) semaphore(%run_scoped3A : memref<!tpu.dma_semaphore, #tpu.memory_space<semaphore_mem>>) {add = true}
        %dma_wait3A = arith.constant 0 : i32
        %dma_wait3A_18 = tpu.memref_slice %arg6[%scan3A_13, %dma_wait3A] : memref<80x128xi32, #tpu.memory_space<vmem>> -> memref<1x128xi32, #tpu.memory_space<vmem>>
        %dma_wait3A_19 = tpu.memref_squeeze %dma_wait3A_18 : memref<1x128xi32, #tpu.memory_space<vmem>> -> memref<128xi32, #tpu.memory_space<vmem>>
        %dma_wait3A_20 = arith.constant 0 : i32
        %dma_wait3A_21 = tpu.memref_slice %arg8[%dma_wait3A_20] : memref<10240xf32, #tpu.memory_space<vmem_shared>> -> memref<10240xf32, #tpu.memory_space<vmem_shared>>
        tpu.wait_indirect_dma semaphore(%run_scoped3A : memref<!tpu.dma_semaphore, #tpu.memory_space<semaphore_mem>>) src(%arg7 : memref<128xf32, #tpu.memory_space<vmem>>) dst(%dma_wait3A_21 : memref<10240xf32, #tpu.memory_space<vmem_shared>>)
        tpu.yield
      }) : () -> ()
    }
    %scan3A_7 = arith.constant 80 : i32
    %barrier3A_8 = arith.constant 0 : index
    tpu.barrier barrier_id(%barrier3A_8)
    %mul3A_9 = arith.constant 640 : i32
    %mul3A_10 = arith.muli %arg1, %mul3A_9 : i32
    %mul3A_11 = arith.constant 640 : i32
    %mul3A_12 = arith.muli %arg1, %mul3A_11 : i32
    "tpu.region"() ({
      %run_scoped3A = tpu.sem_alloc : memref<!tpu.dma_semaphore, #tpu.memory_space<semaphore_mem>>
      %dma_start3A = tpu.memref_slice %arg5[%arg0, %mul3A_12] : memref<2x10240xf32, #tpu.memory_space<hbm>> -> memref<1x640xf32, #tpu.memory_space<hbm>>
      %dma_start3A_13 = tpu.memref_squeeze %dma_start3A : memref<1x640xf32, #tpu.memory_space<hbm>> -> memref<640xf32, #tpu.memory_space<hbm>>
      %dma_start3A_14 = tpu.memref_slice %arg8[%mul3A_10] : memref<10240xf32, #tpu.memory_space<vmem_shared>> -> memref<640xf32, #tpu.memory_space<vmem_shared>>
      tpu.enqueue_dma source(%dma_start3A_14 : memref<640xf32, #tpu.memory_space<vmem_shared>>) target(%dma_start3A_13 : memref<640xf32, #tpu.memory_space<hbm>>) target_semaphore(%run_scoped3A : memref<!tpu.dma_semaphore, #tpu.memory_space<semaphore_mem>>)
      %dma_wait3A = tpu.memref_slice %arg5[%arg0, %mul3A_12] : memref<2x10240xf32, #tpu.memory_space<hbm>> -> memref<1x640xf32, #tpu.memory_space<hbm>>
      %dma_wait3A_15 = tpu.memref_squeeze %dma_wait3A : memref<1x640xf32, #tpu.memory_space<hbm>> -> memref<640xf32, #tpu.memory_space<hbm>>
      %dma_wait3A_16 = tpu.memref_slice %arg8[%mul3A_10] : memref<10240xf32, #tpu.memory_space<vmem_shared>> -> memref<640xf32, #tpu.memory_space<vmem_shared>>
      tpu.wait_dma2 semaphore(%run_scoped3A : memref<!tpu.dma_semaphore, #tpu.memory_space<semaphore_mem>>) src(%dma_wait3A_16 : memref<640xf32, #tpu.memory_space<vmem_shared>>) dst(%dma_wait3A_15 : memref<640xf32, #tpu.memory_space<hbm>>)
      tpu.yield
    }) : () -> ()
    return
  }
}

#map = affine_map<(d0, d1) -> (0, 0)>
#map1 = affine_map<(d0, d1) -> (0, 0, 0)>
module attributes {stable_mosaic.version = 14 : i64} {
  func.func @_msg_body(%arg0: i32, %arg1: i32, %arg2: memref<10000x128xf32, #tpu.memory_space<hbm>>, %arg3: memref<2560x128xi32, #tpu.memory_space<hbm>>, %arg4: memref<2560x128xi32, #tpu.memory_space<hbm>>, %arg5: memref<640x128xf32, #tpu.memory_space<hbm>>, %arg6: memref<2x10240x128xf32, #tpu.memory_space<hbm>>, %arg7: memref<8x128xi32, #tpu.memory_space<vmem>>, %arg8: memref<8x128xi32, #tpu.memory_space<vmem>>, %arg9: memref<8x128xi32, #tpu.memory_space<vmem>>, %arg10: memref<8x128xi32, #tpu.memory_space<vmem>>, %arg11: memref<128x128xf32, #tpu.memory_space<vmem>>, %arg12: memref<128x128xf32, #tpu.memory_space<vmem>>, %arg13: memref<10240x128xf32, #tpu.memory_space<vmem_shared>>, %arg14: memref<1xi32, #tpu.memory_space<smem>>, %arg15: memref<!tpu.dma_semaphore, #tpu.memory_space<semaphore_mem>>, %arg16: memref<!tpu.dma_semaphore, #tpu.memory_space<semaphore_mem>>) attributes {dimension_semantics = [#tpu.dimension_semantics<core_parallel>, #tpu.dimension_semantics<subcore_parallel>], iteration_bounds = array<i64: 2, 16>, scalar_prefetch = 0 : i64, scratch_operands = 10 : i64, tpu.core_type = #tpu.core_type<sc_vector_subcore>, window_params = [{transform_indices = #map}, {transform_indices = #map}, {transform_indices = #map}, {transform_indices = #map}, {transform_indices = #map1}]} {
    %eq3A = arith.constant 0 : i32
    %eq3A_0 = arith.cmpi eq, %arg1, %eq3A : i32
    %convert_element_type3A = arith.extui %eq3A_0 : i1 to i32
    %cond3A = arith.constant 0 : i32
    %cond3A_1 = arith.cmpi ne, %convert_element_type3A, %cond3A : i32
    scf.if %cond3A_1 {
      %swap3A = arith.constant 0 : i32
      %swap3A_13 = arith.constant 0 : i32
      %swap3A_14 = arith.index_cast %swap3A_13 : i32 to index
      %swap3A_15 = memref.load %arg14[%swap3A_14] : memref<1xi32, #tpu.memory_space<smem>>
      memref.store %swap3A, %arg14[%swap3A_14] : memref<1xi32, #tpu.memory_space<smem>>
    } else {
    }
    "tpu.trace_start"() <{level = 10 : i32, message = "msg_zero"}> : () -> ()
    %mul3A = arith.constant 640 : i32
    %mul3A_2 = arith.muli %arg1, %mul3A : i32
    "tpu.region"() ({
      %run_scoped3A = tpu.sem_alloc : memref<!tpu.dma_semaphore, #tpu.memory_space<semaphore_mem>>
      %dma_start3A = arith.constant 0 : i32
      %dma_start3A_13 = tpu.memref_slice %arg13[%mul3A_2, %dma_start3A] : memref<10240x128xf32, #tpu.memory_space<vmem_shared>> -> memref<640x128xf32, #tpu.memory_space<vmem_shared>>
      tpu.enqueue_dma source(%arg5 : memref<640x128xf32, #tpu.memory_space<hbm>>) target(%dma_start3A_13 : memref<640x128xf32, #tpu.memory_space<vmem_shared>>) target_semaphore(%run_scoped3A : memref<!tpu.dma_semaphore, #tpu.memory_space<semaphore_mem>>)
      %dma_wait3A = arith.constant 0 : i32
      %dma_wait3A_14 = tpu.memref_slice %arg13[%mul3A_2, %dma_wait3A] : memref<10240x128xf32, #tpu.memory_space<vmem_shared>> -> memref<640x128xf32, #tpu.memory_space<vmem_shared>>
      tpu.wait_dma2 semaphore(%run_scoped3A : memref<!tpu.dma_semaphore, #tpu.memory_space<semaphore_mem>>) src(%arg5 : memref<640x128xf32, #tpu.memory_space<hbm>>) dst(%dma_wait3A_14 : memref<640x128xf32, #tpu.memory_space<vmem_shared>>)
      tpu.yield
    }) : () -> ()
    %barrier3A = arith.constant 0 : index
    tpu.barrier barrier_id(%barrier3A)
    "tpu.trace_stop"() : () -> ()
    "tpu.trace_start"() <{level = 10 : i32, message = "msg_loop"}> : () -> ()
    %scan3A = arith.constant 0 : i32
    %scan3A_3 = arith.constant 0 : i32
    %scan3A_4 = arith.constant 10 : i32
    %scan3A_5 = arith.addi %scan3A_3, %scan3A_4 : i32
    %scan3A_6 = arith.constant 1 : i32
    scf.for %scan3A_13 = %scan3A_3 to %scan3A_5 step %scan3A_6  : i32 {
      %sc_fetch_and_add3A = arith.constant 1 : i32
      %sc_fetch_and_add3A_14 = arith.constant 0 : i32
      %sc_fetch_and_add3A_15 = arith.constant 0 : i32
      %sc_fetch_and_add3A_16 = tpu.fetch_and_add_sync %arg14[%sc_fetch_and_add3A_14], %sc_fetch_and_add3A, %sc_fetch_and_add3A_15 : memref<1xi32, #tpu.memory_space<smem>>, i32 -> i32
      %lt3A = arith.constant 80 : i32
      %lt3A_17 = arith.cmpi slt, %sc_fetch_and_add3A_16, %lt3A : i32
      %convert_element_type3A_18 = arith.extui %lt3A_17 : i1 to i32
      %cond3A_19 = arith.constant 0 : i32
      %cond3A_20 = arith.cmpi ne, %convert_element_type3A_18, %cond3A_19 : i32
      scf.if %cond3A_20 {
        %mul3A_21 = arith.constant 1280 : i32
        %mul3A_22 = arith.muli %arg0, %mul3A_21 : i32
        %mul3A_23 = arith.constant 16 : i32
        %mul3A_24 = arith.muli %sc_fetch_and_add3A_16, %mul3A_23 : i32
        %add3A = arith.addi %mul3A_22, %mul3A_24 : i32
        "tpu.region"() ({
          %run_scoped3A_250 = tpu.sem_alloc : memref<!tpu.dma_semaphore, #tpu.memory_space<semaphore_mem>>
          %dma_start3A_251 = arith.constant 0 : i32
          %dma_start3A_252 = tpu.memref_slice %arg3[%add3A, %dma_start3A_251] : memref<2560x128xi32, #tpu.memory_space<hbm>> -> memref<8x128xi32, #tpu.memory_space<hbm>>
          %dma_start3A_253 = arith.constant 0 : i32
          %dma_start3A_254 = tpu.memref_slice %arg3[%add3A, %dma_start3A_253] : memref<2560x128xi32, #tpu.memory_space<hbm>> -> memref<8x128xi32, #tpu.memory_space<hbm>>
          tpu.enqueue_dma source(%dma_start3A_254 : memref<8x128xi32, #tpu.memory_space<hbm>>) target(%arg7 : memref<8x128xi32, #tpu.memory_space<vmem>>) target_semaphore(%run_scoped3A_250 : memref<!tpu.dma_semaphore, #tpu.memory_space<semaphore_mem>>)
          %dma_wait3A_255 = arith.constant 0 : i32
          %dma_wait3A_256 = tpu.memref_slice %arg3[%add3A, %dma_wait3A_255] : memref<2560x128xi32, #tpu.memory_space<hbm>> -> memref<8x128xi32, #tpu.memory_space<hbm>>
          %dma_wait3A_257 = arith.constant 0 : i32
          %dma_wait3A_258 = tpu.memref_slice %arg3[%add3A, %dma_wait3A_257] : memref<2560x128xi32, #tpu.memory_space<hbm>> -> memref<8x128xi32, #tpu.memory_space<hbm>>
          tpu.wait_dma2 semaphore(%run_scoped3A_250 : memref<!tpu.dma_semaphore, #tpu.memory_space<semaphore_mem>>) src(%dma_wait3A_258 : memref<8x128xi32, #tpu.memory_space<hbm>>) dst(%arg7 : memref<8x128xi32, #tpu.memory_space<vmem>>)
          tpu.yield
        }) : () -> ()
        "tpu.region"() ({
          %run_scoped3A_250 = tpu.sem_alloc : memref<!tpu.dma_semaphore, #tpu.memory_space<semaphore_mem>>
          %dma_start3A_251 = arith.constant 0 : i32
          %dma_start3A_252 = tpu.memref_slice %arg4[%add3A, %dma_start3A_251] : memref<2560x128xi32, #tpu.memory_space<hbm>> -> memref<8x128xi32, #tpu.memory_space<hbm>>
          %dma_start3A_253 = arith.constant 0 : i32
          %dma_start3A_254 = tpu.memref_slice %arg4[%add3A, %dma_start3A_253] : memref<2560x128xi32, #tpu.memory_space<hbm>> -> memref<8x128xi32, #tpu.memory_space<hbm>>
          tpu.enqueue_dma source(%dma_start3A_254 : memref<8x128xi32, #tpu.memory_space<hbm>>) target(%arg8 : memref<8x128xi32, #tpu.memory_space<vmem>>) target_semaphore(%run_scoped3A_250 : memref<!tpu.dma_semaphore, #tpu.memory_space<semaphore_mem>>)
          %dma_wait3A_255 = arith.constant 0 : i32
          %dma_wait3A_256 = tpu.memref_slice %arg4[%add3A, %dma_wait3A_255] : memref<2560x128xi32, #tpu.memory_space<hbm>> -> memref<8x128xi32, #tpu.memory_space<hbm>>
          %dma_wait3A_257 = arith.constant 0 : i32
          %dma_wait3A_258 = tpu.memref_slice %arg4[%add3A, %dma_wait3A_257] : memref<2560x128xi32, #tpu.memory_space<hbm>> -> memref<8x128xi32, #tpu.memory_space<hbm>>
          tpu.wait_dma2 semaphore(%run_scoped3A_250 : memref<!tpu.dma_semaphore, #tpu.memory_space<semaphore_mem>>) src(%dma_wait3A_258 : memref<8x128xi32, #tpu.memory_space<hbm>>) dst(%arg8 : memref<8x128xi32, #tpu.memory_space<vmem>>)
          tpu.yield
        }) : () -> ()
        %add3A_25 = arith.constant 8 : i32
        %add3A_26 = arith.addi %add3A, %add3A_25 : i32
        "tpu.region"() ({
          %run_scoped3A_250 = tpu.sem_alloc : memref<!tpu.dma_semaphore, #tpu.memory_space<semaphore_mem>>
          %dma_start3A_251 = arith.constant 0 : i32
          %dma_start3A_252 = tpu.memref_slice %arg3[%add3A_26, %dma_start3A_251] : memref<2560x128xi32, #tpu.memory_space<hbm>> -> memref<8x128xi32, #tpu.memory_space<hbm>>
          %dma_start3A_253 = arith.constant 0 : i32
          %dma_start3A_254 = tpu.memref_slice %arg3[%add3A_26, %dma_start3A_253] : memref<2560x128xi32, #tpu.memory_space<hbm>> -> memref<8x128xi32, #tpu.memory_space<hbm>>
          tpu.enqueue_dma source(%dma_start3A_254 : memref<8x128xi32, #tpu.memory_space<hbm>>) target(%arg9 : memref<8x128xi32, #tpu.memory_space<vmem>>) target_semaphore(%run_scoped3A_250 : memref<!tpu.dma_semaphore, #tpu.memory_space<semaphore_mem>>)
          %dma_wait3A_255 = arith.constant 0 : i32
          %dma_wait3A_256 = tpu.memref_slice %arg3[%add3A_26, %dma_wait3A_255] : memref<2560x128xi32, #tpu.memory_space<hbm>> -> memref<8x128xi32, #tpu.memory_space<hbm>>
          %dma_wait3A_257 = arith.constant 0 : i32
          %dma_wait3A_258 = tpu.memref_slice %arg3[%add3A_26, %dma_wait3A_257] : memref<2560x128xi32, #tpu.memory_space<hbm>> -> memref<8x128xi32, #tpu.memory_space<hbm>>
          tpu.wait_dma2 semaphore(%run_scoped3A_250 : memref<!tpu.dma_semaphore, #tpu.memory_space<semaphore_mem>>) src(%dma_wait3A_258 : memref<8x128xi32, #tpu.memory_space<hbm>>) dst(%arg9 : memref<8x128xi32, #tpu.memory_space<vmem>>)
          tpu.yield
        }) : () -> ()
        %add3A_27 = arith.constant 8 : i32
        %add3A_28 = arith.addi %add3A, %add3A_27 : i32
        "tpu.region"() ({
          %run_scoped3A_250 = tpu.sem_alloc : memref<!tpu.dma_semaphore, #tpu.memory_space<semaphore_mem>>
          %dma_start3A_251 = arith.constant 0 : i32
          %dma_start3A_252 = tpu.memref_slice %arg4[%add3A_28, %dma_start3A_251] : memref<2560x128xi32, #tpu.memory_space<hbm>> -> memref<8x128xi32, #tpu.memory_space<hbm>>
          %dma_start3A_253 = arith.constant 0 : i32
          %dma_start3A_254 = tpu.memref_slice %arg4[%add3A_28, %dma_start3A_253] : memref<2560x128xi32, #tpu.memory_space<hbm>> -> memref<8x128xi32, #tpu.memory_space<hbm>>
          tpu.enqueue_dma source(%dma_start3A_254 : memref<8x128xi32, #tpu.memory_space<hbm>>) target(%arg10 : memref<8x128xi32, #tpu.memory_space<vmem>>) target_semaphore(%run_scoped3A_250 : memref<!tpu.dma_semaphore, #tpu.memory_space<semaphore_mem>>)
          %dma_wait3A_255 = arith.constant 0 : i32
          %dma_wait3A_256 = tpu.memref_slice %arg4[%add3A_28, %dma_wait3A_255] : memref<2560x128xi32, #tpu.memory_space<hbm>> -> memref<8x128xi32, #tpu.memory_space<hbm>>
          %dma_wait3A_257 = arith.constant 0 : i32
          %dma_wait3A_258 = tpu.memref_slice %arg4[%add3A_28, %dma_wait3A_257] : memref<2560x128xi32, #tpu.memory_space<hbm>> -> memref<8x128xi32, #tpu.memory_space<hbm>>
          tpu.wait_dma2 semaphore(%run_scoped3A_250 : memref<!tpu.dma_semaphore, #tpu.memory_space<semaphore_mem>>) src(%dma_wait3A_258 : memref<8x128xi32, #tpu.memory_space<hbm>>) dst(%arg10 : memref<8x128xi32, #tpu.memory_space<vmem>>)
          tpu.yield
        }) : () -> ()
        %dma_start3A = arith.constant 0 : i32
        %dma_start3A_29 = arith.constant 0 : i32
        %dma_start3A_30 = tpu.memref_slice %arg7[%dma_start3A, %dma_start3A_29] : memref<8x128xi32, #tpu.memory_space<vmem>> -> memref<1x128xi32, #tpu.memory_space<vmem>>
        %dma_start3A_31 = tpu.memref_squeeze %dma_start3A_30 : memref<1x128xi32, #tpu.memory_space<vmem>> -> memref<128xi32, #tpu.memory_space<vmem>>
        %dma_start3A_32 = arith.constant 0 : i32
        %dma_start3A_33 = arith.constant 0 : i32
        %dma_start3A_34 = tpu.memref_slice %arg2[%dma_start3A_32, %dma_start3A_33] : memref<10000x128xf32, #tpu.memory_space<hbm>> -> memref<10000x128xf32, #tpu.memory_space<hbm>>
        tpu.enqueue_indirect_dma source(%dma_start3A_34 : memref<10000x128xf32, #tpu.memory_space<hbm>>) target(%arg11 : memref<128x128xf32, #tpu.memory_space<vmem>>) offsets(%dma_start3A_31 : memref<128xi32, #tpu.memory_space<vmem>>) semaphore(%arg15 : memref<!tpu.dma_semaphore, #tpu.memory_space<semaphore_mem>>)
        %dma_start3A_35 = arith.constant 1 : i32
        %dma_start3A_36 = arith.constant 0 : i32
        %dma_start3A_37 = tpu.memref_slice %arg7[%dma_start3A_35, %dma_start3A_36] : memref<8x128xi32, #tpu.memory_space<vmem>> -> memref<1x128xi32, #tpu.memory_space<vmem>>
        %dma_start3A_38 = tpu.memref_squeeze %dma_start3A_37 : memref<1x128xi32, #tpu.memory_space<vmem>> -> memref<128xi32, #tpu.memory_space<vmem>>
        %dma_start3A_39 = arith.constant 0 : i32
        %dma_start3A_40 = arith.constant 0 : i32
        %dma_start3A_41 = tpu.memref_slice %arg2[%dma_start3A_39, %dma_start3A_40] : memref<10000x128xf32, #tpu.memory_space<hbm>> -> memref<10000x128xf32, #tpu.memory_space<hbm>>
        tpu.enqueue_indirect_dma source(%dma_start3A_41 : memref<10000x128xf32, #tpu.memory_space<hbm>>) target(%arg12 : memref<128x128xf32, #tpu.memory_space<vmem>>) offsets(%dma_start3A_38 : memref<128xi32, #tpu.memory_space<vmem>>) semaphore(%arg16 : memref<!tpu.dma_semaphore, #tpu.memory_space<semaphore_mem>>)
        %dma_wait3A = arith.constant 0 : i32
        %dma_wait3A_42 = arith.constant 0 : i32
        %dma_wait3A_43 = tpu.memref_slice %arg2[%dma_wait3A, %dma_wait3A_42] : memref<10000x128xf32, #tpu.memory_space<hbm>> -> memref<128x128xf32, #tpu.memory_space<hbm>>
        %dma_wait3A_44 = arith.constant 0 : i32
        %dma_wait3A_45 = arith.constant 0 : i32
        %dma_wait3A_46 = tpu.memref_slice %arg2[%dma_wait3A_44, %dma_wait3A_45] : memref<10000x128xf32, #tpu.memory_space<hbm>> -> memref<128x128xf32, #tpu.memory_space<hbm>>
        tpu.wait_dma2 semaphore(%arg15 : memref<!tpu.dma_semaphore, #tpu.memory_space<semaphore_mem>>) src(%dma_wait3A_46 : memref<128x128xf32, #tpu.memory_space<hbm>>) dst(%arg11 : memref<128x128xf32, #tpu.memory_space<vmem>>)
        %run_scoped3A = arith.constant 0 : i32
        "tpu.region"() ({
          %run_scoped3A_250 = tpu.sem_alloc : memref<!tpu.dma_semaphore, #tpu.memory_space<semaphore_mem>>
          %dma_start3A_251 = arith.constant 0 : i32
          %dma_start3A_252 = tpu.memref_slice %arg8[%run_scoped3A, %dma_start3A_251] : memref<8x128xi32, #tpu.memory_space<vmem>> -> memref<1x128xi32, #tpu.memory_space<vmem>>
          %dma_start3A_253 = tpu.memref_squeeze %dma_start3A_252 : memref<1x128xi32, #tpu.memory_space<vmem>> -> memref<128xi32, #tpu.memory_space<vmem>>
          %dma_start3A_254 = arith.constant 0 : i32
          %dma_start3A_255 = arith.constant 0 : i32
          %dma_start3A_256 = tpu.memref_slice %arg13[%dma_start3A_254, %dma_start3A_255] : memref<10240x128xf32, #tpu.memory_space<vmem_shared>> -> memref<10240x128xf32, #tpu.memory_space<vmem_shared>>
          tpu.enqueue_indirect_dma source(%arg11 : memref<128x128xf32, #tpu.memory_space<vmem>>) target(%dma_start3A_256 : memref<10240x128xf32, #tpu.memory_space<vmem_shared>>) offsets(%dma_start3A_253 : memref<128xi32, #tpu.memory_space<vmem>>) semaphore(%run_scoped3A_250 : memref<!tpu.dma_semaphore, #tpu.memory_space<semaphore_mem>>) {add = true}
          %dma_wait3A_257 = arith.constant 0 : i32
          %dma_wait3A_258 = tpu.memref_slice %arg8[%run_scoped3A, %dma_wait3A_257] : memref<8x128xi32, #tpu.memory_space<vmem>> -> memref<1x128xi32, #tpu.memory_space<vmem>>
          %dma_wait3A_259 = tpu.memref_squeeze %dma_wait3A_258 : memref<1x128xi32, #tpu.memory_space<vmem>> -> memref<128xi32, #tpu.memory_space<vmem>>
          %dma_wait3A_260 = arith.constant 0 : i32
          %dma_wait3A_261 = arith.constant 0 : i32
          %dma_wait3A_262 = tpu.memref_slice %arg13[%dma_wait3A_260, %dma_wait3A_261] : memref<10240x128xf32, #tpu.memory_space<vmem_shared>> -> memref<10240x128xf32, #tpu.memory_space<vmem_shared>>
          tpu.wait_indirect_dma semaphore(%run_scoped3A_250 : memref<!tpu.dma_semaphore, #tpu.memory_space<semaphore_mem>>) src(%arg11 : memref<128x128xf32, #tpu.memory_space<vmem>>) dst(%dma_wait3A_262 : memref<10240x128xf32, #tpu.memory_space<vmem_shared>>)
          tpu.yield
        }) : () -> ()
        %dma_start3A_47 = arith.constant 2 : i32
        %dma_start3A_48 = arith.constant 0 : i32
        %dma_start3A_49 = tpu.memref_slice %arg7[%dma_start3A_47, %dma_start3A_48] : memref<8x128xi32, #tpu.memory_space<vmem>> -> memref<1x128xi32, #tpu.memory_space<vmem>>
        %dma_start3A_50 = tpu.memref_squeeze %dma_start3A_49 : memref<1x128xi32, #tpu.memory_space<vmem>> -> memref<128xi32, #tpu.memory_space<vmem>>
        %dma_start3A_51 = arith.constant 0 : i32
        %dma_start3A_52 = arith.constant 0 : i32
        %dma_start3A_53 = tpu.memref_slice %arg2[%dma_start3A_51, %dma_start3A_52] : memref<10000x128xf32, #tpu.memory_space<hbm>> -> memref<10000x128xf32, #tpu.memory_space<hbm>>
        tpu.enqueue_indirect_dma source(%dma_start3A_53 : memref<10000x128xf32, #tpu.memory_space<hbm>>) target(%arg11 : memref<128x128xf32, #tpu.memory_space<vmem>>) offsets(%dma_start3A_50 : memref<128xi32, #tpu.memory_space<vmem>>) semaphore(%arg15 : memref<!tpu.dma_semaphore, #tpu.memory_space<semaphore_mem>>)
        %dma_wait3A_54 = arith.constant 0 : i32
        %dma_wait3A_55 = arith.constant 0 : i32
        %dma_wait3A_56 = tpu.memref_slice %arg2[%dma_wait3A_54, %dma_wait3A_55] : memref<10000x128xf32, #tpu.memory_space<hbm>> -> memref<128x128xf32, #tpu.memory_space<hbm>>
        %dma_wait3A_57 = arith.constant 0 : i32
        %dma_wait3A_58 = arith.constant 0 : i32
        %dma_wait3A_59 = tpu.memref_slice %arg2[%dma_wait3A_57, %dma_wait3A_58] : memref<10000x128xf32, #tpu.memory_space<hbm>> -> memref<128x128xf32, #tpu.memory_space<hbm>>
        tpu.wait_dma2 semaphore(%arg16 : memref<!tpu.dma_semaphore, #tpu.memory_space<semaphore_mem>>) src(%dma_wait3A_59 : memref<128x128xf32, #tpu.memory_space<hbm>>) dst(%arg12 : memref<128x128xf32, #tpu.memory_space<vmem>>)
        %run_scoped3A_60 = arith.constant 1 : i32
        "tpu.region"() ({
          %run_scoped3A_250 = tpu.sem_alloc : memref<!tpu.dma_semaphore, #tpu.memory_space<semaphore_mem>>
          %dma_start3A_251 = arith.constant 0 : i32
          %dma_start3A_252 = tpu.memref_slice %arg8[%run_scoped3A_60, %dma_start3A_251] : memref<8x128xi32, #tpu.memory_space<vmem>> -> memref<1x128xi32, #tpu.memory_space<vmem>>
          %dma_start3A_253 = tpu.memref_squeeze %dma_start3A_252 : memref<1x128xi32, #tpu.memory_space<vmem>> -> memref<128xi32, #tpu.memory_space<vmem>>
          %dma_start3A_254 = arith.constant 0 : i32
          %dma_start3A_255 = arith.constant 0 : i32
          %dma_start3A_256 = tpu.memref_slice %arg13[%dma_start3A_254, %dma_start3A_255] : memref<10240x128xf32, #tpu.memory_space<vmem_shared>> -> memref<10240x128xf32, #tpu.memory_space<vmem_shared>>
          tpu.enqueue_indirect_dma source(%arg12 : memref<128x128xf32, #tpu.memory_space<vmem>>) target(%dma_start3A_256 : memref<10240x128xf32, #tpu.memory_space<vmem_shared>>) offsets(%dma_start3A_253 : memref<128xi32, #tpu.memory_space<vmem>>) semaphore(%run_scoped3A_250 : memref<!tpu.dma_semaphore, #tpu.memory_space<semaphore_mem>>) {add = true}
          %dma_wait3A_257 = arith.constant 0 : i32
          %dma_wait3A_258 = tpu.memref_slice %arg8[%run_scoped3A_60, %dma_wait3A_257] : memref<8x128xi32, #tpu.memory_space<vmem>> -> memref<1x128xi32, #tpu.memory_space<vmem>>
          %dma_wait3A_259 = tpu.memref_squeeze %dma_wait3A_258 : memref<1x128xi32, #tpu.memory_space<vmem>> -> memref<128xi32, #tpu.memory_space<vmem>>
          %dma_wait3A_260 = arith.constant 0 : i32
          %dma_wait3A_261 = arith.constant 0 : i32
          %dma_wait3A_262 = tpu.memref_slice %arg13[%dma_wait3A_260, %dma_wait3A_261] : memref<10240x128xf32, #tpu.memory_space<vmem_shared>> -> memref<10240x128xf32, #tpu.memory_space<vmem_shared>>
          tpu.wait_indirect_dma semaphore(%run_scoped3A_250 : memref<!tpu.dma_semaphore, #tpu.memory_space<semaphore_mem>>) src(%arg12 : memref<128x128xf32, #tpu.memory_space<vmem>>) dst(%dma_wait3A_262 : memref<10240x128xf32, #tpu.memory_space<vmem_shared>>)
          tpu.yield
        }) : () -> ()
        %dma_start3A_61 = arith.constant 3 : i32
        %dma_start3A_62 = arith.constant 0 : i32
        %dma_start3A_63 = tpu.memref_slice %arg7[%dma_start3A_61, %dma_start3A_62] : memref<8x128xi32, #tpu.memory_space<vmem>> -> memref<1x128xi32, #tpu.memory_space<vmem>>
        %dma_start3A_64 = tpu.memref_squeeze %dma_start3A_63 : memref<1x128xi32, #tpu.memory_space<vmem>> -> memref<128xi32, #tpu.memory_space<vmem>>
        %dma_start3A_65 = arith.constant 0 : i32
        %dma_start3A_66 = arith.constant 0 : i32
        %dma_start3A_67 = tpu.memref_slice %arg2[%dma_start3A_65, %dma_start3A_66] : memref<10000x128xf32, #tpu.memory_space<hbm>> -> memref<10000x128xf32, #tpu.memory_space<hbm>>
        tpu.enqueue_indirect_dma source(%dma_start3A_67 : memref<10000x128xf32, #tpu.memory_space<hbm>>) target(%arg12 : memref<128x128xf32, #tpu.memory_space<vmem>>) offsets(%dma_start3A_64 : memref<128xi32, #tpu.memory_space<vmem>>) semaphore(%arg16 : memref<!tpu.dma_semaphore, #tpu.memory_space<semaphore_mem>>)
        %dma_wait3A_68 = arith.constant 0 : i32
        %dma_wait3A_69 = arith.constant 0 : i32
        %dma_wait3A_70 = tpu.memref_slice %arg2[%dma_wait3A_68, %dma_wait3A_69] : memref<10000x128xf32, #tpu.memory_space<hbm>> -> memref<128x128xf32, #tpu.memory_space<hbm>>
        %dma_wait3A_71 = arith.constant 0 : i32
        %dma_wait3A_72 = arith.constant 0 : i32
        %dma_wait3A_73 = tpu.memref_slice %arg2[%dma_wait3A_71, %dma_wait3A_72] : memref<10000x128xf32, #tpu.memory_space<hbm>> -> memref<128x128xf32, #tpu.memory_space<hbm>>
        tpu.wait_dma2 semaphore(%arg15 : memref<!tpu.dma_semaphore, #tpu.memory_space<semaphore_mem>>) src(%dma_wait3A_73 : memref<128x128xf32, #tpu.memory_space<hbm>>) dst(%arg11 : memref<128x128xf32, #tpu.memory_space<vmem>>)
        %run_scoped3A_74 = arith.constant 2 : i32
        "tpu.region"() ({
          %run_scoped3A_250 = tpu.sem_alloc : memref<!tpu.dma_semaphore, #tpu.memory_space<semaphore_mem>>
          %dma_start3A_251 = arith.constant 0 : i32
          %dma_start3A_252 = tpu.memref_slice %arg8[%run_scoped3A_74, %dma_start3A_251] : memref<8x128xi32, #tpu.memory_space<vmem>> -> memref<1x128xi32, #tpu.memory_space<vmem>>
          %dma_start3A_253 = tpu.memref_squeeze %dma_start3A_252 : memref<1x128xi32, #tpu.memory_space<vmem>> -> memref<128xi32, #tpu.memory_space<vmem>>
          %dma_start3A_254 = arith.constant 0 : i32
          %dma_start3A_255 = arith.constant 0 : i32
          %dma_start3A_256 = tpu.memref_slice %arg13[%dma_start3A_254, %dma_start3A_255] : memref<10240x128xf32, #tpu.memory_space<vmem_shared>> -> memref<10240x128xf32, #tpu.memory_space<vmem_shared>>
          tpu.enqueue_indirect_dma source(%arg11 : memref<128x128xf32, #tpu.memory_space<vmem>>) target(%dma_start3A_256 : memref<10240x128xf32, #tpu.memory_space<vmem_shared>>) offsets(%dma_start3A_253 : memref<128xi32, #tpu.memory_space<vmem>>) semaphore(%run_scoped3A_250 : memref<!tpu.dma_semaphore, #tpu.memory_space<semaphore_mem>>) {add = true}
          %dma_wait3A_257 = arith.constant 0 : i32
          %dma_wait3A_258 = tpu.memref_slice %arg8[%run_scoped3A_74, %dma_wait3A_257] : memref<8x128xi32, #tpu.memory_space<vmem>> -> memref<1x128xi32, #tpu.memory_space<vmem>>
          %dma_wait3A_259 = tpu.memref_squeeze %dma_wait3A_258 : memref<1x128xi32, #tpu.memory_space<vmem>> -> memref<128xi32, #tpu.memory_space<vmem>>
          %dma_wait3A_260 = arith.constant 0 : i32
          %dma_wait3A_261 = arith.constant 0 : i32
          %dma_wait3A_262 = tpu.memref_slice %arg13[%dma_wait3A_260, %dma_wait3A_261] : memref<10240x128xf32, #tpu.memory_space<vmem_shared>> -> memref<10240x128xf32, #tpu.memory_space<vmem_shared>>
          tpu.wait_indirect_dma semaphore(%run_scoped3A_250 : memref<!tpu.dma_semaphore, #tpu.memory_space<semaphore_mem>>) src(%arg11 : memref<128x128xf32, #tpu.memory_space<vmem>>) dst(%dma_wait3A_262 : memref<10240x128xf32, #tpu.memory_space<vmem_shared>>)
          tpu.yield
        }) : () -> ()
        %dma_start3A_75 = arith.constant 4 : i32
        %dma_start3A_76 = arith.constant 0 : i32
        %dma_start3A_77 = tpu.memref_slice %arg7[%dma_start3A_75, %dma_start3A_76] : memref<8x128xi32, #tpu.memory_space<vmem>> -> memref<1x128xi32, #tpu.memory_space<vmem>>
        %dma_start3A_78 = tpu.memref_squeeze %dma_start3A_77 : memref<1x128xi32, #tpu.memory_space<vmem>> -> memref<128xi32, #tpu.memory_space<vmem>>
        %dma_start3A_79 = arith.constant 0 : i32
        %dma_start3A_80 = arith.constant 0 : i32
        %dma_start3A_81 = tpu.memref_slice %arg2[%dma_start3A_79, %dma_start3A_80] : memref<10000x128xf32, #tpu.memory_space<hbm>> -> memref<10000x128xf32, #tpu.memory_space<hbm>>
        tpu.enqueue_indirect_dma source(%dma_start3A_81 : memref<10000x128xf32, #tpu.memory_space<hbm>>) target(%arg11 : memref<128x128xf32, #tpu.memory_space<vmem>>) offsets(%dma_start3A_78 : memref<128xi32, #tpu.memory_space<vmem>>) semaphore(%arg15 : memref<!tpu.dma_semaphore, #tpu.memory_space<semaphore_mem>>)
        %dma_wait3A_82 = arith.constant 0 : i32
        %dma_wait3A_83 = arith.constant 0 : i32
        %dma_wait3A_84 = tpu.memref_slice %arg2[%dma_wait3A_82, %dma_wait3A_83] : memref<10000x128xf32, #tpu.memory_space<hbm>> -> memref<128x128xf32, #tpu.memory_space<hbm>>
        %dma_wait3A_85 = arith.constant 0 : i32
        %dma_wait3A_86 = arith.constant 0 : i32
        %dma_wait3A_87 = tpu.memref_slice %arg2[%dma_wait3A_85, %dma_wait3A_86] : memref<10000x128xf32, #tpu.memory_space<hbm>> -> memref<128x128xf32, #tpu.memory_space<hbm>>
        tpu.wait_dma2 semaphore(%arg16 : memref<!tpu.dma_semaphore, #tpu.memory_space<semaphore_mem>>) src(%dma_wait3A_87 : memref<128x128xf32, #tpu.memory_space<hbm>>) dst(%arg12 : memref<128x128xf32, #tpu.memory_space<vmem>>)
        %run_scoped3A_88 = arith.constant 3 : i32
        "tpu.region"() ({
          %run_scoped3A_250 = tpu.sem_alloc : memref<!tpu.dma_semaphore, #tpu.memory_space<semaphore_mem>>
          %dma_start3A_251 = arith.constant 0 : i32
          %dma_start3A_252 = tpu.memref_slice %arg8[%run_scoped3A_88, %dma_start3A_251] : memref<8x128xi32, #tpu.memory_space<vmem>> -> memref<1x128xi32, #tpu.memory_space<vmem>>
          %dma_start3A_253 = tpu.memref_squeeze %dma_start3A_252 : memref<1x128xi32, #tpu.memory_space<vmem>> -> memref<128xi32, #tpu.memory_space<vmem>>
          %dma_start3A_254 = arith.constant 0 : i32
          %dma_start3A_255 = arith.constant 0 : i32
          %dma_start3A_256 = tpu.memref_slice %arg13[%dma_start3A_254, %dma_start3A_255] : memref<10240x128xf32, #tpu.memory_space<vmem_shared>> -> memref<10240x128xf32, #tpu.memory_space<vmem_shared>>
          tpu.enqueue_indirect_dma source(%arg12 : memref<128x128xf32, #tpu.memory_space<vmem>>) target(%dma_start3A_256 : memref<10240x128xf32, #tpu.memory_space<vmem_shared>>) offsets(%dma_start3A_253 : memref<128xi32, #tpu.memory_space<vmem>>) semaphore(%run_scoped3A_250 : memref<!tpu.dma_semaphore, #tpu.memory_space<semaphore_mem>>) {add = true}
          %dma_wait3A_257 = arith.constant 0 : i32
          %dma_wait3A_258 = tpu.memref_slice %arg8[%run_scoped3A_88, %dma_wait3A_257] : memref<8x128xi32, #tpu.memory_space<vmem>> -> memref<1x128xi32, #tpu.memory_space<vmem>>
          %dma_wait3A_259 = tpu.memref_squeeze %dma_wait3A_258 : memref<1x128xi32, #tpu.memory_space<vmem>> -> memref<128xi32, #tpu.memory_space<vmem>>
          %dma_wait3A_260 = arith.constant 0 : i32
          %dma_wait3A_261 = arith.constant 0 : i32
          %dma_wait3A_262 = tpu.memref_slice %arg13[%dma_wait3A_260, %dma_wait3A_261] : memref<10240x128xf32, #tpu.memory_space<vmem_shared>> -> memref<10240x128xf32, #tpu.memory_space<vmem_shared>>
          tpu.wait_indirect_dma semaphore(%run_scoped3A_250 : memref<!tpu.dma_semaphore, #tpu.memory_space<semaphore_mem>>) src(%arg12 : memref<128x128xf32, #tpu.memory_space<vmem>>) dst(%dma_wait3A_262 : memref<10240x128xf32, #tpu.memory_space<vmem_shared>>)
          tpu.yield
        }) : () -> ()
        %dma_start3A_89 = arith.constant 5 : i32
        %dma_start3A_90 = arith.constant 0 : i32
        %dma_start3A_91 = tpu.memref_slice %arg7[%dma_start3A_89, %dma_start3A_90] : memref<8x128xi32, #tpu.memory_space<vmem>> -> memref<1x128xi32, #tpu.memory_space<vmem>>
        %dma_start3A_92 = tpu.memref_squeeze %dma_start3A_91 : memref<1x128xi32, #tpu.memory_space<vmem>> -> memref<128xi32, #tpu.memory_space<vmem>>
        %dma_start3A_93 = arith.constant 0 : i32
        %dma_start3A_94 = arith.constant 0 : i32
        %dma_start3A_95 = tpu.memref_slice %arg2[%dma_start3A_93, %dma_start3A_94] : memref<10000x128xf32, #tpu.memory_space<hbm>> -> memref<10000x128xf32, #tpu.memory_space<hbm>>
        tpu.enqueue_indirect_dma source(%dma_start3A_95 : memref<10000x128xf32, #tpu.memory_space<hbm>>) target(%arg12 : memref<128x128xf32, #tpu.memory_space<vmem>>) offsets(%dma_start3A_92 : memref<128xi32, #tpu.memory_space<vmem>>) semaphore(%arg16 : memref<!tpu.dma_semaphore, #tpu.memory_space<semaphore_mem>>)
        %dma_wait3A_96 = arith.constant 0 : i32
        %dma_wait3A_97 = arith.constant 0 : i32
        %dma_wait3A_98 = tpu.memref_slice %arg2[%dma_wait3A_96, %dma_wait3A_97] : memref<10000x128xf32, #tpu.memory_space<hbm>> -> memref<128x128xf32, #tpu.memory_space<hbm>>
        %dma_wait3A_99 = arith.constant 0 : i32
        %dma_wait3A_100 = arith.constant 0 : i32
        %dma_wait3A_101 = tpu.memref_slice %arg2[%dma_wait3A_99, %dma_wait3A_100] : memref<10000x128xf32, #tpu.memory_space<hbm>> -> memref<128x128xf32, #tpu.memory_space<hbm>>
        tpu.wait_dma2 semaphore(%arg15 : memref<!tpu.dma_semaphore, #tpu.memory_space<semaphore_mem>>) src(%dma_wait3A_101 : memref<128x128xf32, #tpu.memory_space<hbm>>) dst(%arg11 : memref<128x128xf32, #tpu.memory_space<vmem>>)
        %run_scoped3A_102 = arith.constant 4 : i32
        "tpu.region"() ({
          %run_scoped3A_250 = tpu.sem_alloc : memref<!tpu.dma_semaphore, #tpu.memory_space<semaphore_mem>>
          %dma_start3A_251 = arith.constant 0 : i32
          %dma_start3A_252 = tpu.memref_slice %arg8[%run_scoped3A_102, %dma_start3A_251] : memref<8x128xi32, #tpu.memory_space<vmem>> -> memref<1x128xi32, #tpu.memory_space<vmem>>
          %dma_start3A_253 = tpu.memref_squeeze %dma_start3A_252 : memref<1x128xi32, #tpu.memory_space<vmem>> -> memref<128xi32, #tpu.memory_space<vmem>>
          %dma_start3A_254 = arith.constant 0 : i32
          %dma_start3A_255 = arith.constant 0 : i32
          %dma_start3A_256 = tpu.memref_slice %arg13[%dma_start3A_254, %dma_start3A_255] : memref<10240x128xf32, #tpu.memory_space<vmem_shared>> -> memref<10240x128xf32, #tpu.memory_space<vmem_shared>>
          tpu.enqueue_indirect_dma source(%arg11 : memref<128x128xf32, #tpu.memory_space<vmem>>) target(%dma_start3A_256 : memref<10240x128xf32, #tpu.memory_space<vmem_shared>>) offsets(%dma_start3A_253 : memref<128xi32, #tpu.memory_space<vmem>>) semaphore(%run_scoped3A_250 : memref<!tpu.dma_semaphore, #tpu.memory_space<semaphore_mem>>) {add = true}
          %dma_wait3A_257 = arith.constant 0 : i32
          %dma_wait3A_258 = tpu.memref_slice %arg8[%run_scoped3A_102, %dma_wait3A_257] : memref<8x128xi32, #tpu.memory_space<vmem>> -> memref<1x128xi32, #tpu.memory_space<vmem>>
          %dma_wait3A_259 = tpu.memref_squeeze %dma_wait3A_258 : memref<1x128xi32, #tpu.memory_space<vmem>> -> memref<128xi32, #tpu.memory_space<vmem>>
          %dma_wait3A_260 = arith.constant 0 : i32
          %dma_wait3A_261 = arith.constant 0 : i32
          %dma_wait3A_262 = tpu.memref_slice %arg13[%dma_wait3A_260, %dma_wait3A_261] : memref<10240x128xf32, #tpu.memory_space<vmem_shared>> -> memref<10240x128xf32, #tpu.memory_space<vmem_shared>>
          tpu.wait_indirect_dma semaphore(%run_scoped3A_250 : memref<!tpu.dma_semaphore, #tpu.memory_space<semaphore_mem>>) src(%arg11 : memref<128x128xf32, #tpu.memory_space<vmem>>) dst(%dma_wait3A_262 : memref<10240x128xf32, #tpu.memory_space<vmem_shared>>)
          tpu.yield
        }) : () -> ()
        %dma_start3A_103 = arith.constant 6 : i32
        %dma_start3A_104 = arith.constant 0 : i32
        %dma_start3A_105 = tpu.memref_slice %arg7[%dma_start3A_103, %dma_start3A_104] : memref<8x128xi32, #tpu.memory_space<vmem>> -> memref<1x128xi32, #tpu.memory_space<vmem>>
        %dma_start3A_106 = tpu.memref_squeeze %dma_start3A_105 : memref<1x128xi32, #tpu.memory_space<vmem>> -> memref<128xi32, #tpu.memory_space<vmem>>
        %dma_start3A_107 = arith.constant 0 : i32
        %dma_start3A_108 = arith.constant 0 : i32
        %dma_start3A_109 = tpu.memref_slice %arg2[%dma_start3A_107, %dma_start3A_108] : memref<10000x128xf32, #tpu.memory_space<hbm>> -> memref<10000x128xf32, #tpu.memory_space<hbm>>
        tpu.enqueue_indirect_dma source(%dma_start3A_109 : memref<10000x128xf32, #tpu.memory_space<hbm>>) target(%arg11 : memref<128x128xf32, #tpu.memory_space<vmem>>) offsets(%dma_start3A_106 : memref<128xi32, #tpu.memory_space<vmem>>) semaphore(%arg15 : memref<!tpu.dma_semaphore, #tpu.memory_space<semaphore_mem>>)
        %dma_wait3A_110 = arith.constant 0 : i32
        %dma_wait3A_111 = arith.constant 0 : i32
        %dma_wait3A_112 = tpu.memref_slice %arg2[%dma_wait3A_110, %dma_wait3A_111] : memref<10000x128xf32, #tpu.memory_space<hbm>> -> memref<128x128xf32, #tpu.memory_space<hbm>>
        %dma_wait3A_113 = arith.constant 0 : i32
        %dma_wait3A_114 = arith.constant 0 : i32
        %dma_wait3A_115 = tpu.memref_slice %arg2[%dma_wait3A_113, %dma_wait3A_114] : memref<10000x128xf32, #tpu.memory_space<hbm>> -> memref<128x128xf32, #tpu.memory_space<hbm>>
        tpu.wait_dma2 semaphore(%arg16 : memref<!tpu.dma_semaphore, #tpu.memory_space<semaphore_mem>>) src(%dma_wait3A_115 : memref<128x128xf32, #tpu.memory_space<hbm>>) dst(%arg12 : memref<128x128xf32, #tpu.memory_space<vmem>>)
        %run_scoped3A_116 = arith.constant 5 : i32
        "tpu.region"() ({
          %run_scoped3A_250 = tpu.sem_alloc : memref<!tpu.dma_semaphore, #tpu.memory_space<semaphore_mem>>
          %dma_start3A_251 = arith.constant 0 : i32
          %dma_start3A_252 = tpu.memref_slice %arg8[%run_scoped3A_116, %dma_start3A_251] : memref<8x128xi32, #tpu.memory_space<vmem>> -> memref<1x128xi32, #tpu.memory_space<vmem>>
          %dma_start3A_253 = tpu.memref_squeeze %dma_start3A_252 : memref<1x128xi32, #tpu.memory_space<vmem>> -> memref<128xi32, #tpu.memory_space<vmem>>
          %dma_start3A_254 = arith.constant 0 : i32
          %dma_start3A_255 = arith.constant 0 : i32
          %dma_start3A_256 = tpu.memref_slice %arg13[%dma_start3A_254, %dma_start3A_255] : memref<10240x128xf32, #tpu.memory_space<vmem_shared>> -> memref<10240x128xf32, #tpu.memory_space<vmem_shared>>
          tpu.enqueue_indirect_dma source(%arg12 : memref<128x128xf32, #tpu.memory_space<vmem>>) target(%dma_start3A_256 : memref<10240x128xf32, #tpu.memory_space<vmem_shared>>) offsets(%dma_start3A_253 : memref<128xi32, #tpu.memory_space<vmem>>) semaphore(%run_scoped3A_250 : memref<!tpu.dma_semaphore, #tpu.memory_space<semaphore_mem>>) {add = true}
          %dma_wait3A_257 = arith.constant 0 : i32
          %dma_wait3A_258 = tpu.memref_slice %arg8[%run_scoped3A_116, %dma_wait3A_257] : memref<8x128xi32, #tpu.memory_space<vmem>> -> memref<1x128xi32, #tpu.memory_space<vmem>>
          %dma_wait3A_259 = tpu.memref_squeeze %dma_wait3A_258 : memref<1x128xi32, #tpu.memory_space<vmem>> -> memref<128xi32, #tpu.memory_space<vmem>>
          %dma_wait3A_260 = arith.constant 0 : i32
          %dma_wait3A_261 = arith.constant 0 : i32
          %dma_wait3A_262 = tpu.memref_slice %arg13[%dma_wait3A_260, %dma_wait3A_261] : memref<10240x128xf32, #tpu.memory_space<vmem_shared>> -> memref<10240x128xf32, #tpu.memory_space<vmem_shared>>
          tpu.wait_indirect_dma semaphore(%run_scoped3A_250 : memref<!tpu.dma_semaphore, #tpu.memory_space<semaphore_mem>>) src(%arg12 : memref<128x128xf32, #tpu.memory_space<vmem>>) dst(%dma_wait3A_262 : memref<10240x128xf32, #tpu.memory_space<vmem_shared>>)
          tpu.yield
        }) : () -> ()
        %dma_start3A_117 = arith.constant 7 : i32
        %dma_start3A_118 = arith.constant 0 : i32
        %dma_start3A_119 = tpu.memref_slice %arg7[%dma_start3A_117, %dma_start3A_118] : memref<8x128xi32, #tpu.memory_space<vmem>> -> memref<1x128xi32, #tpu.memory_space<vmem>>
        %dma_start3A_120 = tpu.memref_squeeze %dma_start3A_119 : memref<1x128xi32, #tpu.memory_space<vmem>> -> memref<128xi32, #tpu.memory_space<vmem>>
        %dma_start3A_121 = arith.constant 0 : i32
        %dma_start3A_122 = arith.constant 0 : i32
        %dma_start3A_123 = tpu.memref_slice %arg2[%dma_start3A_121, %dma_start3A_122] : memref<10000x128xf32, #tpu.memory_space<hbm>> -> memref<10000x128xf32, #tpu.memory_space<hbm>>
        tpu.enqueue_indirect_dma source(%dma_start3A_123 : memref<10000x128xf32, #tpu.memory_space<hbm>>) target(%arg12 : memref<128x128xf32, #tpu.memory_space<vmem>>) offsets(%dma_start3A_120 : memref<128xi32, #tpu.memory_space<vmem>>) semaphore(%arg16 : memref<!tpu.dma_semaphore, #tpu.memory_space<semaphore_mem>>)
        %dma_wait3A_124 = arith.constant 0 : i32
        %dma_wait3A_125 = arith.constant 0 : i32
        %dma_wait3A_126 = tpu.memref_slice %arg2[%dma_wait3A_124, %dma_wait3A_125] : memref<10000x128xf32, #tpu.memory_space<hbm>> -> memref<128x128xf32, #tpu.memory_space<hbm>>
        %dma_wait3A_127 = arith.constant 0 : i32
        %dma_wait3A_128 = arith.constant 0 : i32
        %dma_wait3A_129 = tpu.memref_slice %arg2[%dma_wait3A_127, %dma_wait3A_128] : memref<10000x128xf32, #tpu.memory_space<hbm>> -> memref<128x128xf32, #tpu.memory_space<hbm>>
        tpu.wait_dma2 semaphore(%arg15 : memref<!tpu.dma_semaphore, #tpu.memory_space<semaphore_mem>>) src(%dma_wait3A_129 : memref<128x128xf32, #tpu.memory_space<hbm>>) dst(%arg11 : memref<128x128xf32, #tpu.memory_space<vmem>>)
        %run_scoped3A_130 = arith.constant 6 : i32
        "tpu.region"() ({
          %run_scoped3A_250 = tpu.sem_alloc : memref<!tpu.dma_semaphore, #tpu.memory_space<semaphore_mem>>
          %dma_start3A_251 = arith.constant 0 : i32
          %dma_start3A_252 = tpu.memref_slice %arg8[%run_scoped3A_130, %dma_start3A_251] : memref<8x128xi32, #tpu.memory_space<vmem>> -> memref<1x128xi32, #tpu.memory_space<vmem>>
          %dma_start3A_253 = tpu.memref_squeeze %dma_start3A_252 : memref<1x128xi32, #tpu.memory_space<vmem>> -> memref<128xi32, #tpu.memory_space<vmem>>
          %dma_start3A_254 = arith.constant 0 : i32
          %dma_start3A_255 = arith.constant 0 : i32
          %dma_start3A_256 = tpu.memref_slice %arg13[%dma_start3A_254, %dma_start3A_255] : memref<10240x128xf32, #tpu.memory_space<vmem_shared>> -> memref<10240x128xf32, #tpu.memory_space<vmem_shared>>
          tpu.enqueue_indirect_dma source(%arg11 : memref<128x128xf32, #tpu.memory_space<vmem>>) target(%dma_start3A_256 : memref<10240x128xf32, #tpu.memory_space<vmem_shared>>) offsets(%dma_start3A_253 : memref<128xi32, #tpu.memory_space<vmem>>) semaphore(%run_scoped3A_250 : memref<!tpu.dma_semaphore, #tpu.memory_space<semaphore_mem>>) {add = true}
          %dma_wait3A_257 = arith.constant 0 : i32
          %dma_wait3A_258 = tpu.memref_slice %arg8[%run_scoped3A_130, %dma_wait3A_257] : memref<8x128xi32, #tpu.memory_space<vmem>> -> memref<1x128xi32, #tpu.memory_space<vmem>>
          %dma_wait3A_259 = tpu.memref_squeeze %dma_wait3A_258 : memref<1x128xi32, #tpu.memory_space<vmem>> -> memref<128xi32, #tpu.memory_space<vmem>>
          %dma_wait3A_260 = arith.constant 0 : i32
          %dma_wait3A_261 = arith.constant 0 : i32
          %dma_wait3A_262 = tpu.memref_slice %arg13[%dma_wait3A_260, %dma_wait3A_261] : memref<10240x128xf32, #tpu.memory_space<vmem_shared>> -> memref<10240x128xf32, #tpu.memory_space<vmem_shared>>
          tpu.wait_indirect_dma semaphore(%run_scoped3A_250 : memref<!tpu.dma_semaphore, #tpu.memory_space<semaphore_mem>>) src(%arg11 : memref<128x128xf32, #tpu.memory_space<vmem>>) dst(%dma_wait3A_262 : memref<10240x128xf32, #tpu.memory_space<vmem_shared>>)
          tpu.yield
        }) : () -> ()
        %dma_start3A_131 = arith.constant 0 : i32
        %dma_start3A_132 = arith.constant 0 : i32
        %dma_start3A_133 = tpu.memref_slice %arg9[%dma_start3A_131, %dma_start3A_132] : memref<8x128xi32, #tpu.memory_space<vmem>> -> memref<1x128xi32, #tpu.memory_space<vmem>>
        %dma_start3A_134 = tpu.memref_squeeze %dma_start3A_133 : memref<1x128xi32, #tpu.memory_space<vmem>> -> memref<128xi32, #tpu.memory_space<vmem>>
        %dma_start3A_135 = arith.constant 0 : i32
        %dma_start3A_136 = arith.constant 0 : i32
        %dma_start3A_137 = tpu.memref_slice %arg2[%dma_start3A_135, %dma_start3A_136] : memref<10000x128xf32, #tpu.memory_space<hbm>> -> memref<10000x128xf32, #tpu.memory_space<hbm>>
        tpu.enqueue_indirect_dma source(%dma_start3A_137 : memref<10000x128xf32, #tpu.memory_space<hbm>>) target(%arg11 : memref<128x128xf32, #tpu.memory_space<vmem>>) offsets(%dma_start3A_134 : memref<128xi32, #tpu.memory_space<vmem>>) semaphore(%arg15 : memref<!tpu.dma_semaphore, #tpu.memory_space<semaphore_mem>>)
        %dma_wait3A_138 = arith.constant 0 : i32
        %dma_wait3A_139 = arith.constant 0 : i32
        %dma_wait3A_140 = tpu.memref_slice %arg2[%dma_wait3A_138, %dma_wait3A_139] : memref<10000x128xf32, #tpu.memory_space<hbm>> -> memref<128x128xf32, #tpu.memory_space<hbm>>
        %dma_wait3A_141 = arith.constant 0 : i32
        %dma_wait3A_142 = arith.constant 0 : i32
        %dma_wait3A_143 = tpu.memref_slice %arg2[%dma_wait3A_141, %dma_wait3A_142] : memref<10000x128xf32, #tpu.memory_space<hbm>> -> memref<128x128xf32, #tpu.memory_space<hbm>>
        tpu.wait_dma2 semaphore(%arg16 : memref<!tpu.dma_semaphore, #tpu.memory_space<semaphore_mem>>) src(%dma_wait3A_143 : memref<128x128xf32, #tpu.memory_space<hbm>>) dst(%arg12 : memref<128x128xf32, #tpu.memory_space<vmem>>)
        %run_scoped3A_144 = arith.constant 7 : i32
        "tpu.region"() ({
          %run_scoped3A_250 = tpu.sem_alloc : memref<!tpu.dma_semaphore, #tpu.memory_space<semaphore_mem>>
          %dma_start3A_251 = arith.constant 0 : i32
          %dma_start3A_252 = tpu.memref_slice %arg8[%run_scoped3A_144, %dma_start3A_251] : memref<8x128xi32, #tpu.memory_space<vmem>> -> memref<1x128xi32, #tpu.memory_space<vmem>>
          %dma_start3A_253 = tpu.memref_squeeze %dma_start3A_252 : memref<1x128xi32, #tpu.memory_space<vmem>> -> memref<128xi32, #tpu.memory_space<vmem>>
          %dma_start3A_254 = arith.constant 0 : i32
          %dma_start3A_255 = arith.constant 0 : i32
          %dma_start3A_256 = tpu.memref_slice %arg13[%dma_start3A_254, %dma_start3A_255] : memref<10240x128xf32, #tpu.memory_space<vmem_shared>> -> memref<10240x128xf32, #tpu.memory_space<vmem_shared>>
          tpu.enqueue_indirect_dma source(%arg12 : memref<128x128xf32, #tpu.memory_space<vmem>>) target(%dma_start3A_256 : memref<10240x128xf32, #tpu.memory_space<vmem_shared>>) offsets(%dma_start3A_253 : memref<128xi32, #tpu.memory_space<vmem>>) semaphore(%run_scoped3A_250 : memref<!tpu.dma_semaphore, #tpu.memory_space<semaphore_mem>>) {add = true}
          %dma_wait3A_257 = arith.constant 0 : i32
          %dma_wait3A_258 = tpu.memref_slice %arg8[%run_scoped3A_144, %dma_wait3A_257] : memref<8x128xi32, #tpu.memory_space<vmem>> -> memref<1x128xi32, #tpu.memory_space<vmem>>
          %dma_wait3A_259 = tpu.memref_squeeze %dma_wait3A_258 : memref<1x128xi32, #tpu.memory_space<vmem>> -> memref<128xi32, #tpu.memory_space<vmem>>
          %dma_wait3A_260 = arith.constant 0 : i32
          %dma_wait3A_261 = arith.constant 0 : i32
          %dma_wait3A_262 = tpu.memref_slice %arg13[%dma_wait3A_260, %dma_wait3A_261] : memref<10240x128xf32, #tpu.memory_space<vmem_shared>> -> memref<10240x128xf32, #tpu.memory_space<vmem_shared>>
          tpu.wait_indirect_dma semaphore(%run_scoped3A_250 : memref<!tpu.dma_semaphore, #tpu.memory_space<semaphore_mem>>) src(%arg12 : memref<128x128xf32, #tpu.memory_space<vmem>>) dst(%dma_wait3A_262 : memref<10240x128xf32, #tpu.memory_space<vmem_shared>>)
          tpu.yield
        }) : () -> ()
        %dma_start3A_145 = arith.constant 1 : i32
        %dma_start3A_146 = arith.constant 0 : i32
        %dma_start3A_147 = tpu.memref_slice %arg9[%dma_start3A_145, %dma_start3A_146] : memref<8x128xi32, #tpu.memory_space<vmem>> -> memref<1x128xi32, #tpu.memory_space<vmem>>
        %dma_start3A_148 = tpu.memref_squeeze %dma_start3A_147 : memref<1x128xi32, #tpu.memory_space<vmem>> -> memref<128xi32, #tpu.memory_space<vmem>>
        %dma_start3A_149 = arith.constant 0 : i32
        %dma_start3A_150 = arith.constant 0 : i32
        %dma_start3A_151 = tpu.memref_slice %arg2[%dma_start3A_149, %dma_start3A_150] : memref<10000x128xf32, #tpu.memory_space<hbm>> -> memref<10000x128xf32, #tpu.memory_space<hbm>>
        tpu.enqueue_indirect_dma source(%dma_start3A_151 : memref<10000x128xf32, #tpu.memory_space<hbm>>) target(%arg12 : memref<128x128xf32, #tpu.memory_space<vmem>>) offsets(%dma_start3A_148 : memref<128xi32, #tpu.memory_space<vmem>>) semaphore(%arg16 : memref<!tpu.dma_semaphore, #tpu.memory_space<semaphore_mem>>)
        %dma_wait3A_152 = arith.constant 0 : i32
        %dma_wait3A_153 = arith.constant 0 : i32
        %dma_wait3A_154 = tpu.memref_slice %arg2[%dma_wait3A_152, %dma_wait3A_153] : memref<10000x128xf32, #tpu.memory_space<hbm>> -> memref<128x128xf32, #tpu.memory_space<hbm>>
        %dma_wait3A_155 = arith.constant 0 : i32
        %dma_wait3A_156 = arith.constant 0 : i32
        %dma_wait3A_157 = tpu.memref_slice %arg2[%dma_wait3A_155, %dma_wait3A_156] : memref<10000x128xf32, #tpu.memory_space<hbm>> -> memref<128x128xf32, #tpu.memory_space<hbm>>
        tpu.wait_dma2 semaphore(%arg15 : memref<!tpu.dma_semaphore, #tpu.memory_space<semaphore_mem>>) src(%dma_wait3A_157 : memref<128x128xf32, #tpu.memory_space<hbm>>) dst(%arg11 : memref<128x128xf32, #tpu.memory_space<vmem>>)
        %run_scoped3A_158 = arith.constant 0 : i32
        "tpu.region"() ({
          %run_scoped3A_250 = tpu.sem_alloc : memref<!tpu.dma_semaphore, #tpu.memory_space<semaphore_mem>>
          %dma_start3A_251 = arith.constant 0 : i32
          %dma_start3A_252 = tpu.memref_slice %arg10[%run_scoped3A_158, %dma_start3A_251] : memref<8x128xi32, #tpu.memory_space<vmem>> -> memref<1x128xi32, #tpu.memory_space<vmem>>
          %dma_start3A_253 = tpu.memref_squeeze %dma_start3A_252 : memref<1x128xi32, #tpu.memory_space<vmem>> -> memref<128xi32, #tpu.memory_space<vmem>>
          %dma_start3A_254 = arith.constant 0 : i32
          %dma_start3A_255 = arith.constant 0 : i32
          %dma_start3A_256 = tpu.memref_slice %arg13[%dma_start3A_254, %dma_start3A_255] : memref<10240x128xf32, #tpu.memory_space<vmem_shared>> -> memref<10240x128xf32, #tpu.memory_space<vmem_shared>>
          tpu.enqueue_indirect_dma source(%arg11 : memref<128x128xf32, #tpu.memory_space<vmem>>) target(%dma_start3A_256 : memref<10240x128xf32, #tpu.memory_space<vmem_shared>>) offsets(%dma_start3A_253 : memref<128xi32, #tpu.memory_space<vmem>>) semaphore(%run_scoped3A_250 : memref<!tpu.dma_semaphore, #tpu.memory_space<semaphore_mem>>) {add = true}
          %dma_wait3A_257 = arith.constant 0 : i32
          %dma_wait3A_258 = tpu.memref_slice %arg10[%run_scoped3A_158, %dma_wait3A_257] : memref<8x128xi32, #tpu.memory_space<vmem>> -> memref<1x128xi32, #tpu.memory_space<vmem>>
          %dma_wait3A_259 = tpu.memref_squeeze %dma_wait3A_258 : memref<1x128xi32, #tpu.memory_space<vmem>> -> memref<128xi32, #tpu.memory_space<vmem>>
          %dma_wait3A_260 = arith.constant 0 : i32
          %dma_wait3A_261 = arith.constant 0 : i32
          %dma_wait3A_262 = tpu.memref_slice %arg13[%dma_wait3A_260, %dma_wait3A_261] : memref<10240x128xf32, #tpu.memory_space<vmem_shared>> -> memref<10240x128xf32, #tpu.memory_space<vmem_shared>>
          tpu.wait_indirect_dma semaphore(%run_scoped3A_250 : memref<!tpu.dma_semaphore, #tpu.memory_space<semaphore_mem>>) src(%arg11 : memref<128x128xf32, #tpu.memory_space<vmem>>) dst(%dma_wait3A_262 : memref<10240x128xf32, #tpu.memory_space<vmem_shared>>)
          tpu.yield
        }) : () -> ()
        %dma_start3A_159 = arith.constant 2 : i32
        %dma_start3A_160 = arith.constant 0 : i32
        %dma_start3A_161 = tpu.memref_slice %arg9[%dma_start3A_159, %dma_start3A_160] : memref<8x128xi32, #tpu.memory_space<vmem>> -> memref<1x128xi32, #tpu.memory_space<vmem>>
        %dma_start3A_162 = tpu.memref_squeeze %dma_start3A_161 : memref<1x128xi32, #tpu.memory_space<vmem>> -> memref<128xi32, #tpu.memory_space<vmem>>
        %dma_start3A_163 = arith.constant 0 : i32
        %dma_start3A_164 = arith.constant 0 : i32
        %dma_start3A_165 = tpu.memref_slice %arg2[%dma_start3A_163, %dma_start3A_164] : memref<10000x128xf32, #tpu.memory_space<hbm>> -> memref<10000x128xf32, #tpu.memory_space<hbm>>
        tpu.enqueue_indirect_dma source(%dma_start3A_165 : memref<10000x128xf32, #tpu.memory_space<hbm>>) target(%arg11 : memref<128x128xf32, #tpu.memory_space<vmem>>) offsets(%dma_start3A_162 : memref<128xi32, #tpu.memory_space<vmem>>) semaphore(%arg15 : memref<!tpu.dma_semaphore, #tpu.memory_space<semaphore_mem>>)
        %dma_wait3A_166 = arith.constant 0 : i32
        %dma_wait3A_167 = arith.constant 0 : i32
        %dma_wait3A_168 = tpu.memref_slice %arg2[%dma_wait3A_166, %dma_wait3A_167] : memref<10000x128xf32, #tpu.memory_space<hbm>> -> memref<128x128xf32, #tpu.memory_space<hbm>>
        %dma_wait3A_169 = arith.constant 0 : i32
        %dma_wait3A_170 = arith.constant 0 : i32
        %dma_wait3A_171 = tpu.memref_slice %arg2[%dma_wait3A_169, %dma_wait3A_170] : memref<10000x128xf32, #tpu.memory_space<hbm>> -> memref<128x128xf32, #tpu.memory_space<hbm>>
        tpu.wait_dma2 semaphore(%arg16 : memref<!tpu.dma_semaphore, #tpu.memory_space<semaphore_mem>>) src(%dma_wait3A_171 : memref<128x128xf32, #tpu.memory_space<hbm>>) dst(%arg12 : memref<128x128xf32, #tpu.memory_space<vmem>>)
        %run_scoped3A_172 = arith.constant 1 : i32
        "tpu.region"() ({
          %run_scoped3A_250 = tpu.sem_alloc : memref<!tpu.dma_semaphore, #tpu.memory_space<semaphore_mem>>
          %dma_start3A_251 = arith.constant 0 : i32
          %dma_start3A_252 = tpu.memref_slice %arg10[%run_scoped3A_172, %dma_start3A_251] : memref<8x128xi32, #tpu.memory_space<vmem>> -> memref<1x128xi32, #tpu.memory_space<vmem>>
          %dma_start3A_253 = tpu.memref_squeeze %dma_start3A_252 : memref<1x128xi32, #tpu.memory_space<vmem>> -> memref<128xi32, #tpu.memory_space<vmem>>
          %dma_start3A_254 = arith.constant 0 : i32
          %dma_start3A_255 = arith.constant 0 : i32
          %dma_start3A_256 = tpu.memref_slice %arg13[%dma_start3A_254, %dma_start3A_255] : memref<10240x128xf32, #tpu.memory_space<vmem_shared>> -> memref<10240x128xf32, #tpu.memory_space<vmem_shared>>
          tpu.enqueue_indirect_dma source(%arg12 : memref<128x128xf32, #tpu.memory_space<vmem>>) target(%dma_start3A_256 : memref<10240x128xf32, #tpu.memory_space<vmem_shared>>) offsets(%dma_start3A_253 : memref<128xi32, #tpu.memory_space<vmem>>) semaphore(%run_scoped3A_250 : memref<!tpu.dma_semaphore, #tpu.memory_space<semaphore_mem>>) {add = true}
          %dma_wait3A_257 = arith.constant 0 : i32
          %dma_wait3A_258 = tpu.memref_slice %arg10[%run_scoped3A_172, %dma_wait3A_257] : memref<8x128xi32, #tpu.memory_space<vmem>> -> memref<1x128xi32, #tpu.memory_space<vmem>>
          %dma_wait3A_259 = tpu.memref_squeeze %dma_wait3A_258 : memref<1x128xi32, #tpu.memory_space<vmem>> -> memref<128xi32, #tpu.memory_space<vmem>>
          %dma_wait3A_260 = arith.constant 0 : i32
          %dma_wait3A_261 = arith.constant 0 : i32
          %dma_wait3A_262 = tpu.memref_slice %arg13[%dma_wait3A_260, %dma_wait3A_261] : memref<10240x128xf32, #tpu.memory_space<vmem_shared>> -> memref<10240x128xf32, #tpu.memory_space<vmem_shared>>
          tpu.wait_indirect_dma semaphore(%run_scoped3A_250 : memref<!tpu.dma_semaphore, #tpu.memory_space<semaphore_mem>>) src(%arg12 : memref<128x128xf32, #tpu.memory_space<vmem>>) dst(%dma_wait3A_262 : memref<10240x128xf32, #tpu.memory_space<vmem_shared>>)
          tpu.yield
        }) : () -> ()
        %dma_start3A_173 = arith.constant 3 : i32
        %dma_start3A_174 = arith.constant 0 : i32
        %dma_start3A_175 = tpu.memref_slice %arg9[%dma_start3A_173, %dma_start3A_174] : memref<8x128xi32, #tpu.memory_space<vmem>> -> memref<1x128xi32, #tpu.memory_space<vmem>>
        %dma_start3A_176 = tpu.memref_squeeze %dma_start3A_175 : memref<1x128xi32, #tpu.memory_space<vmem>> -> memref<128xi32, #tpu.memory_space<vmem>>
        %dma_start3A_177 = arith.constant 0 : i32
        %dma_start3A_178 = arith.constant 0 : i32
        %dma_start3A_179 = tpu.memref_slice %arg2[%dma_start3A_177, %dma_start3A_178] : memref<10000x128xf32, #tpu.memory_space<hbm>> -> memref<10000x128xf32, #tpu.memory_space<hbm>>
        tpu.enqueue_indirect_dma source(%dma_start3A_179 : memref<10000x128xf32, #tpu.memory_space<hbm>>) target(%arg12 : memref<128x128xf32, #tpu.memory_space<vmem>>) offsets(%dma_start3A_176 : memref<128xi32, #tpu.memory_space<vmem>>) semaphore(%arg16 : memref<!tpu.dma_semaphore, #tpu.memory_space<semaphore_mem>>)
        %dma_wait3A_180 = arith.constant 0 : i32
        %dma_wait3A_181 = arith.constant 0 : i32
        %dma_wait3A_182 = tpu.memref_slice %arg2[%dma_wait3A_180, %dma_wait3A_181] : memref<10000x128xf32, #tpu.memory_space<hbm>> -> memref<128x128xf32, #tpu.memory_space<hbm>>
        %dma_wait3A_183 = arith.constant 0 : i32
        %dma_wait3A_184 = arith.constant 0 : i32
        %dma_wait3A_185 = tpu.memref_slice %arg2[%dma_wait3A_183, %dma_wait3A_184] : memref<10000x128xf32, #tpu.memory_space<hbm>> -> memref<128x128xf32, #tpu.memory_space<hbm>>
        tpu.wait_dma2 semaphore(%arg15 : memref<!tpu.dma_semaphore, #tpu.memory_space<semaphore_mem>>) src(%dma_wait3A_185 : memref<128x128xf32, #tpu.memory_space<hbm>>) dst(%arg11 : memref<128x128xf32, #tpu.memory_space<vmem>>)
        %run_scoped3A_186 = arith.constant 2 : i32
        "tpu.region"() ({
          %run_scoped3A_250 = tpu.sem_alloc : memref<!tpu.dma_semaphore, #tpu.memory_space<semaphore_mem>>
          %dma_start3A_251 = arith.constant 0 : i32
          %dma_start3A_252 = tpu.memref_slice %arg10[%run_scoped3A_186, %dma_start3A_251] : memref<8x128xi32, #tpu.memory_space<vmem>> -> memref<1x128xi32, #tpu.memory_space<vmem>>
          %dma_start3A_253 = tpu.memref_squeeze %dma_start3A_252 : memref<1x128xi32, #tpu.memory_space<vmem>> -> memref<128xi32, #tpu.memory_space<vmem>>
          %dma_start3A_254 = arith.constant 0 : i32
          %dma_start3A_255 = arith.constant 0 : i32
          %dma_start3A_256 = tpu.memref_slice %arg13[%dma_start3A_254, %dma_start3A_255] : memref<10240x128xf32, #tpu.memory_space<vmem_shared>> -> memref<10240x128xf32, #tpu.memory_space<vmem_shared>>
          tpu.enqueue_indirect_dma source(%arg11 : memref<128x128xf32, #tpu.memory_space<vmem>>) target(%dma_start3A_256 : memref<10240x128xf32, #tpu.memory_space<vmem_shared>>) offsets(%dma_start3A_253 : memref<128xi32, #tpu.memory_space<vmem>>) semaphore(%run_scoped3A_250 : memref<!tpu.dma_semaphore, #tpu.memory_space<semaphore_mem>>) {add = true}
          %dma_wait3A_257 = arith.constant 0 : i32
          %dma_wait3A_258 = tpu.memref_slice %arg10[%run_scoped3A_186, %dma_wait3A_257] : memref<8x128xi32, #tpu.memory_space<vmem>> -> memref<1x128xi32, #tpu.memory_space<vmem>>
          %dma_wait3A_259 = tpu.memref_squeeze %dma_wait3A_258 : memref<1x128xi32, #tpu.memory_space<vmem>> -> memref<128xi32, #tpu.memory_space<vmem>>
          %dma_wait3A_260 = arith.constant 0 : i32
          %dma_wait3A_261 = arith.constant 0 : i32
          %dma_wait3A_262 = tpu.memref_slice %arg13[%dma_wait3A_260, %dma_wait3A_261] : memref<10240x128xf32, #tpu.memory_space<vmem_shared>> -> memref<10240x128xf32, #tpu.memory_space<vmem_shared>>
          tpu.wait_indirect_dma semaphore(%run_scoped3A_250 : memref<!tpu.dma_semaphore, #tpu.memory_space<semaphore_mem>>) src(%arg11 : memref<128x128xf32, #tpu.memory_space<vmem>>) dst(%dma_wait3A_262 : memref<10240x128xf32, #tpu.memory_space<vmem_shared>>)
          tpu.yield
        }) : () -> ()
        %dma_start3A_187 = arith.constant 4 : i32
        %dma_start3A_188 = arith.constant 0 : i32
        %dma_start3A_189 = tpu.memref_slice %arg9[%dma_start3A_187, %dma_start3A_188] : memref<8x128xi32, #tpu.memory_space<vmem>> -> memref<1x128xi32, #tpu.memory_space<vmem>>
        %dma_start3A_190 = tpu.memref_squeeze %dma_start3A_189 : memref<1x128xi32, #tpu.memory_space<vmem>> -> memref<128xi32, #tpu.memory_space<vmem>>
        %dma_start3A_191 = arith.constant 0 : i32
        %dma_start3A_192 = arith.constant 0 : i32
        %dma_start3A_193 = tpu.memref_slice %arg2[%dma_start3A_191, %dma_start3A_192] : memref<10000x128xf32, #tpu.memory_space<hbm>> -> memref<10000x128xf32, #tpu.memory_space<hbm>>
        tpu.enqueue_indirect_dma source(%dma_start3A_193 : memref<10000x128xf32, #tpu.memory_space<hbm>>) target(%arg11 : memref<128x128xf32, #tpu.memory_space<vmem>>) offsets(%dma_start3A_190 : memref<128xi32, #tpu.memory_space<vmem>>) semaphore(%arg15 : memref<!tpu.dma_semaphore, #tpu.memory_space<semaphore_mem>>)
        %dma_wait3A_194 = arith.constant 0 : i32
        %dma_wait3A_195 = arith.constant 0 : i32
        %dma_wait3A_196 = tpu.memref_slice %arg2[%dma_wait3A_194, %dma_wait3A_195] : memref<10000x128xf32, #tpu.memory_space<hbm>> -> memref<128x128xf32, #tpu.memory_space<hbm>>
        %dma_wait3A_197 = arith.constant 0 : i32
        %dma_wait3A_198 = arith.constant 0 : i32
        %dma_wait3A_199 = tpu.memref_slice %arg2[%dma_wait3A_197, %dma_wait3A_198] : memref<10000x128xf32, #tpu.memory_space<hbm>> -> memref<128x128xf32, #tpu.memory_space<hbm>>
        tpu.wait_dma2 semaphore(%arg16 : memref<!tpu.dma_semaphore, #tpu.memory_space<semaphore_mem>>) src(%dma_wait3A_199 : memref<128x128xf32, #tpu.memory_space<hbm>>) dst(%arg12 : memref<128x128xf32, #tpu.memory_space<vmem>>)
        %run_scoped3A_200 = arith.constant 3 : i32
        "tpu.region"() ({
          %run_scoped3A_250 = tpu.sem_alloc : memref<!tpu.dma_semaphore, #tpu.memory_space<semaphore_mem>>
          %dma_start3A_251 = arith.constant 0 : i32
          %dma_start3A_252 = tpu.memref_slice %arg10[%run_scoped3A_200, %dma_start3A_251] : memref<8x128xi32, #tpu.memory_space<vmem>> -> memref<1x128xi32, #tpu.memory_space<vmem>>
          %dma_start3A_253 = tpu.memref_squeeze %dma_start3A_252 : memref<1x128xi32, #tpu.memory_space<vmem>> -> memref<128xi32, #tpu.memory_space<vmem>>
          %dma_start3A_254 = arith.constant 0 : i32
          %dma_start3A_255 = arith.constant 0 : i32
          %dma_start3A_256 = tpu.memref_slice %arg13[%dma_start3A_254, %dma_start3A_255] : memref<10240x128xf32, #tpu.memory_space<vmem_shared>> -> memref<10240x128xf32, #tpu.memory_space<vmem_shared>>
          tpu.enqueue_indirect_dma source(%arg12 : memref<128x128xf32, #tpu.memory_space<vmem>>) target(%dma_start3A_256 : memref<10240x128xf32, #tpu.memory_space<vmem_shared>>) offsets(%dma_start3A_253 : memref<128xi32, #tpu.memory_space<vmem>>) semaphore(%run_scoped3A_250 : memref<!tpu.dma_semaphore, #tpu.memory_space<semaphore_mem>>) {add = true}
          %dma_wait3A_257 = arith.constant 0 : i32
          %dma_wait3A_258 = tpu.memref_slice %arg10[%run_scoped3A_200, %dma_wait3A_257] : memref<8x128xi32, #tpu.memory_space<vmem>> -> memref<1x128xi32, #tpu.memory_space<vmem>>
          %dma_wait3A_259 = tpu.memref_squeeze %dma_wait3A_258 : memref<1x128xi32, #tpu.memory_space<vmem>> -> memref<128xi32, #tpu.memory_space<vmem>>
          %dma_wait3A_260 = arith.constant 0 : i32
          %dma_wait3A_261 = arith.constant 0 : i32
          %dma_wait3A_262 = tpu.memref_slice %arg13[%dma_wait3A_260, %dma_wait3A_261] : memref<10240x128xf32, #tpu.memory_space<vmem_shared>> -> memref<10240x128xf32, #tpu.memory_space<vmem_shared>>
          tpu.wait_indirect_dma semaphore(%run_scoped3A_250 : memref<!tpu.dma_semaphore, #tpu.memory_space<semaphore_mem>>) src(%arg12 : memref<128x128xf32, #tpu.memory_space<vmem>>) dst(%dma_wait3A_262 : memref<10240x128xf32, #tpu.memory_space<vmem_shared>>)
          tpu.yield
        }) : () -> ()
        %dma_start3A_201 = arith.constant 5 : i32
        %dma_start3A_202 = arith.constant 0 : i32
        %dma_start3A_203 = tpu.memref_slice %arg9[%dma_start3A_201, %dma_start3A_202] : memref<8x128xi32, #tpu.memory_space<vmem>> -> memref<1x128xi32, #tpu.memory_space<vmem>>
        %dma_start3A_204 = tpu.memref_squeeze %dma_start3A_203 : memref<1x128xi32, #tpu.memory_space<vmem>> -> memref<128xi32, #tpu.memory_space<vmem>>
        %dma_start3A_205 = arith.constant 0 : i32
        %dma_start3A_206 = arith.constant 0 : i32
        %dma_start3A_207 = tpu.memref_slice %arg2[%dma_start3A_205, %dma_start3A_206] : memref<10000x128xf32, #tpu.memory_space<hbm>> -> memref<10000x128xf32, #tpu.memory_space<hbm>>
        tpu.enqueue_indirect_dma source(%dma_start3A_207 : memref<10000x128xf32, #tpu.memory_space<hbm>>) target(%arg12 : memref<128x128xf32, #tpu.memory_space<vmem>>) offsets(%dma_start3A_204 : memref<128xi32, #tpu.memory_space<vmem>>) semaphore(%arg16 : memref<!tpu.dma_semaphore, #tpu.memory_space<semaphore_mem>>)
        %dma_wait3A_208 = arith.constant 0 : i32
        %dma_wait3A_209 = arith.constant 0 : i32
        %dma_wait3A_210 = tpu.memref_slice %arg2[%dma_wait3A_208, %dma_wait3A_209] : memref<10000x128xf32, #tpu.memory_space<hbm>> -> memref<128x128xf32, #tpu.memory_space<hbm>>
        %dma_wait3A_211 = arith.constant 0 : i32
        %dma_wait3A_212 = arith.constant 0 : i32
        %dma_wait3A_213 = tpu.memref_slice %arg2[%dma_wait3A_211, %dma_wait3A_212] : memref<10000x128xf32, #tpu.memory_space<hbm>> -> memref<128x128xf32, #tpu.memory_space<hbm>>
        tpu.wait_dma2 semaphore(%arg15 : memref<!tpu.dma_semaphore, #tpu.memory_space<semaphore_mem>>) src(%dma_wait3A_213 : memref<128x128xf32, #tpu.memory_space<hbm>>) dst(%arg11 : memref<128x128xf32, #tpu.memory_space<vmem>>)
        %run_scoped3A_214 = arith.constant 4 : i32
        "tpu.region"() ({
          %run_scoped3A_250 = tpu.sem_alloc : memref<!tpu.dma_semaphore, #tpu.memory_space<semaphore_mem>>
          %dma_start3A_251 = arith.constant 0 : i32
          %dma_start3A_252 = tpu.memref_slice %arg10[%run_scoped3A_214, %dma_start3A_251] : memref<8x128xi32, #tpu.memory_space<vmem>> -> memref<1x128xi32, #tpu.memory_space<vmem>>
          %dma_start3A_253 = tpu.memref_squeeze %dma_start3A_252 : memref<1x128xi32, #tpu.memory_space<vmem>> -> memref<128xi32, #tpu.memory_space<vmem>>
          %dma_start3A_254 = arith.constant 0 : i32
          %dma_start3A_255 = arith.constant 0 : i32
          %dma_start3A_256 = tpu.memref_slice %arg13[%dma_start3A_254, %dma_start3A_255] : memref<10240x128xf32, #tpu.memory_space<vmem_shared>> -> memref<10240x128xf32, #tpu.memory_space<vmem_shared>>
          tpu.enqueue_indirect_dma source(%arg11 : memref<128x128xf32, #tpu.memory_space<vmem>>) target(%dma_start3A_256 : memref<10240x128xf32, #tpu.memory_space<vmem_shared>>) offsets(%dma_start3A_253 : memref<128xi32, #tpu.memory_space<vmem>>) semaphore(%run_scoped3A_250 : memref<!tpu.dma_semaphore, #tpu.memory_space<semaphore_mem>>) {add = true}
          %dma_wait3A_257 = arith.constant 0 : i32
          %dma_wait3A_258 = tpu.memref_slice %arg10[%run_scoped3A_214, %dma_wait3A_257] : memref<8x128xi32, #tpu.memory_space<vmem>> -> memref<1x128xi32, #tpu.memory_space<vmem>>
          %dma_wait3A_259 = tpu.memref_squeeze %dma_wait3A_258 : memref<1x128xi32, #tpu.memory_space<vmem>> -> memref<128xi32, #tpu.memory_space<vmem>>
          %dma_wait3A_260 = arith.constant 0 : i32
          %dma_wait3A_261 = arith.constant 0 : i32
          %dma_wait3A_262 = tpu.memref_slice %arg13[%dma_wait3A_260, %dma_wait3A_261] : memref<10240x128xf32, #tpu.memory_space<vmem_shared>> -> memref<10240x128xf32, #tpu.memory_space<vmem_shared>>
          tpu.wait_indirect_dma semaphore(%run_scoped3A_250 : memref<!tpu.dma_semaphore, #tpu.memory_space<semaphore_mem>>) src(%arg11 : memref<128x128xf32, #tpu.memory_space<vmem>>) dst(%dma_wait3A_262 : memref<10240x128xf32, #tpu.memory_space<vmem_shared>>)
          tpu.yield
        }) : () -> ()
        %dma_start3A_215 = arith.constant 6 : i32
        %dma_start3A_216 = arith.constant 0 : i32
        %dma_start3A_217 = tpu.memref_slice %arg9[%dma_start3A_215, %dma_start3A_216] : memref<8x128xi32, #tpu.memory_space<vmem>> -> memref<1x128xi32, #tpu.memory_space<vmem>>
        %dma_start3A_218 = tpu.memref_squeeze %dma_start3A_217 : memref<1x128xi32, #tpu.memory_space<vmem>> -> memref<128xi32, #tpu.memory_space<vmem>>
        %dma_start3A_219 = arith.constant 0 : i32
        %dma_start3A_220 = arith.constant 0 : i32
        %dma_start3A_221 = tpu.memref_slice %arg2[%dma_start3A_219, %dma_start3A_220] : memref<10000x128xf32, #tpu.memory_space<hbm>> -> memref<10000x128xf32, #tpu.memory_space<hbm>>
        tpu.enqueue_indirect_dma source(%dma_start3A_221 : memref<10000x128xf32, #tpu.memory_space<hbm>>) target(%arg11 : memref<128x128xf32, #tpu.memory_space<vmem>>) offsets(%dma_start3A_218 : memref<128xi32, #tpu.memory_space<vmem>>) semaphore(%arg15 : memref<!tpu.dma_semaphore, #tpu.memory_space<semaphore_mem>>)
        %dma_wait3A_222 = arith.constant 0 : i32
        %dma_wait3A_223 = arith.constant 0 : i32
        %dma_wait3A_224 = tpu.memref_slice %arg2[%dma_wait3A_222, %dma_wait3A_223] : memref<10000x128xf32, #tpu.memory_space<hbm>> -> memref<128x128xf32, #tpu.memory_space<hbm>>
        %dma_wait3A_225 = arith.constant 0 : i32
        %dma_wait3A_226 = arith.constant 0 : i32
        %dma_wait3A_227 = tpu.memref_slice %arg2[%dma_wait3A_225, %dma_wait3A_226] : memref<10000x128xf32, #tpu.memory_space<hbm>> -> memref<128x128xf32, #tpu.memory_space<hbm>>
        tpu.wait_dma2 semaphore(%arg16 : memref<!tpu.dma_semaphore, #tpu.memory_space<semaphore_mem>>) src(%dma_wait3A_227 : memref<128x128xf32, #tpu.memory_space<hbm>>) dst(%arg12 : memref<128x128xf32, #tpu.memory_space<vmem>>)
        %run_scoped3A_228 = arith.constant 5 : i32
        "tpu.region"() ({
          %run_scoped3A_250 = tpu.sem_alloc : memref<!tpu.dma_semaphore, #tpu.memory_space<semaphore_mem>>
          %dma_start3A_251 = arith.constant 0 : i32
          %dma_start3A_252 = tpu.memref_slice %arg10[%run_scoped3A_228, %dma_start3A_251] : memref<8x128xi32, #tpu.memory_space<vmem>> -> memref<1x128xi32, #tpu.memory_space<vmem>>
          %dma_start3A_253 = tpu.memref_squeeze %dma_start3A_252 : memref<1x128xi32, #tpu.memory_space<vmem>> -> memref<128xi32, #tpu.memory_space<vmem>>
          %dma_start3A_254 = arith.constant 0 : i32
          %dma_start3A_255 = arith.constant 0 : i32
          %dma_start3A_256 = tpu.memref_slice %arg13[%dma_start3A_254, %dma_start3A_255] : memref<10240x128xf32, #tpu.memory_space<vmem_shared>> -> memref<10240x128xf32, #tpu.memory_space<vmem_shared>>
          tpu.enqueue_indirect_dma source(%arg12 : memref<128x128xf32, #tpu.memory_space<vmem>>) target(%dma_start3A_256 : memref<10240x128xf32, #tpu.memory_space<vmem_shared>>) offsets(%dma_start3A_253 : memref<128xi32, #tpu.memory_space<vmem>>) semaphore(%run_scoped3A_250 : memref<!tpu.dma_semaphore, #tpu.memory_space<semaphore_mem>>) {add = true}
          %dma_wait3A_257 = arith.constant 0 : i32
          %dma_wait3A_258 = tpu.memref_slice %arg10[%run_scoped3A_228, %dma_wait3A_257] : memref<8x128xi32, #tpu.memory_space<vmem>> -> memref<1x128xi32, #tpu.memory_space<vmem>>
          %dma_wait3A_259 = tpu.memref_squeeze %dma_wait3A_258 : memref<1x128xi32, #tpu.memory_space<vmem>> -> memref<128xi32, #tpu.memory_space<vmem>>
          %dma_wait3A_260 = arith.constant 0 : i32
          %dma_wait3A_261 = arith.constant 0 : i32
          %dma_wait3A_262 = tpu.memref_slice %arg13[%dma_wait3A_260, %dma_wait3A_261] : memref<10240x128xf32, #tpu.memory_space<vmem_shared>> -> memref<10240x128xf32, #tpu.memory_space<vmem_shared>>
          tpu.wait_indirect_dma semaphore(%run_scoped3A_250 : memref<!tpu.dma_semaphore, #tpu.memory_space<semaphore_mem>>) src(%arg12 : memref<128x128xf32, #tpu.memory_space<vmem>>) dst(%dma_wait3A_262 : memref<10240x128xf32, #tpu.memory_space<vmem_shared>>)
          tpu.yield
        }) : () -> ()
        %dma_start3A_229 = arith.constant 7 : i32
        %dma_start3A_230 = arith.constant 0 : i32
        %dma_start3A_231 = tpu.memref_slice %arg9[%dma_start3A_229, %dma_start3A_230] : memref<8x128xi32, #tpu.memory_space<vmem>> -> memref<1x128xi32, #tpu.memory_space<vmem>>
        %dma_start3A_232 = tpu.memref_squeeze %dma_start3A_231 : memref<1x128xi32, #tpu.memory_space<vmem>> -> memref<128xi32, #tpu.memory_space<vmem>>
        %dma_start3A_233 = arith.constant 0 : i32
        %dma_start3A_234 = arith.constant 0 : i32
        %dma_start3A_235 = tpu.memref_slice %arg2[%dma_start3A_233, %dma_start3A_234] : memref<10000x128xf32, #tpu.memory_space<hbm>> -> memref<10000x128xf32, #tpu.memory_space<hbm>>
        tpu.enqueue_indirect_dma source(%dma_start3A_235 : memref<10000x128xf32, #tpu.memory_space<hbm>>) target(%arg12 : memref<128x128xf32, #tpu.memory_space<vmem>>) offsets(%dma_start3A_232 : memref<128xi32, #tpu.memory_space<vmem>>) semaphore(%arg16 : memref<!tpu.dma_semaphore, #tpu.memory_space<semaphore_mem>>)
        %dma_wait3A_236 = arith.constant 0 : i32
        %dma_wait3A_237 = arith.constant 0 : i32
        %dma_wait3A_238 = tpu.memref_slice %arg2[%dma_wait3A_236, %dma_wait3A_237] : memref<10000x128xf32, #tpu.memory_space<hbm>> -> memref<128x128xf32, #tpu.memory_space<hbm>>
        %dma_wait3A_239 = arith.constant 0 : i32
        %dma_wait3A_240 = arith.constant 0 : i32
        %dma_wait3A_241 = tpu.memref_slice %arg2[%dma_wait3A_239, %dma_wait3A_240] : memref<10000x128xf32, #tpu.memory_space<hbm>> -> memref<128x128xf32, #tpu.memory_space<hbm>>
        tpu.wait_dma2 semaphore(%arg15 : memref<!tpu.dma_semaphore, #tpu.memory_space<semaphore_mem>>) src(%dma_wait3A_241 : memref<128x128xf32, #tpu.memory_space<hbm>>) dst(%arg11 : memref<128x128xf32, #tpu.memory_space<vmem>>)
        %run_scoped3A_242 = arith.constant 6 : i32
        "tpu.region"() ({
          %run_scoped3A_250 = tpu.sem_alloc : memref<!tpu.dma_semaphore, #tpu.memory_space<semaphore_mem>>
          %dma_start3A_251 = arith.constant 0 : i32
          %dma_start3A_252 = tpu.memref_slice %arg10[%run_scoped3A_242, %dma_start3A_251] : memref<8x128xi32, #tpu.memory_space<vmem>> -> memref<1x128xi32, #tpu.memory_space<vmem>>
          %dma_start3A_253 = tpu.memref_squeeze %dma_start3A_252 : memref<1x128xi32, #tpu.memory_space<vmem>> -> memref<128xi32, #tpu.memory_space<vmem>>
          %dma_start3A_254 = arith.constant 0 : i32
          %dma_start3A_255 = arith.constant 0 : i32
          %dma_start3A_256 = tpu.memref_slice %arg13[%dma_start3A_254, %dma_start3A_255] : memref<10240x128xf32, #tpu.memory_space<vmem_shared>> -> memref<10240x128xf32, #tpu.memory_space<vmem_shared>>
          tpu.enqueue_indirect_dma source(%arg11 : memref<128x128xf32, #tpu.memory_space<vmem>>) target(%dma_start3A_256 : memref<10240x128xf32, #tpu.memory_space<vmem_shared>>) offsets(%dma_start3A_253 : memref<128xi32, #tpu.memory_space<vmem>>) semaphore(%run_scoped3A_250 : memref<!tpu.dma_semaphore, #tpu.memory_space<semaphore_mem>>) {add = true}
          %dma_wait3A_257 = arith.constant 0 : i32
          %dma_wait3A_258 = tpu.memref_slice %arg10[%run_scoped3A_242, %dma_wait3A_257] : memref<8x128xi32, #tpu.memory_space<vmem>> -> memref<1x128xi32, #tpu.memory_space<vmem>>
          %dma_wait3A_259 = tpu.memref_squeeze %dma_wait3A_258 : memref<1x128xi32, #tpu.memory_space<vmem>> -> memref<128xi32, #tpu.memory_space<vmem>>
          %dma_wait3A_260 = arith.constant 0 : i32
          %dma_wait3A_261 = arith.constant 0 : i32
          %dma_wait3A_262 = tpu.memref_slice %arg13[%dma_wait3A_260, %dma_wait3A_261] : memref<10240x128xf32, #tpu.memory_space<vmem_shared>> -> memref<10240x128xf32, #tpu.memory_space<vmem_shared>>
          tpu.wait_indirect_dma semaphore(%run_scoped3A_250 : memref<!tpu.dma_semaphore, #tpu.memory_space<semaphore_mem>>) src(%arg11 : memref<128x128xf32, #tpu.memory_space<vmem>>) dst(%dma_wait3A_262 : memref<10240x128xf32, #tpu.memory_space<vmem_shared>>)
          tpu.yield
        }) : () -> ()
        %dma_wait3A_243 = arith.constant 0 : i32
        %dma_wait3A_244 = arith.constant 0 : i32
        %dma_wait3A_245 = tpu.memref_slice %arg2[%dma_wait3A_243, %dma_wait3A_244] : memref<10000x128xf32, #tpu.memory_space<hbm>> -> memref<128x128xf32, #tpu.memory_space<hbm>>
        %dma_wait3A_246 = arith.constant 0 : i32
        %dma_wait3A_247 = arith.constant 0 : i32
        %dma_wait3A_248 = tpu.memref_slice %arg2[%dma_wait3A_246, %dma_wait3A_247] : memref<10000x128xf32, #tpu.memory_space<hbm>> -> memref<128x128xf32, #tpu.memory_space<hbm>>
        tpu.wait_dma2 semaphore(%arg16 : memref<!tpu.dma_semaphore, #tpu.memory_space<semaphore_mem>>) src(%dma_wait3A_248 : memref<128x128xf32, #tpu.memory_space<hbm>>) dst(%arg12 : memref<128x128xf32, #tpu.memory_space<vmem>>)
        %run_scoped3A_249 = arith.constant 7 : i32
        "tpu.region"() ({
          %run_scoped3A_250 = tpu.sem_alloc : memref<!tpu.dma_semaphore, #tpu.memory_space<semaphore_mem>>
          %dma_start3A_251 = arith.constant 0 : i32
          %dma_start3A_252 = tpu.memref_slice %arg10[%run_scoped3A_249, %dma_start3A_251] : memref<8x128xi32, #tpu.memory_space<vmem>> -> memref<1x128xi32, #tpu.memory_space<vmem>>
          %dma_start3A_253 = tpu.memref_squeeze %dma_start3A_252 : memref<1x128xi32, #tpu.memory_space<vmem>> -> memref<128xi32, #tpu.memory_space<vmem>>
          %dma_start3A_254 = arith.constant 0 : i32
          %dma_start3A_255 = arith.constant 0 : i32
          %dma_start3A_256 = tpu.memref_slice %arg13[%dma_start3A_254, %dma_start3A_255] : memref<10240x128xf32, #tpu.memory_space<vmem_shared>> -> memref<10240x128xf32, #tpu.memory_space<vmem_shared>>
          tpu.enqueue_indirect_dma source(%arg12 : memref<128x128xf32, #tpu.memory_space<vmem>>) target(%dma_start3A_256 : memref<10240x128xf32, #tpu.memory_space<vmem_shared>>) offsets(%dma_start3A_253 : memref<128xi32, #tpu.memory_space<vmem>>) semaphore(%run_scoped3A_250 : memref<!tpu.dma_semaphore, #tpu.memory_space<semaphore_mem>>) {add = true}
          %dma_wait3A_257 = arith.constant 0 : i32
          %dma_wait3A_258 = tpu.memref_slice %arg10[%run_scoped3A_249, %dma_wait3A_257] : memref<8x128xi32, #tpu.memory_space<vmem>> -> memref<1x128xi32, #tpu.memory_space<vmem>>
          %dma_wait3A_259 = tpu.memref_squeeze %dma_wait3A_258 : memref<1x128xi32, #tpu.memory_space<vmem>> -> memref<128xi32, #tpu.memory_space<vmem>>
          %dma_wait3A_260 = arith.constant 0 : i32
          %dma_wait3A_261 = arith.constant 0 : i32
          %dma_wait3A_262 = tpu.memref_slice %arg13[%dma_wait3A_260, %dma_wait3A_261] : memref<10240x128xf32, #tpu.memory_space<vmem_shared>> -> memref<10240x128xf32, #tpu.memory_space<vmem_shared>>
          tpu.wait_indirect_dma semaphore(%run_scoped3A_250 : memref<!tpu.dma_semaphore, #tpu.memory_space<semaphore_mem>>) src(%arg12 : memref<128x128xf32, #tpu.memory_space<vmem>>) dst(%dma_wait3A_262 : memref<10240x128xf32, #tpu.memory_space<vmem_shared>>)
          tpu.yield
        }) : () -> ()
      } else {
      }
    }
    %scan3A_7 = arith.constant 10 : i32
    "tpu.trace_stop"() : () -> ()
    "tpu.trace_start"() <{level = 10 : i32, message = "msg_tail"}> : () -> ()
    %barrier3A_8 = arith.constant 0 : index
    tpu.barrier barrier_id(%barrier3A_8)
    %mul3A_9 = arith.constant 640 : i32
    %mul3A_10 = arith.muli %arg1, %mul3A_9 : i32
    %mul3A_11 = arith.constant 640 : i32
    %mul3A_12 = arith.muli %arg1, %mul3A_11 : i32
    "tpu.region"() ({
      %run_scoped3A = tpu.sem_alloc : memref<!tpu.dma_semaphore, #tpu.memory_space<semaphore_mem>>
      %dma_start3A = arith.constant 0 : i32
      %dma_start3A_13 = tpu.memref_slice %arg6[%arg0, %mul3A_12, %dma_start3A] : memref<2x10240x128xf32, #tpu.memory_space<hbm>> -> memref<1x640x128xf32, #tpu.memory_space<hbm>>
      %dma_start3A_14 = tpu.memref_squeeze %dma_start3A_13 : memref<1x640x128xf32, #tpu.memory_space<hbm>> -> memref<640x128xf32, #tpu.memory_space<hbm>>
      %dma_start3A_15 = arith.constant 0 : i32
      %dma_start3A_16 = tpu.memref_slice %arg13[%mul3A_10, %dma_start3A_15] : memref<10240x128xf32, #tpu.memory_space<vmem_shared>> -> memref<640x128xf32, #tpu.memory_space<vmem_shared>>
      tpu.enqueue_dma source(%dma_start3A_16 : memref<640x128xf32, #tpu.memory_space<vmem_shared>>) target(%dma_start3A_14 : memref<640x128xf32, #tpu.memory_space<hbm>>) target_semaphore(%run_scoped3A : memref<!tpu.dma_semaphore, #tpu.memory_space<semaphore_mem>>)
      %dma_wait3A = arith.constant 0 : i32
      %dma_wait3A_17 = tpu.memref_slice %arg6[%arg0, %mul3A_12, %dma_wait3A] : memref<2x10240x128xf32, #tpu.memory_space<hbm>> -> memref<1x640x128xf32, #tpu.memory_space<hbm>>
      %dma_wait3A_18 = tpu.memref_squeeze %dma_wait3A_17 : memref<1x640x128xf32, #tpu.memory_space<hbm>> -> memref<640x128xf32, #tpu.memory_space<hbm>>
      %dma_wait3A_19 = arith.constant 0 : i32
      %dma_wait3A_20 = tpu.memref_slice %arg13[%mul3A_10, %dma_wait3A_19] : memref<10240x128xf32, #tpu.memory_space<vmem_shared>> -> memref<640x128xf32, #tpu.memory_space<vmem_shared>>
      tpu.wait_dma2 semaphore(%run_scoped3A : memref<!tpu.dma_semaphore, #tpu.memory_space<semaphore_mem>>) src(%dma_wait3A_20 : memref<640x128xf32, #tpu.memory_space<vmem_shared>>) dst(%dma_wait3A_18 : memref<640x128xf32, #tpu.memory_space<hbm>>)
      tpu.yield
    }) : () -> ()
    "tpu.trace_stop"() : () -> ()
    return
  }
}

#map = affine_map<(d0, d1) -> (0, 0)>
#map1 = affine_map<(d0, d1) -> (0, 0, 0)>
module attributes {stable_mosaic.version = 14 : i64} {
  func.func @_msg_body(%arg0: i32, %arg1: i32, %arg2: memref<10000x128xf32, #tpu.memory_space<hbm>>, %arg3: memref<2560x128xi32, #tpu.memory_space<hbm>>, %arg4: memref<2560x128xi32, #tpu.memory_space<hbm>>, %arg5: memref<640x128xf32, #tpu.memory_space<hbm>>, %arg6: memref<2x10240x128xf32, #tpu.memory_space<hbm>>, %arg7: memref<8x128xi32, #tpu.memory_space<vmem>>, %arg8: memref<8x128xi32, #tpu.memory_space<vmem>>, %arg9: memref<8x128xi32, #tpu.memory_space<vmem>>, %arg10: memref<8x128xi32, #tpu.memory_space<vmem>>, %arg11: memref<128x128xf32, #tpu.memory_space<vmem>>, %arg12: memref<128x128xf32, #tpu.memory_space<vmem>>, %arg13: memref<10240x128xf32, #tpu.memory_space<vmem_shared>>, %arg14: memref<1xi32, #tpu.memory_space<smem>>, %arg15: memref<!tpu.dma_semaphore, #tpu.memory_space<semaphore_mem>>, %arg16: memref<!tpu.dma_semaphore, #tpu.memory_space<semaphore_mem>>) attributes {dimension_semantics = [#tpu.dimension_semantics<core_parallel>, #tpu.dimension_semantics<subcore_parallel>], iteration_bounds = array<i64: 2, 16>, scalar_prefetch = 0 : i64, scratch_operands = 10 : i64, tpu.core_type = #tpu.core_type<sc_vector_subcore>, window_params = [{transform_indices = #map}, {transform_indices = #map}, {transform_indices = #map}, {transform_indices = #map}, {transform_indices = #map1}]} {
    %eq3A = arith.constant 0 : i32
    %eq3A_0 = arith.cmpi eq, %arg1, %eq3A : i32
    %convert_element_type3A = arith.extui %eq3A_0 : i1 to i32
    %cond3A = arith.constant 0 : i32
    %cond3A_1 = arith.cmpi ne, %convert_element_type3A, %cond3A : i32
    scf.if %cond3A_1 {
      %swap3A = arith.constant 0 : i32
      %swap3A_13 = arith.constant 0 : i32
      %swap3A_14 = arith.index_cast %swap3A_13 : i32 to index
      %swap3A_15 = memref.load %arg14[%swap3A_14] : memref<1xi32, #tpu.memory_space<smem>>
      memref.store %swap3A, %arg14[%swap3A_14] : memref<1xi32, #tpu.memory_space<smem>>
    } else {
    }
    "tpu.trace_start"() <{level = 10 : i32, message = "msg_zero"}> : () -> ()
    %mul3A = arith.constant 640 : i32
    %mul3A_2 = arith.muli %arg1, %mul3A : i32
    "tpu.region"() ({
      %run_scoped3A = tpu.sem_alloc : memref<!tpu.dma_semaphore, #tpu.memory_space<semaphore_mem>>
      %dma_start3A = arith.constant 0 : i32
      %dma_start3A_13 = tpu.memref_slice %arg13[%mul3A_2, %dma_start3A] : memref<10240x128xf32, #tpu.memory_space<vmem_shared>> -> memref<640x128xf32, #tpu.memory_space<vmem_shared>>
      tpu.enqueue_dma source(%arg5 : memref<640x128xf32, #tpu.memory_space<hbm>>) target(%dma_start3A_13 : memref<640x128xf32, #tpu.memory_space<vmem_shared>>) target_semaphore(%run_scoped3A : memref<!tpu.dma_semaphore, #tpu.memory_space<semaphore_mem>>)
      %dma_wait3A = arith.constant 0 : i32
      %dma_wait3A_14 = tpu.memref_slice %arg13[%mul3A_2, %dma_wait3A] : memref<10240x128xf32, #tpu.memory_space<vmem_shared>> -> memref<640x128xf32, #tpu.memory_space<vmem_shared>>
      tpu.wait_dma2 semaphore(%run_scoped3A : memref<!tpu.dma_semaphore, #tpu.memory_space<semaphore_mem>>) src(%arg5 : memref<640x128xf32, #tpu.memory_space<hbm>>) dst(%dma_wait3A_14 : memref<640x128xf32, #tpu.memory_space<vmem_shared>>)
      tpu.yield
    }) : () -> ()
    %barrier3A = arith.constant 0 : index
    tpu.barrier barrier_id(%barrier3A)
    "tpu.trace_stop"() : () -> ()
    "tpu.trace_start"() <{level = 10 : i32, message = "msg_loop"}> : () -> ()
    %scan3A = arith.constant 0 : i32
    %scan3A_3 = arith.constant 0 : i32
    %scan3A_4 = arith.constant 10 : i32
    %scan3A_5 = arith.addi %scan3A_3, %scan3A_4 : i32
    %scan3A_6 = arith.constant 1 : i32
    scf.for %scan3A_13 = %scan3A_3 to %scan3A_5 step %scan3A_6  : i32 {
      %sc_fetch_and_add3A = arith.constant 1 : i32
      %sc_fetch_and_add3A_14 = arith.constant 0 : i32
      %sc_fetch_and_add3A_15 = arith.constant 0 : i32
      %sc_fetch_and_add3A_16 = tpu.fetch_and_add_sync %arg14[%sc_fetch_and_add3A_14], %sc_fetch_and_add3A, %sc_fetch_and_add3A_15 : memref<1xi32, #tpu.memory_space<smem>>, i32 -> i32
      %lt3A = arith.constant 80 : i32
      %lt3A_17 = arith.cmpi slt, %sc_fetch_and_add3A_16, %lt3A : i32
      %convert_element_type3A_18 = arith.extui %lt3A_17 : i1 to i32
      %cond3A_19 = arith.constant 0 : i32
      %cond3A_20 = arith.cmpi ne, %convert_element_type3A_18, %cond3A_19 : i32
      scf.if %cond3A_20 {
        %mul3A_21 = arith.constant 1280 : i32
        %mul3A_22 = arith.muli %arg0, %mul3A_21 : i32
        %mul3A_23 = arith.constant 16 : i32
        %mul3A_24 = arith.muli %sc_fetch_and_add3A_16, %mul3A_23 : i32
        %add3A = arith.addi %mul3A_22, %mul3A_24 : i32
        "tpu.region"() ({
          %run_scoped3A_250 = tpu.sem_alloc : memref<!tpu.dma_semaphore, #tpu.memory_space<semaphore_mem>>
          %dma_start3A_251 = arith.constant 0 : i32
          %dma_start3A_252 = tpu.memref_slice %arg3[%add3A, %dma_start3A_251] : memref<2560x128xi32, #tpu.memory_space<hbm>> -> memref<8x128xi32, #tpu.memory_space<hbm>>
          %dma_start3A_253 = arith.constant 0 : i32
          %dma_start3A_254 = tpu.memref_slice %arg3[%add3A, %dma_start3A_253] : memref<2560x128xi32, #tpu.memory_space<hbm>> -> memref<8x128xi32, #tpu.memory_space<hbm>>
          tpu.enqueue_dma source(%dma_start3A_254 : memref<8x128xi32, #tpu.memory_space<hbm>>) target(%arg7 : memref<8x128xi32, #tpu.memory_space<vmem>>) target_semaphore(%run_scoped3A_250 : memref<!tpu.dma_semaphore, #tpu.memory_space<semaphore_mem>>)
          %dma_wait3A_255 = arith.constant 0 : i32
          %dma_wait3A_256 = tpu.memref_slice %arg3[%add3A, %dma_wait3A_255] : memref<2560x128xi32, #tpu.memory_space<hbm>> -> memref<8x128xi32, #tpu.memory_space<hbm>>
          %dma_wait3A_257 = arith.constant 0 : i32
          %dma_wait3A_258 = tpu.memref_slice %arg3[%add3A, %dma_wait3A_257] : memref<2560x128xi32, #tpu.memory_space<hbm>> -> memref<8x128xi32, #tpu.memory_space<hbm>>
          tpu.wait_dma2 semaphore(%run_scoped3A_250 : memref<!tpu.dma_semaphore, #tpu.memory_space<semaphore_mem>>) src(%dma_wait3A_258 : memref<8x128xi32, #tpu.memory_space<hbm>>) dst(%arg7 : memref<8x128xi32, #tpu.memory_space<vmem>>)
          tpu.yield
        }) : () -> ()
        "tpu.region"() ({
          %run_scoped3A_250 = tpu.sem_alloc : memref<!tpu.dma_semaphore, #tpu.memory_space<semaphore_mem>>
          %dma_start3A_251 = arith.constant 0 : i32
          %dma_start3A_252 = tpu.memref_slice %arg4[%add3A, %dma_start3A_251] : memref<2560x128xi32, #tpu.memory_space<hbm>> -> memref<8x128xi32, #tpu.memory_space<hbm>>
          %dma_start3A_253 = arith.constant 0 : i32
          %dma_start3A_254 = tpu.memref_slice %arg4[%add3A, %dma_start3A_253] : memref<2560x128xi32, #tpu.memory_space<hbm>> -> memref<8x128xi32, #tpu.memory_space<hbm>>
          tpu.enqueue_dma source(%dma_start3A_254 : memref<8x128xi32, #tpu.memory_space<hbm>>) target(%arg8 : memref<8x128xi32, #tpu.memory_space<vmem>>) target_semaphore(%run_scoped3A_250 : memref<!tpu.dma_semaphore, #tpu.memory_space<semaphore_mem>>)
          %dma_wait3A_255 = arith.constant 0 : i32
          %dma_wait3A_256 = tpu.memref_slice %arg4[%add3A, %dma_wait3A_255] : memref<2560x128xi32, #tpu.memory_space<hbm>> -> memref<8x128xi32, #tpu.memory_space<hbm>>
          %dma_wait3A_257 = arith.constant 0 : i32
          %dma_wait3A_258 = tpu.memref_slice %arg4[%add3A, %dma_wait3A_257] : memref<2560x128xi32, #tpu.memory_space<hbm>> -> memref<8x128xi32, #tpu.memory_space<hbm>>
          tpu.wait_dma2 semaphore(%run_scoped3A_250 : memref<!tpu.dma_semaphore, #tpu.memory_space<semaphore_mem>>) src(%dma_wait3A_258 : memref<8x128xi32, #tpu.memory_space<hbm>>) dst(%arg8 : memref<8x128xi32, #tpu.memory_space<vmem>>)
          tpu.yield
        }) : () -> ()
        %add3A_25 = arith.constant 8 : i32
        %add3A_26 = arith.addi %add3A, %add3A_25 : i32
        "tpu.region"() ({
          %run_scoped3A_250 = tpu.sem_alloc : memref<!tpu.dma_semaphore, #tpu.memory_space<semaphore_mem>>
          %dma_start3A_251 = arith.constant 0 : i32
          %dma_start3A_252 = tpu.memref_slice %arg3[%add3A_26, %dma_start3A_251] : memref<2560x128xi32, #tpu.memory_space<hbm>> -> memref<8x128xi32, #tpu.memory_space<hbm>>
          %dma_start3A_253 = arith.constant 0 : i32
          %dma_start3A_254 = tpu.memref_slice %arg3[%add3A_26, %dma_start3A_253] : memref<2560x128xi32, #tpu.memory_space<hbm>> -> memref<8x128xi32, #tpu.memory_space<hbm>>
          tpu.enqueue_dma source(%dma_start3A_254 : memref<8x128xi32, #tpu.memory_space<hbm>>) target(%arg9 : memref<8x128xi32, #tpu.memory_space<vmem>>) target_semaphore(%run_scoped3A_250 : memref<!tpu.dma_semaphore, #tpu.memory_space<semaphore_mem>>)
          %dma_wait3A_255 = arith.constant 0 : i32
          %dma_wait3A_256 = tpu.memref_slice %arg3[%add3A_26, %dma_wait3A_255] : memref<2560x128xi32, #tpu.memory_space<hbm>> -> memref<8x128xi32, #tpu.memory_space<hbm>>
          %dma_wait3A_257 = arith.constant 0 : i32
          %dma_wait3A_258 = tpu.memref_slice %arg3[%add3A_26, %dma_wait3A_257] : memref<2560x128xi32, #tpu.memory_space<hbm>> -> memref<8x128xi32, #tpu.memory_space<hbm>>
          tpu.wait_dma2 semaphore(%run_scoped3A_250 : memref<!tpu.dma_semaphore, #tpu.memory_space<semaphore_mem>>) src(%dma_wait3A_258 : memref<8x128xi32, #tpu.memory_space<hbm>>) dst(%arg9 : memref<8x128xi32, #tpu.memory_space<vmem>>)
          tpu.yield
        }) : () -> ()
        %add3A_27 = arith.constant 8 : i32
        %add3A_28 = arith.addi %add3A, %add3A_27 : i32
        "tpu.region"() ({
          %run_scoped3A_250 = tpu.sem_alloc : memref<!tpu.dma_semaphore, #tpu.memory_space<semaphore_mem>>
          %dma_start3A_251 = arith.constant 0 : i32
          %dma_start3A_252 = tpu.memref_slice %arg4[%add3A_28, %dma_start3A_251] : memref<2560x128xi32, #tpu.memory_space<hbm>> -> memref<8x128xi32, #tpu.memory_space<hbm>>
          %dma_start3A_253 = arith.constant 0 : i32
          %dma_start3A_254 = tpu.memref_slice %arg4[%add3A_28, %dma_start3A_253] : memref<2560x128xi32, #tpu.memory_space<hbm>> -> memref<8x128xi32, #tpu.memory_space<hbm>>
          tpu.enqueue_dma source(%dma_start3A_254 : memref<8x128xi32, #tpu.memory_space<hbm>>) target(%arg10 : memref<8x128xi32, #tpu.memory_space<vmem>>) target_semaphore(%run_scoped3A_250 : memref<!tpu.dma_semaphore, #tpu.memory_space<semaphore_mem>>)
          %dma_wait3A_255 = arith.constant 0 : i32
          %dma_wait3A_256 = tpu.memref_slice %arg4[%add3A_28, %dma_wait3A_255] : memref<2560x128xi32, #tpu.memory_space<hbm>> -> memref<8x128xi32, #tpu.memory_space<hbm>>
          %dma_wait3A_257 = arith.constant 0 : i32
          %dma_wait3A_258 = tpu.memref_slice %arg4[%add3A_28, %dma_wait3A_257] : memref<2560x128xi32, #tpu.memory_space<hbm>> -> memref<8x128xi32, #tpu.memory_space<hbm>>
          tpu.wait_dma2 semaphore(%run_scoped3A_250 : memref<!tpu.dma_semaphore, #tpu.memory_space<semaphore_mem>>) src(%dma_wait3A_258 : memref<8x128xi32, #tpu.memory_space<hbm>>) dst(%arg10 : memref<8x128xi32, #tpu.memory_space<vmem>>)
          tpu.yield
        }) : () -> ()
        %dma_start3A = arith.constant 0 : i32
        %dma_start3A_29 = arith.constant 0 : i32
        %dma_start3A_30 = tpu.memref_slice %arg7[%dma_start3A, %dma_start3A_29] : memref<8x128xi32, #tpu.memory_space<vmem>> -> memref<1x128xi32, #tpu.memory_space<vmem>>
        %dma_start3A_31 = tpu.memref_squeeze %dma_start3A_30 : memref<1x128xi32, #tpu.memory_space<vmem>> -> memref<128xi32, #tpu.memory_space<vmem>>
        %dma_start3A_32 = arith.constant 0 : i32
        %dma_start3A_33 = arith.constant 0 : i32
        %dma_start3A_34 = tpu.memref_slice %arg2[%dma_start3A_32, %dma_start3A_33] : memref<10000x128xf32, #tpu.memory_space<hbm>> -> memref<10000x128xf32, #tpu.memory_space<hbm>>
        tpu.enqueue_indirect_dma source(%dma_start3A_34 : memref<10000x128xf32, #tpu.memory_space<hbm>>) target(%arg11 : memref<128x128xf32, #tpu.memory_space<vmem>>) offsets(%dma_start3A_31 : memref<128xi32, #tpu.memory_space<vmem>>) semaphore(%arg15 : memref<!tpu.dma_semaphore, #tpu.memory_space<semaphore_mem>>)
        %dma_start3A_35 = arith.constant 1 : i32
        %dma_start3A_36 = arith.constant 0 : i32
        %dma_start3A_37 = tpu.memref_slice %arg7[%dma_start3A_35, %dma_start3A_36] : memref<8x128xi32, #tpu.memory_space<vmem>> -> memref<1x128xi32, #tpu.memory_space<vmem>>
        %dma_start3A_38 = tpu.memref_squeeze %dma_start3A_37 : memref<1x128xi32, #tpu.memory_space<vmem>> -> memref<128xi32, #tpu.memory_space<vmem>>
        %dma_start3A_39 = arith.constant 0 : i32
        %dma_start3A_40 = arith.constant 0 : i32
        %dma_start3A_41 = tpu.memref_slice %arg2[%dma_start3A_39, %dma_start3A_40] : memref<10000x128xf32, #tpu.memory_space<hbm>> -> memref<10000x128xf32, #tpu.memory_space<hbm>>
        tpu.enqueue_indirect_dma source(%dma_start3A_41 : memref<10000x128xf32, #tpu.memory_space<hbm>>) target(%arg12 : memref<128x128xf32, #tpu.memory_space<vmem>>) offsets(%dma_start3A_38 : memref<128xi32, #tpu.memory_space<vmem>>) semaphore(%arg16 : memref<!tpu.dma_semaphore, #tpu.memory_space<semaphore_mem>>)
        %dma_wait3A = arith.constant 0 : i32
        %dma_wait3A_42 = arith.constant 0 : i32
        %dma_wait3A_43 = tpu.memref_slice %arg2[%dma_wait3A, %dma_wait3A_42] : memref<10000x128xf32, #tpu.memory_space<hbm>> -> memref<128x128xf32, #tpu.memory_space<hbm>>
        %dma_wait3A_44 = arith.constant 0 : i32
        %dma_wait3A_45 = arith.constant 0 : i32
        %dma_wait3A_46 = tpu.memref_slice %arg2[%dma_wait3A_44, %dma_wait3A_45] : memref<10000x128xf32, #tpu.memory_space<hbm>> -> memref<128x128xf32, #tpu.memory_space<hbm>>
        tpu.wait_dma2 semaphore(%arg15 : memref<!tpu.dma_semaphore, #tpu.memory_space<semaphore_mem>>) src(%dma_wait3A_46 : memref<128x128xf32, #tpu.memory_space<hbm>>) dst(%arg11 : memref<128x128xf32, #tpu.memory_space<vmem>>)
        %run_scoped3A = arith.constant 0 : i32
        "tpu.region"() ({
          %run_scoped3A_250 = tpu.sem_alloc : memref<!tpu.dma_semaphore, #tpu.memory_space<semaphore_mem>>
          %dma_start3A_251 = arith.constant 0 : i32
          %dma_start3A_252 = tpu.memref_slice %arg8[%run_scoped3A, %dma_start3A_251] : memref<8x128xi32, #tpu.memory_space<vmem>> -> memref<1x128xi32, #tpu.memory_space<vmem>>
          %dma_start3A_253 = tpu.memref_squeeze %dma_start3A_252 : memref<1x128xi32, #tpu.memory_space<vmem>> -> memref<128xi32, #tpu.memory_space<vmem>>
          %dma_start3A_254 = arith.constant 0 : i32
          %dma_start3A_255 = arith.constant 0 : i32
          %dma_start3A_256 = tpu.memref_slice %arg13[%dma_start3A_254, %dma_start3A_255] : memref<10240x128xf32, #tpu.memory_space<vmem_shared>> -> memref<10240x128xf32, #tpu.memory_space<vmem_shared>>
          tpu.enqueue_indirect_dma source(%arg11 : memref<128x128xf32, #tpu.memory_space<vmem>>) target(%dma_start3A_256 : memref<10240x128xf32, #tpu.memory_space<vmem_shared>>) offsets(%dma_start3A_253 : memref<128xi32, #tpu.memory_space<vmem>>) semaphore(%run_scoped3A_250 : memref<!tpu.dma_semaphore, #tpu.memory_space<semaphore_mem>>) {add = true}
          %dma_wait3A_257 = arith.constant 0 : i32
          %dma_wait3A_258 = tpu.memref_slice %arg8[%run_scoped3A, %dma_wait3A_257] : memref<8x128xi32, #tpu.memory_space<vmem>> -> memref<1x128xi32, #tpu.memory_space<vmem>>
          %dma_wait3A_259 = tpu.memref_squeeze %dma_wait3A_258 : memref<1x128xi32, #tpu.memory_space<vmem>> -> memref<128xi32, #tpu.memory_space<vmem>>
          %dma_wait3A_260 = arith.constant 0 : i32
          %dma_wait3A_261 = arith.constant 0 : i32
          %dma_wait3A_262 = tpu.memref_slice %arg13[%dma_wait3A_260, %dma_wait3A_261] : memref<10240x128xf32, #tpu.memory_space<vmem_shared>> -> memref<10240x128xf32, #tpu.memory_space<vmem_shared>>
          tpu.wait_indirect_dma semaphore(%run_scoped3A_250 : memref<!tpu.dma_semaphore, #tpu.memory_space<semaphore_mem>>) src(%arg11 : memref<128x128xf32, #tpu.memory_space<vmem>>) dst(%dma_wait3A_262 : memref<10240x128xf32, #tpu.memory_space<vmem_shared>>)
          tpu.yield
        }) : () -> ()
        %dma_start3A_47 = arith.constant 2 : i32
        %dma_start3A_48 = arith.constant 0 : i32
        %dma_start3A_49 = tpu.memref_slice %arg7[%dma_start3A_47, %dma_start3A_48] : memref<8x128xi32, #tpu.memory_space<vmem>> -> memref<1x128xi32, #tpu.memory_space<vmem>>
        %dma_start3A_50 = tpu.memref_squeeze %dma_start3A_49 : memref<1x128xi32, #tpu.memory_space<vmem>> -> memref<128xi32, #tpu.memory_space<vmem>>
        %dma_start3A_51 = arith.constant 0 : i32
        %dma_start3A_52 = arith.constant 0 : i32
        %dma_start3A_53 = tpu.memref_slice %arg2[%dma_start3A_51, %dma_start3A_52] : memref<10000x128xf32, #tpu.memory_space<hbm>> -> memref<10000x128xf32, #tpu.memory_space<hbm>>
        tpu.enqueue_indirect_dma source(%dma_start3A_53 : memref<10000x128xf32, #tpu.memory_space<hbm>>) target(%arg11 : memref<128x128xf32, #tpu.memory_space<vmem>>) offsets(%dma_start3A_50 : memref<128xi32, #tpu.memory_space<vmem>>) semaphore(%arg15 : memref<!tpu.dma_semaphore, #tpu.memory_space<semaphore_mem>>)
        %dma_wait3A_54 = arith.constant 0 : i32
        %dma_wait3A_55 = arith.constant 0 : i32
        %dma_wait3A_56 = tpu.memref_slice %arg2[%dma_wait3A_54, %dma_wait3A_55] : memref<10000x128xf32, #tpu.memory_space<hbm>> -> memref<128x128xf32, #tpu.memory_space<hbm>>
        %dma_wait3A_57 = arith.constant 0 : i32
        %dma_wait3A_58 = arith.constant 0 : i32
        %dma_wait3A_59 = tpu.memref_slice %arg2[%dma_wait3A_57, %dma_wait3A_58] : memref<10000x128xf32, #tpu.memory_space<hbm>> -> memref<128x128xf32, #tpu.memory_space<hbm>>
        tpu.wait_dma2 semaphore(%arg16 : memref<!tpu.dma_semaphore, #tpu.memory_space<semaphore_mem>>) src(%dma_wait3A_59 : memref<128x128xf32, #tpu.memory_space<hbm>>) dst(%arg12 : memref<128x128xf32, #tpu.memory_space<vmem>>)
        %run_scoped3A_60 = arith.constant 1 : i32
        "tpu.region"() ({
          %run_scoped3A_250 = tpu.sem_alloc : memref<!tpu.dma_semaphore, #tpu.memory_space<semaphore_mem>>
          %dma_start3A_251 = arith.constant 0 : i32
          %dma_start3A_252 = tpu.memref_slice %arg8[%run_scoped3A_60, %dma_start3A_251] : memref<8x128xi32, #tpu.memory_space<vmem>> -> memref<1x128xi32, #tpu.memory_space<vmem>>
          %dma_start3A_253 = tpu.memref_squeeze %dma_start3A_252 : memref<1x128xi32, #tpu.memory_space<vmem>> -> memref<128xi32, #tpu.memory_space<vmem>>
          %dma_start3A_254 = arith.constant 0 : i32
          %dma_start3A_255 = arith.constant 0 : i32
          %dma_start3A_256 = tpu.memref_slice %arg13[%dma_start3A_254, %dma_start3A_255] : memref<10240x128xf32, #tpu.memory_space<vmem_shared>> -> memref<10240x128xf32, #tpu.memory_space<vmem_shared>>
          tpu.enqueue_indirect_dma source(%arg12 : memref<128x128xf32, #tpu.memory_space<vmem>>) target(%dma_start3A_256 : memref<10240x128xf32, #tpu.memory_space<vmem_shared>>) offsets(%dma_start3A_253 : memref<128xi32, #tpu.memory_space<vmem>>) semaphore(%run_scoped3A_250 : memref<!tpu.dma_semaphore, #tpu.memory_space<semaphore_mem>>) {add = true}
          %dma_wait3A_257 = arith.constant 0 : i32
          %dma_wait3A_258 = tpu.memref_slice %arg8[%run_scoped3A_60, %dma_wait3A_257] : memref<8x128xi32, #tpu.memory_space<vmem>> -> memref<1x128xi32, #tpu.memory_space<vmem>>
          %dma_wait3A_259 = tpu.memref_squeeze %dma_wait3A_258 : memref<1x128xi32, #tpu.memory_space<vmem>> -> memref<128xi32, #tpu.memory_space<vmem>>
          %dma_wait3A_260 = arith.constant 0 : i32
          %dma_wait3A_261 = arith.constant 0 : i32
          %dma_wait3A_262 = tpu.memref_slice %arg13[%dma_wait3A_260, %dma_wait3A_261] : memref<10240x128xf32, #tpu.memory_space<vmem_shared>> -> memref<10240x128xf32, #tpu.memory_space<vmem_shared>>
          tpu.wait_indirect_dma semaphore(%run_scoped3A_250 : memref<!tpu.dma_semaphore, #tpu.memory_space<semaphore_mem>>) src(%arg12 : memref<128x128xf32, #tpu.memory_space<vmem>>) dst(%dma_wait3A_262 : memref<10240x128xf32, #tpu.memory_space<vmem_shared>>)
          tpu.yield
        }) : () -> ()
        %dma_start3A_61 = arith.constant 3 : i32
        %dma_start3A_62 = arith.constant 0 : i32
        %dma_start3A_63 = tpu.memref_slice %arg7[%dma_start3A_61, %dma_start3A_62] : memref<8x128xi32, #tpu.memory_space<vmem>> -> memref<1x128xi32, #tpu.memory_space<vmem>>
        %dma_start3A_64 = tpu.memref_squeeze %dma_start3A_63 : memref<1x128xi32, #tpu.memory_space<vmem>> -> memref<128xi32, #tpu.memory_space<vmem>>
        %dma_start3A_65 = arith.constant 0 : i32
        %dma_start3A_66 = arith.constant 0 : i32
        %dma_start3A_67 = tpu.memref_slice %arg2[%dma_start3A_65, %dma_start3A_66] : memref<10000x128xf32, #tpu.memory_space<hbm>> -> memref<10000x128xf32, #tpu.memory_space<hbm>>
        tpu.enqueue_indirect_dma source(%dma_start3A_67 : memref<10000x128xf32, #tpu.memory_space<hbm>>) target(%arg12 : memref<128x128xf32, #tpu.memory_space<vmem>>) offsets(%dma_start3A_64 : memref<128xi32, #tpu.memory_space<vmem>>) semaphore(%arg16 : memref<!tpu.dma_semaphore, #tpu.memory_space<semaphore_mem>>)
        %dma_wait3A_68 = arith.constant 0 : i32
        %dma_wait3A_69 = arith.constant 0 : i32
        %dma_wait3A_70 = tpu.memref_slice %arg2[%dma_wait3A_68, %dma_wait3A_69] : memref<10000x128xf32, #tpu.memory_space<hbm>> -> memref<128x128xf32, #tpu.memory_space<hbm>>
        %dma_wait3A_71 = arith.constant 0 : i32
        %dma_wait3A_72 = arith.constant 0 : i32
        %dma_wait3A_73 = tpu.memref_slice %arg2[%dma_wait3A_71, %dma_wait3A_72] : memref<10000x128xf32, #tpu.memory_space<hbm>> -> memref<128x128xf32, #tpu.memory_space<hbm>>
        tpu.wait_dma2 semaphore(%arg15 : memref<!tpu.dma_semaphore, #tpu.memory_space<semaphore_mem>>) src(%dma_wait3A_73 : memref<128x128xf32, #tpu.memory_space<hbm>>) dst(%arg11 : memref<128x128xf32, #tpu.memory_space<vmem>>)
        %run_scoped3A_74 = arith.constant 2 : i32
        "tpu.region"() ({
          %run_scoped3A_250 = tpu.sem_alloc : memref<!tpu.dma_semaphore, #tpu.memory_space<semaphore_mem>>
          %dma_start3A_251 = arith.constant 0 : i32
          %dma_start3A_252 = tpu.memref_slice %arg8[%run_scoped3A_74, %dma_start3A_251] : memref<8x128xi32, #tpu.memory_space<vmem>> -> memref<1x128xi32, #tpu.memory_space<vmem>>
          %dma_start3A_253 = tpu.memref_squeeze %dma_start3A_252 : memref<1x128xi32, #tpu.memory_space<vmem>> -> memref<128xi32, #tpu.memory_space<vmem>>
          %dma_start3A_254 = arith.constant 0 : i32
          %dma_start3A_255 = arith.constant 0 : i32
          %dma_start3A_256 = tpu.memref_slice %arg13[%dma_start3A_254, %dma_start3A_255] : memref<10240x128xf32, #tpu.memory_space<vmem_shared>> -> memref<10240x128xf32, #tpu.memory_space<vmem_shared>>
          tpu.enqueue_indirect_dma source(%arg11 : memref<128x128xf32, #tpu.memory_space<vmem>>) target(%dma_start3A_256 : memref<10240x128xf32, #tpu.memory_space<vmem_shared>>) offsets(%dma_start3A_253 : memref<128xi32, #tpu.memory_space<vmem>>) semaphore(%run_scoped3A_250 : memref<!tpu.dma_semaphore, #tpu.memory_space<semaphore_mem>>) {add = true}
          %dma_wait3A_257 = arith.constant 0 : i32
          %dma_wait3A_258 = tpu.memref_slice %arg8[%run_scoped3A_74, %dma_wait3A_257] : memref<8x128xi32, #tpu.memory_space<vmem>> -> memref<1x128xi32, #tpu.memory_space<vmem>>
          %dma_wait3A_259 = tpu.memref_squeeze %dma_wait3A_258 : memref<1x128xi32, #tpu.memory_space<vmem>> -> memref<128xi32, #tpu.memory_space<vmem>>
          %dma_wait3A_260 = arith.constant 0 : i32
          %dma_wait3A_261 = arith.constant 0 : i32
          %dma_wait3A_262 = tpu.memref_slice %arg13[%dma_wait3A_260, %dma_wait3A_261] : memref<10240x128xf32, #tpu.memory_space<vmem_shared>> -> memref<10240x128xf32, #tpu.memory_space<vmem_shared>>
          tpu.wait_indirect_dma semaphore(%run_scoped3A_250 : memref<!tpu.dma_semaphore, #tpu.memory_space<semaphore_mem>>) src(%arg11 : memref<128x128xf32, #tpu.memory_space<vmem>>) dst(%dma_wait3A_262 : memref<10240x128xf32, #tpu.memory_space<vmem_shared>>)
          tpu.yield
        }) : () -> ()
        %dma_start3A_75 = arith.constant 4 : i32
        %dma_start3A_76 = arith.constant 0 : i32
        %dma_start3A_77 = tpu.memref_slice %arg7[%dma_start3A_75, %dma_start3A_76] : memref<8x128xi32, #tpu.memory_space<vmem>> -> memref<1x128xi32, #tpu.memory_space<vmem>>
        %dma_start3A_78 = tpu.memref_squeeze %dma_start3A_77 : memref<1x128xi32, #tpu.memory_space<vmem>> -> memref<128xi32, #tpu.memory_space<vmem>>
        %dma_start3A_79 = arith.constant 0 : i32
        %dma_start3A_80 = arith.constant 0 : i32
        %dma_start3A_81 = tpu.memref_slice %arg2[%dma_start3A_79, %dma_start3A_80] : memref<10000x128xf32, #tpu.memory_space<hbm>> -> memref<10000x128xf32, #tpu.memory_space<hbm>>
        tpu.enqueue_indirect_dma source(%dma_start3A_81 : memref<10000x128xf32, #tpu.memory_space<hbm>>) target(%arg11 : memref<128x128xf32, #tpu.memory_space<vmem>>) offsets(%dma_start3A_78 : memref<128xi32, #tpu.memory_space<vmem>>) semaphore(%arg15 : memref<!tpu.dma_semaphore, #tpu.memory_space<semaphore_mem>>)
        %dma_wait3A_82 = arith.constant 0 : i32
        %dma_wait3A_83 = arith.constant 0 : i32
        %dma_wait3A_84 = tpu.memref_slice %arg2[%dma_wait3A_82, %dma_wait3A_83] : memref<10000x128xf32, #tpu.memory_space<hbm>> -> memref<128x128xf32, #tpu.memory_space<hbm>>
        %dma_wait3A_85 = arith.constant 0 : i32
        %dma_wait3A_86 = arith.constant 0 : i32
        %dma_wait3A_87 = tpu.memref_slice %arg2[%dma_wait3A_85, %dma_wait3A_86] : memref<10000x128xf32, #tpu.memory_space<hbm>> -> memref<128x128xf32, #tpu.memory_space<hbm>>
        tpu.wait_dma2 semaphore(%arg16 : memref<!tpu.dma_semaphore, #tpu.memory_space<semaphore_mem>>) src(%dma_wait3A_87 : memref<128x128xf32, #tpu.memory_space<hbm>>) dst(%arg12 : memref<128x128xf32, #tpu.memory_space<vmem>>)
        %run_scoped3A_88 = arith.constant 3 : i32
        "tpu.region"() ({
          %run_scoped3A_250 = tpu.sem_alloc : memref<!tpu.dma_semaphore, #tpu.memory_space<semaphore_mem>>
          %dma_start3A_251 = arith.constant 0 : i32
          %dma_start3A_252 = tpu.memref_slice %arg8[%run_scoped3A_88, %dma_start3A_251] : memref<8x128xi32, #tpu.memory_space<vmem>> -> memref<1x128xi32, #tpu.memory_space<vmem>>
          %dma_start3A_253 = tpu.memref_squeeze %dma_start3A_252 : memref<1x128xi32, #tpu.memory_space<vmem>> -> memref<128xi32, #tpu.memory_space<vmem>>
          %dma_start3A_254 = arith.constant 0 : i32
          %dma_start3A_255 = arith.constant 0 : i32
          %dma_start3A_256 = tpu.memref_slice %arg13[%dma_start3A_254, %dma_start3A_255] : memref<10240x128xf32, #tpu.memory_space<vmem_shared>> -> memref<10240x128xf32, #tpu.memory_space<vmem_shared>>
          tpu.enqueue_indirect_dma source(%arg12 : memref<128x128xf32, #tpu.memory_space<vmem>>) target(%dma_start3A_256 : memref<10240x128xf32, #tpu.memory_space<vmem_shared>>) offsets(%dma_start3A_253 : memref<128xi32, #tpu.memory_space<vmem>>) semaphore(%run_scoped3A_250 : memref<!tpu.dma_semaphore, #tpu.memory_space<semaphore_mem>>) {add = true}
          %dma_wait3A_257 = arith.constant 0 : i32
          %dma_wait3A_258 = tpu.memref_slice %arg8[%run_scoped3A_88, %dma_wait3A_257] : memref<8x128xi32, #tpu.memory_space<vmem>> -> memref<1x128xi32, #tpu.memory_space<vmem>>
          %dma_wait3A_259 = tpu.memref_squeeze %dma_wait3A_258 : memref<1x128xi32, #tpu.memory_space<vmem>> -> memref<128xi32, #tpu.memory_space<vmem>>
          %dma_wait3A_260 = arith.constant 0 : i32
          %dma_wait3A_261 = arith.constant 0 : i32
          %dma_wait3A_262 = tpu.memref_slice %arg13[%dma_wait3A_260, %dma_wait3A_261] : memref<10240x128xf32, #tpu.memory_space<vmem_shared>> -> memref<10240x128xf32, #tpu.memory_space<vmem_shared>>
          tpu.wait_indirect_dma semaphore(%run_scoped3A_250 : memref<!tpu.dma_semaphore, #tpu.memory_space<semaphore_mem>>) src(%arg12 : memref<128x128xf32, #tpu.memory_space<vmem>>) dst(%dma_wait3A_262 : memref<10240x128xf32, #tpu.memory_space<vmem_shared>>)
          tpu.yield
        }) : () -> ()
        %dma_start3A_89 = arith.constant 5 : i32
        %dma_start3A_90 = arith.constant 0 : i32
        %dma_start3A_91 = tpu.memref_slice %arg7[%dma_start3A_89, %dma_start3A_90] : memref<8x128xi32, #tpu.memory_space<vmem>> -> memref<1x128xi32, #tpu.memory_space<vmem>>
        %dma_start3A_92 = tpu.memref_squeeze %dma_start3A_91 : memref<1x128xi32, #tpu.memory_space<vmem>> -> memref<128xi32, #tpu.memory_space<vmem>>
        %dma_start3A_93 = arith.constant 0 : i32
        %dma_start3A_94 = arith.constant 0 : i32
        %dma_start3A_95 = tpu.memref_slice %arg2[%dma_start3A_93, %dma_start3A_94] : memref<10000x128xf32, #tpu.memory_space<hbm>> -> memref<10000x128xf32, #tpu.memory_space<hbm>>
        tpu.enqueue_indirect_dma source(%dma_start3A_95 : memref<10000x128xf32, #tpu.memory_space<hbm>>) target(%arg12 : memref<128x128xf32, #tpu.memory_space<vmem>>) offsets(%dma_start3A_92 : memref<128xi32, #tpu.memory_space<vmem>>) semaphore(%arg16 : memref<!tpu.dma_semaphore, #tpu.memory_space<semaphore_mem>>)
        %dma_wait3A_96 = arith.constant 0 : i32
        %dma_wait3A_97 = arith.constant 0 : i32
        %dma_wait3A_98 = tpu.memref_slice %arg2[%dma_wait3A_96, %dma_wait3A_97] : memref<10000x128xf32, #tpu.memory_space<hbm>> -> memref<128x128xf32, #tpu.memory_space<hbm>>
        %dma_wait3A_99 = arith.constant 0 : i32
        %dma_wait3A_100 = arith.constant 0 : i32
        %dma_wait3A_101 = tpu.memref_slice %arg2[%dma_wait3A_99, %dma_wait3A_100] : memref<10000x128xf32, #tpu.memory_space<hbm>> -> memref<128x128xf32, #tpu.memory_space<hbm>>
        tpu.wait_dma2 semaphore(%arg15 : memref<!tpu.dma_semaphore, #tpu.memory_space<semaphore_mem>>) src(%dma_wait3A_101 : memref<128x128xf32, #tpu.memory_space<hbm>>) dst(%arg11 : memref<128x128xf32, #tpu.memory_space<vmem>>)
        %run_scoped3A_102 = arith.constant 4 : i32
        "tpu.region"() ({
          %run_scoped3A_250 = tpu.sem_alloc : memref<!tpu.dma_semaphore, #tpu.memory_space<semaphore_mem>>
          %dma_start3A_251 = arith.constant 0 : i32
          %dma_start3A_252 = tpu.memref_slice %arg8[%run_scoped3A_102, %dma_start3A_251] : memref<8x128xi32, #tpu.memory_space<vmem>> -> memref<1x128xi32, #tpu.memory_space<vmem>>
          %dma_start3A_253 = tpu.memref_squeeze %dma_start3A_252 : memref<1x128xi32, #tpu.memory_space<vmem>> -> memref<128xi32, #tpu.memory_space<vmem>>
          %dma_start3A_254 = arith.constant 0 : i32
          %dma_start3A_255 = arith.constant 0 : i32
          %dma_start3A_256 = tpu.memref_slice %arg13[%dma_start3A_254, %dma_start3A_255] : memref<10240x128xf32, #tpu.memory_space<vmem_shared>> -> memref<10240x128xf32, #tpu.memory_space<vmem_shared>>
          tpu.enqueue_indirect_dma source(%arg11 : memref<128x128xf32, #tpu.memory_space<vmem>>) target(%dma_start3A_256 : memref<10240x128xf32, #tpu.memory_space<vmem_shared>>) offsets(%dma_start3A_253 : memref<128xi32, #tpu.memory_space<vmem>>) semaphore(%run_scoped3A_250 : memref<!tpu.dma_semaphore, #tpu.memory_space<semaphore_mem>>) {add = true}
          %dma_wait3A_257 = arith.constant 0 : i32
          %dma_wait3A_258 = tpu.memref_slice %arg8[%run_scoped3A_102, %dma_wait3A_257] : memref<8x128xi32, #tpu.memory_space<vmem>> -> memref<1x128xi32, #tpu.memory_space<vmem>>
          %dma_wait3A_259 = tpu.memref_squeeze %dma_wait3A_258 : memref<1x128xi32, #tpu.memory_space<vmem>> -> memref<128xi32, #tpu.memory_space<vmem>>
          %dma_wait3A_260 = arith.constant 0 : i32
          %dma_wait3A_261 = arith.constant 0 : i32
          %dma_wait3A_262 = tpu.memref_slice %arg13[%dma_wait3A_260, %dma_wait3A_261] : memref<10240x128xf32, #tpu.memory_space<vmem_shared>> -> memref<10240x128xf32, #tpu.memory_space<vmem_shared>>
          tpu.wait_indirect_dma semaphore(%run_scoped3A_250 : memref<!tpu.dma_semaphore, #tpu.memory_space<semaphore_mem>>) src(%arg11 : memref<128x128xf32, #tpu.memory_space<vmem>>) dst(%dma_wait3A_262 : memref<10240x128xf32, #tpu.memory_space<vmem_shared>>)
          tpu.yield
        }) : () -> ()
        %dma_start3A_103 = arith.constant 6 : i32
        %dma_start3A_104 = arith.constant 0 : i32
        %dma_start3A_105 = tpu.memref_slice %arg7[%dma_start3A_103, %dma_start3A_104] : memref<8x128xi32, #tpu.memory_space<vmem>> -> memref<1x128xi32, #tpu.memory_space<vmem>>
        %dma_start3A_106 = tpu.memref_squeeze %dma_start3A_105 : memref<1x128xi32, #tpu.memory_space<vmem>> -> memref<128xi32, #tpu.memory_space<vmem>>
        %dma_start3A_107 = arith.constant 0 : i32
        %dma_start3A_108 = arith.constant 0 : i32
        %dma_start3A_109 = tpu.memref_slice %arg2[%dma_start3A_107, %dma_start3A_108] : memref<10000x128xf32, #tpu.memory_space<hbm>> -> memref<10000x128xf32, #tpu.memory_space<hbm>>
        tpu.enqueue_indirect_dma source(%dma_start3A_109 : memref<10000x128xf32, #tpu.memory_space<hbm>>) target(%arg11 : memref<128x128xf32, #tpu.memory_space<vmem>>) offsets(%dma_start3A_106 : memref<128xi32, #tpu.memory_space<vmem>>) semaphore(%arg15 : memref<!tpu.dma_semaphore, #tpu.memory_space<semaphore_mem>>)
        %dma_wait3A_110 = arith.constant 0 : i32
        %dma_wait3A_111 = arith.constant 0 : i32
        %dma_wait3A_112 = tpu.memref_slice %arg2[%dma_wait3A_110, %dma_wait3A_111] : memref<10000x128xf32, #tpu.memory_space<hbm>> -> memref<128x128xf32, #tpu.memory_space<hbm>>
        %dma_wait3A_113 = arith.constant 0 : i32
        %dma_wait3A_114 = arith.constant 0 : i32
        %dma_wait3A_115 = tpu.memref_slice %arg2[%dma_wait3A_113, %dma_wait3A_114] : memref<10000x128xf32, #tpu.memory_space<hbm>> -> memref<128x128xf32, #tpu.memory_space<hbm>>
        tpu.wait_dma2 semaphore(%arg16 : memref<!tpu.dma_semaphore, #tpu.memory_space<semaphore_mem>>) src(%dma_wait3A_115 : memref<128x128xf32, #tpu.memory_space<hbm>>) dst(%arg12 : memref<128x128xf32, #tpu.memory_space<vmem>>)
        %run_scoped3A_116 = arith.constant 5 : i32
        "tpu.region"() ({
          %run_scoped3A_250 = tpu.sem_alloc : memref<!tpu.dma_semaphore, #tpu.memory_space<semaphore_mem>>
          %dma_start3A_251 = arith.constant 0 : i32
          %dma_start3A_252 = tpu.memref_slice %arg8[%run_scoped3A_116, %dma_start3A_251] : memref<8x128xi32, #tpu.memory_space<vmem>> -> memref<1x128xi32, #tpu.memory_space<vmem>>
          %dma_start3A_253 = tpu.memref_squeeze %dma_start3A_252 : memref<1x128xi32, #tpu.memory_space<vmem>> -> memref<128xi32, #tpu.memory_space<vmem>>
          %dma_start3A_254 = arith.constant 0 : i32
          %dma_start3A_255 = arith.constant 0 : i32
          %dma_start3A_256 = tpu.memref_slice %arg13[%dma_start3A_254, %dma_start3A_255] : memref<10240x128xf32, #tpu.memory_space<vmem_shared>> -> memref<10240x128xf32, #tpu.memory_space<vmem_shared>>
          tpu.enqueue_indirect_dma source(%arg12 : memref<128x128xf32, #tpu.memory_space<vmem>>) target(%dma_start3A_256 : memref<10240x128xf32, #tpu.memory_space<vmem_shared>>) offsets(%dma_start3A_253 : memref<128xi32, #tpu.memory_space<vmem>>) semaphore(%run_scoped3A_250 : memref<!tpu.dma_semaphore, #tpu.memory_space<semaphore_mem>>) {add = true}
          %dma_wait3A_257 = arith.constant 0 : i32
          %dma_wait3A_258 = tpu.memref_slice %arg8[%run_scoped3A_116, %dma_wait3A_257] : memref<8x128xi32, #tpu.memory_space<vmem>> -> memref<1x128xi32, #tpu.memory_space<vmem>>
          %dma_wait3A_259 = tpu.memref_squeeze %dma_wait3A_258 : memref<1x128xi32, #tpu.memory_space<vmem>> -> memref<128xi32, #tpu.memory_space<vmem>>
          %dma_wait3A_260 = arith.constant 0 : i32
          %dma_wait3A_261 = arith.constant 0 : i32
          %dma_wait3A_262 = tpu.memref_slice %arg13[%dma_wait3A_260, %dma_wait3A_261] : memref<10240x128xf32, #tpu.memory_space<vmem_shared>> -> memref<10240x128xf32, #tpu.memory_space<vmem_shared>>
          tpu.wait_indirect_dma semaphore(%run_scoped3A_250 : memref<!tpu.dma_semaphore, #tpu.memory_space<semaphore_mem>>) src(%arg12 : memref<128x128xf32, #tpu.memory_space<vmem>>) dst(%dma_wait3A_262 : memref<10240x128xf32, #tpu.memory_space<vmem_shared>>)
          tpu.yield
        }) : () -> ()
        %dma_start3A_117 = arith.constant 7 : i32
        %dma_start3A_118 = arith.constant 0 : i32
        %dma_start3A_119 = tpu.memref_slice %arg7[%dma_start3A_117, %dma_start3A_118] : memref<8x128xi32, #tpu.memory_space<vmem>> -> memref<1x128xi32, #tpu.memory_space<vmem>>
        %dma_start3A_120 = tpu.memref_squeeze %dma_start3A_119 : memref<1x128xi32, #tpu.memory_space<vmem>> -> memref<128xi32, #tpu.memory_space<vmem>>
        %dma_start3A_121 = arith.constant 0 : i32
        %dma_start3A_122 = arith.constant 0 : i32
        %dma_start3A_123 = tpu.memref_slice %arg2[%dma_start3A_121, %dma_start3A_122] : memref<10000x128xf32, #tpu.memory_space<hbm>> -> memref<10000x128xf32, #tpu.memory_space<hbm>>
        tpu.enqueue_indirect_dma source(%dma_start3A_123 : memref<10000x128xf32, #tpu.memory_space<hbm>>) target(%arg12 : memref<128x128xf32, #tpu.memory_space<vmem>>) offsets(%dma_start3A_120 : memref<128xi32, #tpu.memory_space<vmem>>) semaphore(%arg16 : memref<!tpu.dma_semaphore, #tpu.memory_space<semaphore_mem>>)
        %dma_wait3A_124 = arith.constant 0 : i32
        %dma_wait3A_125 = arith.constant 0 : i32
        %dma_wait3A_126 = tpu.memref_slice %arg2[%dma_wait3A_124, %dma_wait3A_125] : memref<10000x128xf32, #tpu.memory_space<hbm>> -> memref<128x128xf32, #tpu.memory_space<hbm>>
        %dma_wait3A_127 = arith.constant 0 : i32
        %dma_wait3A_128 = arith.constant 0 : i32
        %dma_wait3A_129 = tpu.memref_slice %arg2[%dma_wait3A_127, %dma_wait3A_128] : memref<10000x128xf32, #tpu.memory_space<hbm>> -> memref<128x128xf32, #tpu.memory_space<hbm>>
        tpu.wait_dma2 semaphore(%arg15 : memref<!tpu.dma_semaphore, #tpu.memory_space<semaphore_mem>>) src(%dma_wait3A_129 : memref<128x128xf32, #tpu.memory_space<hbm>>) dst(%arg11 : memref<128x128xf32, #tpu.memory_space<vmem>>)
        %run_scoped3A_130 = arith.constant 6 : i32
        "tpu.region"() ({
          %run_scoped3A_250 = tpu.sem_alloc : memref<!tpu.dma_semaphore, #tpu.memory_space<semaphore_mem>>
          %dma_start3A_251 = arith.constant 0 : i32
          %dma_start3A_252 = tpu.memref_slice %arg8[%run_scoped3A_130, %dma_start3A_251] : memref<8x128xi32, #tpu.memory_space<vmem>> -> memref<1x128xi32, #tpu.memory_space<vmem>>
          %dma_start3A_253 = tpu.memref_squeeze %dma_start3A_252 : memref<1x128xi32, #tpu.memory_space<vmem>> -> memref<128xi32, #tpu.memory_space<vmem>>
          %dma_start3A_254 = arith.constant 0 : i32
          %dma_start3A_255 = arith.constant 0 : i32
          %dma_start3A_256 = tpu.memref_slice %arg13[%dma_start3A_254, %dma_start3A_255] : memref<10240x128xf32, #tpu.memory_space<vmem_shared>> -> memref<10240x128xf32, #tpu.memory_space<vmem_shared>>
          tpu.enqueue_indirect_dma source(%arg11 : memref<128x128xf32, #tpu.memory_space<vmem>>) target(%dma_start3A_256 : memref<10240x128xf32, #tpu.memory_space<vmem_shared>>) offsets(%dma_start3A_253 : memref<128xi32, #tpu.memory_space<vmem>>) semaphore(%run_scoped3A_250 : memref<!tpu.dma_semaphore, #tpu.memory_space<semaphore_mem>>) {add = true}
          %dma_wait3A_257 = arith.constant 0 : i32
          %dma_wait3A_258 = tpu.memref_slice %arg8[%run_scoped3A_130, %dma_wait3A_257] : memref<8x128xi32, #tpu.memory_space<vmem>> -> memref<1x128xi32, #tpu.memory_space<vmem>>
          %dma_wait3A_259 = tpu.memref_squeeze %dma_wait3A_258 : memref<1x128xi32, #tpu.memory_space<vmem>> -> memref<128xi32, #tpu.memory_space<vmem>>
          %dma_wait3A_260 = arith.constant 0 : i32
          %dma_wait3A_261 = arith.constant 0 : i32
          %dma_wait3A_262 = tpu.memref_slice %arg13[%dma_wait3A_260, %dma_wait3A_261] : memref<10240x128xf32, #tpu.memory_space<vmem_shared>> -> memref<10240x128xf32, #tpu.memory_space<vmem_shared>>
          tpu.wait_indirect_dma semaphore(%run_scoped3A_250 : memref<!tpu.dma_semaphore, #tpu.memory_space<semaphore_mem>>) src(%arg11 : memref<128x128xf32, #tpu.memory_space<vmem>>) dst(%dma_wait3A_262 : memref<10240x128xf32, #tpu.memory_space<vmem_shared>>)
          tpu.yield
        }) : () -> ()
        %dma_start3A_131 = arith.constant 0 : i32
        %dma_start3A_132 = arith.constant 0 : i32
        %dma_start3A_133 = tpu.memref_slice %arg9[%dma_start3A_131, %dma_start3A_132] : memref<8x128xi32, #tpu.memory_space<vmem>> -> memref<1x128xi32, #tpu.memory_space<vmem>>
        %dma_start3A_134 = tpu.memref_squeeze %dma_start3A_133 : memref<1x128xi32, #tpu.memory_space<vmem>> -> memref<128xi32, #tpu.memory_space<vmem>>
        %dma_start3A_135 = arith.constant 0 : i32
        %dma_start3A_136 = arith.constant 0 : i32
        %dma_start3A_137 = tpu.memref_slice %arg2[%dma_start3A_135, %dma_start3A_136] : memref<10000x128xf32, #tpu.memory_space<hbm>> -> memref<10000x128xf32, #tpu.memory_space<hbm>>
        tpu.enqueue_indirect_dma source(%dma_start3A_137 : memref<10000x128xf32, #tpu.memory_space<hbm>>) target(%arg11 : memref<128x128xf32, #tpu.memory_space<vmem>>) offsets(%dma_start3A_134 : memref<128xi32, #tpu.memory_space<vmem>>) semaphore(%arg15 : memref<!tpu.dma_semaphore, #tpu.memory_space<semaphore_mem>>)
        %dma_wait3A_138 = arith.constant 0 : i32
        %dma_wait3A_139 = arith.constant 0 : i32
        %dma_wait3A_140 = tpu.memref_slice %arg2[%dma_wait3A_138, %dma_wait3A_139] : memref<10000x128xf32, #tpu.memory_space<hbm>> -> memref<128x128xf32, #tpu.memory_space<hbm>>
        %dma_wait3A_141 = arith.constant 0 : i32
        %dma_wait3A_142 = arith.constant 0 : i32
        %dma_wait3A_143 = tpu.memref_slice %arg2[%dma_wait3A_141, %dma_wait3A_142] : memref<10000x128xf32, #tpu.memory_space<hbm>> -> memref<128x128xf32, #tpu.memory_space<hbm>>
        tpu.wait_dma2 semaphore(%arg16 : memref<!tpu.dma_semaphore, #tpu.memory_space<semaphore_mem>>) src(%dma_wait3A_143 : memref<128x128xf32, #tpu.memory_space<hbm>>) dst(%arg12 : memref<128x128xf32, #tpu.memory_space<vmem>>)
        %run_scoped3A_144 = arith.constant 7 : i32
        "tpu.region"() ({
          %run_scoped3A_250 = tpu.sem_alloc : memref<!tpu.dma_semaphore, #tpu.memory_space<semaphore_mem>>
          %dma_start3A_251 = arith.constant 0 : i32
          %dma_start3A_252 = tpu.memref_slice %arg8[%run_scoped3A_144, %dma_start3A_251] : memref<8x128xi32, #tpu.memory_space<vmem>> -> memref<1x128xi32, #tpu.memory_space<vmem>>
          %dma_start3A_253 = tpu.memref_squeeze %dma_start3A_252 : memref<1x128xi32, #tpu.memory_space<vmem>> -> memref<128xi32, #tpu.memory_space<vmem>>
          %dma_start3A_254 = arith.constant 0 : i32
          %dma_start3A_255 = arith.constant 0 : i32
          %dma_start3A_256 = tpu.memref_slice %arg13[%dma_start3A_254, %dma_start3A_255] : memref<10240x128xf32, #tpu.memory_space<vmem_shared>> -> memref<10240x128xf32, #tpu.memory_space<vmem_shared>>
          tpu.enqueue_indirect_dma source(%arg12 : memref<128x128xf32, #tpu.memory_space<vmem>>) target(%dma_start3A_256 : memref<10240x128xf32, #tpu.memory_space<vmem_shared>>) offsets(%dma_start3A_253 : memref<128xi32, #tpu.memory_space<vmem>>) semaphore(%run_scoped3A_250 : memref<!tpu.dma_semaphore, #tpu.memory_space<semaphore_mem>>) {add = true}
          %dma_wait3A_257 = arith.constant 0 : i32
          %dma_wait3A_258 = tpu.memref_slice %arg8[%run_scoped3A_144, %dma_wait3A_257] : memref<8x128xi32, #tpu.memory_space<vmem>> -> memref<1x128xi32, #tpu.memory_space<vmem>>
          %dma_wait3A_259 = tpu.memref_squeeze %dma_wait3A_258 : memref<1x128xi32, #tpu.memory_space<vmem>> -> memref<128xi32, #tpu.memory_space<vmem>>
          %dma_wait3A_260 = arith.constant 0 : i32
          %dma_wait3A_261 = arith.constant 0 : i32
          %dma_wait3A_262 = tpu.memref_slice %arg13[%dma_wait3A_260, %dma_wait3A_261] : memref<10240x128xf32, #tpu.memory_space<vmem_shared>> -> memref<10240x128xf32, #tpu.memory_space<vmem_shared>>
          tpu.wait_indirect_dma semaphore(%run_scoped3A_250 : memref<!tpu.dma_semaphore, #tpu.memory_space<semaphore_mem>>) src(%arg12 : memref<128x128xf32, #tpu.memory_space<vmem>>) dst(%dma_wait3A_262 : memref<10240x128xf32, #tpu.memory_space<vmem_shared>>)
          tpu.yield
        }) : () -> ()
        %dma_start3A_145 = arith.constant 1 : i32
        %dma_start3A_146 = arith.constant 0 : i32
        %dma_start3A_147 = tpu.memref_slice %arg9[%dma_start3A_145, %dma_start3A_146] : memref<8x128xi32, #tpu.memory_space<vmem>> -> memref<1x128xi32, #tpu.memory_space<vmem>>
        %dma_start3A_148 = tpu.memref_squeeze %dma_start3A_147 : memref<1x128xi32, #tpu.memory_space<vmem>> -> memref<128xi32, #tpu.memory_space<vmem>>
        %dma_start3A_149 = arith.constant 0 : i32
        %dma_start3A_150 = arith.constant 0 : i32
        %dma_start3A_151 = tpu.memref_slice %arg2[%dma_start3A_149, %dma_start3A_150] : memref<10000x128xf32, #tpu.memory_space<hbm>> -> memref<10000x128xf32, #tpu.memory_space<hbm>>
        tpu.enqueue_indirect_dma source(%dma_start3A_151 : memref<10000x128xf32, #tpu.memory_space<hbm>>) target(%arg12 : memref<128x128xf32, #tpu.memory_space<vmem>>) offsets(%dma_start3A_148 : memref<128xi32, #tpu.memory_space<vmem>>) semaphore(%arg16 : memref<!tpu.dma_semaphore, #tpu.memory_space<semaphore_mem>>)
        %dma_wait3A_152 = arith.constant 0 : i32
        %dma_wait3A_153 = arith.constant 0 : i32
        %dma_wait3A_154 = tpu.memref_slice %arg2[%dma_wait3A_152, %dma_wait3A_153] : memref<10000x128xf32, #tpu.memory_space<hbm>> -> memref<128x128xf32, #tpu.memory_space<hbm>>
        %dma_wait3A_155 = arith.constant 0 : i32
        %dma_wait3A_156 = arith.constant 0 : i32
        %dma_wait3A_157 = tpu.memref_slice %arg2[%dma_wait3A_155, %dma_wait3A_156] : memref<10000x128xf32, #tpu.memory_space<hbm>> -> memref<128x128xf32, #tpu.memory_space<hbm>>
        tpu.wait_dma2 semaphore(%arg15 : memref<!tpu.dma_semaphore, #tpu.memory_space<semaphore_mem>>) src(%dma_wait3A_157 : memref<128x128xf32, #tpu.memory_space<hbm>>) dst(%arg11 : memref<128x128xf32, #tpu.memory_space<vmem>>)
        %run_scoped3A_158 = arith.constant 0 : i32
        "tpu.region"() ({
          %run_scoped3A_250 = tpu.sem_alloc : memref<!tpu.dma_semaphore, #tpu.memory_space<semaphore_mem>>
          %dma_start3A_251 = arith.constant 0 : i32
          %dma_start3A_252 = tpu.memref_slice %arg10[%run_scoped3A_158, %dma_start3A_251] : memref<8x128xi32, #tpu.memory_space<vmem>> -> memref<1x128xi32, #tpu.memory_space<vmem>>
          %dma_start3A_253 = tpu.memref_squeeze %dma_start3A_252 : memref<1x128xi32, #tpu.memory_space<vmem>> -> memref<128xi32, #tpu.memory_space<vmem>>
          %dma_start3A_254 = arith.constant 0 : i32
          %dma_start3A_255 = arith.constant 0 : i32
          %dma_start3A_256 = tpu.memref_slice %arg13[%dma_start3A_254, %dma_start3A_255] : memref<10240x128xf32, #tpu.memory_space<vmem_shared>> -> memref<10240x128xf32, #tpu.memory_space<vmem_shared>>
          tpu.enqueue_indirect_dma source(%arg11 : memref<128x128xf32, #tpu.memory_space<vmem>>) target(%dma_start3A_256 : memref<10240x128xf32, #tpu.memory_space<vmem_shared>>) offsets(%dma_start3A_253 : memref<128xi32, #tpu.memory_space<vmem>>) semaphore(%run_scoped3A_250 : memref<!tpu.dma_semaphore, #tpu.memory_space<semaphore_mem>>) {add = true}
          %dma_wait3A_257 = arith.constant 0 : i32
          %dma_wait3A_258 = tpu.memref_slice %arg10[%run_scoped3A_158, %dma_wait3A_257] : memref<8x128xi32, #tpu.memory_space<vmem>> -> memref<1x128xi32, #tpu.memory_space<vmem>>
          %dma_wait3A_259 = tpu.memref_squeeze %dma_wait3A_258 : memref<1x128xi32, #tpu.memory_space<vmem>> -> memref<128xi32, #tpu.memory_space<vmem>>
          %dma_wait3A_260 = arith.constant 0 : i32
          %dma_wait3A_261 = arith.constant 0 : i32
          %dma_wait3A_262 = tpu.memref_slice %arg13[%dma_wait3A_260, %dma_wait3A_261] : memref<10240x128xf32, #tpu.memory_space<vmem_shared>> -> memref<10240x128xf32, #tpu.memory_space<vmem_shared>>
          tpu.wait_indirect_dma semaphore(%run_scoped3A_250 : memref<!tpu.dma_semaphore, #tpu.memory_space<semaphore_mem>>) src(%arg11 : memref<128x128xf32, #tpu.memory_space<vmem>>) dst(%dma_wait3A_262 : memref<10240x128xf32, #tpu.memory_space<vmem_shared>>)
          tpu.yield
        }) : () -> ()
        %dma_start3A_159 = arith.constant 2 : i32
        %dma_start3A_160 = arith.constant 0 : i32
        %dma_start3A_161 = tpu.memref_slice %arg9[%dma_start3A_159, %dma_start3A_160] : memref<8x128xi32, #tpu.memory_space<vmem>> -> memref<1x128xi32, #tpu.memory_space<vmem>>
        %dma_start3A_162 = tpu.memref_squeeze %dma_start3A_161 : memref<1x128xi32, #tpu.memory_space<vmem>> -> memref<128xi32, #tpu.memory_space<vmem>>
        %dma_start3A_163 = arith.constant 0 : i32
        %dma_start3A_164 = arith.constant 0 : i32
        %dma_start3A_165 = tpu.memref_slice %arg2[%dma_start3A_163, %dma_start3A_164] : memref<10000x128xf32, #tpu.memory_space<hbm>> -> memref<10000x128xf32, #tpu.memory_space<hbm>>
        tpu.enqueue_indirect_dma source(%dma_start3A_165 : memref<10000x128xf32, #tpu.memory_space<hbm>>) target(%arg11 : memref<128x128xf32, #tpu.memory_space<vmem>>) offsets(%dma_start3A_162 : memref<128xi32, #tpu.memory_space<vmem>>) semaphore(%arg15 : memref<!tpu.dma_semaphore, #tpu.memory_space<semaphore_mem>>)
        %dma_wait3A_166 = arith.constant 0 : i32
        %dma_wait3A_167 = arith.constant 0 : i32
        %dma_wait3A_168 = tpu.memref_slice %arg2[%dma_wait3A_166, %dma_wait3A_167] : memref<10000x128xf32, #tpu.memory_space<hbm>> -> memref<128x128xf32, #tpu.memory_space<hbm>>
        %dma_wait3A_169 = arith.constant 0 : i32
        %dma_wait3A_170 = arith.constant 0 : i32
        %dma_wait3A_171 = tpu.memref_slice %arg2[%dma_wait3A_169, %dma_wait3A_170] : memref<10000x128xf32, #tpu.memory_space<hbm>> -> memref<128x128xf32, #tpu.memory_space<hbm>>
        tpu.wait_dma2 semaphore(%arg16 : memref<!tpu.dma_semaphore, #tpu.memory_space<semaphore_mem>>) src(%dma_wait3A_171 : memref<128x128xf32, #tpu.memory_space<hbm>>) dst(%arg12 : memref<128x128xf32, #tpu.memory_space<vmem>>)
        %run_scoped3A_172 = arith.constant 1 : i32
        "tpu.region"() ({
          %run_scoped3A_250 = tpu.sem_alloc : memref<!tpu.dma_semaphore, #tpu.memory_space<semaphore_mem>>
          %dma_start3A_251 = arith.constant 0 : i32
          %dma_start3A_252 = tpu.memref_slice %arg10[%run_scoped3A_172, %dma_start3A_251] : memref<8x128xi32, #tpu.memory_space<vmem>> -> memref<1x128xi32, #tpu.memory_space<vmem>>
          %dma_start3A_253 = tpu.memref_squeeze %dma_start3A_252 : memref<1x128xi32, #tpu.memory_space<vmem>> -> memref<128xi32, #tpu.memory_space<vmem>>
          %dma_start3A_254 = arith.constant 0 : i32
          %dma_start3A_255 = arith.constant 0 : i32
          %dma_start3A_256 = tpu.memref_slice %arg13[%dma_start3A_254, %dma_start3A_255] : memref<10240x128xf32, #tpu.memory_space<vmem_shared>> -> memref<10240x128xf32, #tpu.memory_space<vmem_shared>>
          tpu.enqueue_indirect_dma source(%arg12 : memref<128x128xf32, #tpu.memory_space<vmem>>) target(%dma_start3A_256 : memref<10240x128xf32, #tpu.memory_space<vmem_shared>>) offsets(%dma_start3A_253 : memref<128xi32, #tpu.memory_space<vmem>>) semaphore(%run_scoped3A_250 : memref<!tpu.dma_semaphore, #tpu.memory_space<semaphore_mem>>) {add = true}
          %dma_wait3A_257 = arith.constant 0 : i32
          %dma_wait3A_258 = tpu.memref_slice %arg10[%run_scoped3A_172, %dma_wait3A_257] : memref<8x128xi32, #tpu.memory_space<vmem>> -> memref<1x128xi32, #tpu.memory_space<vmem>>
          %dma_wait3A_259 = tpu.memref_squeeze %dma_wait3A_258 : memref<1x128xi32, #tpu.memory_space<vmem>> -> memref<128xi32, #tpu.memory_space<vmem>>
          %dma_wait3A_260 = arith.constant 0 : i32
          %dma_wait3A_261 = arith.constant 0 : i32
          %dma_wait3A_262 = tpu.memref_slice %arg13[%dma_wait3A_260, %dma_wait3A_261] : memref<10240x128xf32, #tpu.memory_space<vmem_shared>> -> memref<10240x128xf32, #tpu.memory_space<vmem_shared>>
          tpu.wait_indirect_dma semaphore(%run_scoped3A_250 : memref<!tpu.dma_semaphore, #tpu.memory_space<semaphore_mem>>) src(%arg12 : memref<128x128xf32, #tpu.memory_space<vmem>>) dst(%dma_wait3A_262 : memref<10240x128xf32, #tpu.memory_space<vmem_shared>>)
          tpu.yield
        }) : () -> ()
        %dma_start3A_173 = arith.constant 3 : i32
        %dma_start3A_174 = arith.constant 0 : i32
        %dma_start3A_175 = tpu.memref_slice %arg9[%dma_start3A_173, %dma_start3A_174] : memref<8x128xi32, #tpu.memory_space<vmem>> -> memref<1x128xi32, #tpu.memory_space<vmem>>
        %dma_start3A_176 = tpu.memref_squeeze %dma_start3A_175 : memref<1x128xi32, #tpu.memory_space<vmem>> -> memref<128xi32, #tpu.memory_space<vmem>>
        %dma_start3A_177 = arith.constant 0 : i32
        %dma_start3A_178 = arith.constant 0 : i32
        %dma_start3A_179 = tpu.memref_slice %arg2[%dma_start3A_177, %dma_start3A_178] : memref<10000x128xf32, #tpu.memory_space<hbm>> -> memref<10000x128xf32, #tpu.memory_space<hbm>>
        tpu.enqueue_indirect_dma source(%dma_start3A_179 : memref<10000x128xf32, #tpu.memory_space<hbm>>) target(%arg12 : memref<128x128xf32, #tpu.memory_space<vmem>>) offsets(%dma_start3A_176 : memref<128xi32, #tpu.memory_space<vmem>>) semaphore(%arg16 : memref<!tpu.dma_semaphore, #tpu.memory_space<semaphore_mem>>)
        %dma_wait3A_180 = arith.constant 0 : i32
        %dma_wait3A_181 = arith.constant 0 : i32
        %dma_wait3A_182 = tpu.memref_slice %arg2[%dma_wait3A_180, %dma_wait3A_181] : memref<10000x128xf32, #tpu.memory_space<hbm>> -> memref<128x128xf32, #tpu.memory_space<hbm>>
        %dma_wait3A_183 = arith.constant 0 : i32
        %dma_wait3A_184 = arith.constant 0 : i32
        %dma_wait3A_185 = tpu.memref_slice %arg2[%dma_wait3A_183, %dma_wait3A_184] : memref<10000x128xf32, #tpu.memory_space<hbm>> -> memref<128x128xf32, #tpu.memory_space<hbm>>
        tpu.wait_dma2 semaphore(%arg15 : memref<!tpu.dma_semaphore, #tpu.memory_space<semaphore_mem>>) src(%dma_wait3A_185 : memref<128x128xf32, #tpu.memory_space<hbm>>) dst(%arg11 : memref<128x128xf32, #tpu.memory_space<vmem>>)
        %run_scoped3A_186 = arith.constant 2 : i32
        "tpu.region"() ({
          %run_scoped3A_250 = tpu.sem_alloc : memref<!tpu.dma_semaphore, #tpu.memory_space<semaphore_mem>>
          %dma_start3A_251 = arith.constant 0 : i32
          %dma_start3A_252 = tpu.memref_slice %arg10[%run_scoped3A_186, %dma_start3A_251] : memref<8x128xi32, #tpu.memory_space<vmem>> -> memref<1x128xi32, #tpu.memory_space<vmem>>
          %dma_start3A_253 = tpu.memref_squeeze %dma_start3A_252 : memref<1x128xi32, #tpu.memory_space<vmem>> -> memref<128xi32, #tpu.memory_space<vmem>>
          %dma_start3A_254 = arith.constant 0 : i32
          %dma_start3A_255 = arith.constant 0 : i32
          %dma_start3A_256 = tpu.memref_slice %arg13[%dma_start3A_254, %dma_start3A_255] : memref<10240x128xf32, #tpu.memory_space<vmem_shared>> -> memref<10240x128xf32, #tpu.memory_space<vmem_shared>>
          tpu.enqueue_indirect_dma source(%arg11 : memref<128x128xf32, #tpu.memory_space<vmem>>) target(%dma_start3A_256 : memref<10240x128xf32, #tpu.memory_space<vmem_shared>>) offsets(%dma_start3A_253 : memref<128xi32, #tpu.memory_space<vmem>>) semaphore(%run_scoped3A_250 : memref<!tpu.dma_semaphore, #tpu.memory_space<semaphore_mem>>) {add = true}
          %dma_wait3A_257 = arith.constant 0 : i32
          %dma_wait3A_258 = tpu.memref_slice %arg10[%run_scoped3A_186, %dma_wait3A_257] : memref<8x128xi32, #tpu.memory_space<vmem>> -> memref<1x128xi32, #tpu.memory_space<vmem>>
          %dma_wait3A_259 = tpu.memref_squeeze %dma_wait3A_258 : memref<1x128xi32, #tpu.memory_space<vmem>> -> memref<128xi32, #tpu.memory_space<vmem>>
          %dma_wait3A_260 = arith.constant 0 : i32
          %dma_wait3A_261 = arith.constant 0 : i32
          %dma_wait3A_262 = tpu.memref_slice %arg13[%dma_wait3A_260, %dma_wait3A_261] : memref<10240x128xf32, #tpu.memory_space<vmem_shared>> -> memref<10240x128xf32, #tpu.memory_space<vmem_shared>>
          tpu.wait_indirect_dma semaphore(%run_scoped3A_250 : memref<!tpu.dma_semaphore, #tpu.memory_space<semaphore_mem>>) src(%arg11 : memref<128x128xf32, #tpu.memory_space<vmem>>) dst(%dma_wait3A_262 : memref<10240x128xf32, #tpu.memory_space<vmem_shared>>)
          tpu.yield
        }) : () -> ()
        %dma_start3A_187 = arith.constant 4 : i32
        %dma_start3A_188 = arith.constant 0 : i32
        %dma_start3A_189 = tpu.memref_slice %arg9[%dma_start3A_187, %dma_start3A_188] : memref<8x128xi32, #tpu.memory_space<vmem>> -> memref<1x128xi32, #tpu.memory_space<vmem>>
        %dma_start3A_190 = tpu.memref_squeeze %dma_start3A_189 : memref<1x128xi32, #tpu.memory_space<vmem>> -> memref<128xi32, #tpu.memory_space<vmem>>
        %dma_start3A_191 = arith.constant 0 : i32
        %dma_start3A_192 = arith.constant 0 : i32
        %dma_start3A_193 = tpu.memref_slice %arg2[%dma_start3A_191, %dma_start3A_192] : memref<10000x128xf32, #tpu.memory_space<hbm>> -> memref<10000x128xf32, #tpu.memory_space<hbm>>
        tpu.enqueue_indirect_dma source(%dma_start3A_193 : memref<10000x128xf32, #tpu.memory_space<hbm>>) target(%arg11 : memref<128x128xf32, #tpu.memory_space<vmem>>) offsets(%dma_start3A_190 : memref<128xi32, #tpu.memory_space<vmem>>) semaphore(%arg15 : memref<!tpu.dma_semaphore, #tpu.memory_space<semaphore_mem>>)
        %dma_wait3A_194 = arith.constant 0 : i32
        %dma_wait3A_195 = arith.constant 0 : i32
        %dma_wait3A_196 = tpu.memref_slice %arg2[%dma_wait3A_194, %dma_wait3A_195] : memref<10000x128xf32, #tpu.memory_space<hbm>> -> memref<128x128xf32, #tpu.memory_space<hbm>>
        %dma_wait3A_197 = arith.constant 0 : i32
        %dma_wait3A_198 = arith.constant 0 : i32
        %dma_wait3A_199 = tpu.memref_slice %arg2[%dma_wait3A_197, %dma_wait3A_198] : memref<10000x128xf32, #tpu.memory_space<hbm>> -> memref<128x128xf32, #tpu.memory_space<hbm>>
        tpu.wait_dma2 semaphore(%arg16 : memref<!tpu.dma_semaphore, #tpu.memory_space<semaphore_mem>>) src(%dma_wait3A_199 : memref<128x128xf32, #tpu.memory_space<hbm>>) dst(%arg12 : memref<128x128xf32, #tpu.memory_space<vmem>>)
        %run_scoped3A_200 = arith.constant 3 : i32
        "tpu.region"() ({
          %run_scoped3A_250 = tpu.sem_alloc : memref<!tpu.dma_semaphore, #tpu.memory_space<semaphore_mem>>
          %dma_start3A_251 = arith.constant 0 : i32
          %dma_start3A_252 = tpu.memref_slice %arg10[%run_scoped3A_200, %dma_start3A_251] : memref<8x128xi32, #tpu.memory_space<vmem>> -> memref<1x128xi32, #tpu.memory_space<vmem>>
          %dma_start3A_253 = tpu.memref_squeeze %dma_start3A_252 : memref<1x128xi32, #tpu.memory_space<vmem>> -> memref<128xi32, #tpu.memory_space<vmem>>
          %dma_start3A_254 = arith.constant 0 : i32
          %dma_start3A_255 = arith.constant 0 : i32
          %dma_start3A_256 = tpu.memref_slice %arg13[%dma_start3A_254, %dma_start3A_255] : memref<10240x128xf32, #tpu.memory_space<vmem_shared>> -> memref<10240x128xf32, #tpu.memory_space<vmem_shared>>
          tpu.enqueue_indirect_dma source(%arg12 : memref<128x128xf32, #tpu.memory_space<vmem>>) target(%dma_start3A_256 : memref<10240x128xf32, #tpu.memory_space<vmem_shared>>) offsets(%dma_start3A_253 : memref<128xi32, #tpu.memory_space<vmem>>) semaphore(%run_scoped3A_250 : memref<!tpu.dma_semaphore, #tpu.memory_space<semaphore_mem>>) {add = true}
          %dma_wait3A_257 = arith.constant 0 : i32
          %dma_wait3A_258 = tpu.memref_slice %arg10[%run_scoped3A_200, %dma_wait3A_257] : memref<8x128xi32, #tpu.memory_space<vmem>> -> memref<1x128xi32, #tpu.memory_space<vmem>>
          %dma_wait3A_259 = tpu.memref_squeeze %dma_wait3A_258 : memref<1x128xi32, #tpu.memory_space<vmem>> -> memref<128xi32, #tpu.memory_space<vmem>>
          %dma_wait3A_260 = arith.constant 0 : i32
          %dma_wait3A_261 = arith.constant 0 : i32
          %dma_wait3A_262 = tpu.memref_slice %arg13[%dma_wait3A_260, %dma_wait3A_261] : memref<10240x128xf32, #tpu.memory_space<vmem_shared>> -> memref<10240x128xf32, #tpu.memory_space<vmem_shared>>
          tpu.wait_indirect_dma semaphore(%run_scoped3A_250 : memref<!tpu.dma_semaphore, #tpu.memory_space<semaphore_mem>>) src(%arg12 : memref<128x128xf32, #tpu.memory_space<vmem>>) dst(%dma_wait3A_262 : memref<10240x128xf32, #tpu.memory_space<vmem_shared>>)
          tpu.yield
        }) : () -> ()
        %dma_start3A_201 = arith.constant 5 : i32
        %dma_start3A_202 = arith.constant 0 : i32
        %dma_start3A_203 = tpu.memref_slice %arg9[%dma_start3A_201, %dma_start3A_202] : memref<8x128xi32, #tpu.memory_space<vmem>> -> memref<1x128xi32, #tpu.memory_space<vmem>>
        %dma_start3A_204 = tpu.memref_squeeze %dma_start3A_203 : memref<1x128xi32, #tpu.memory_space<vmem>> -> memref<128xi32, #tpu.memory_space<vmem>>
        %dma_start3A_205 = arith.constant 0 : i32
        %dma_start3A_206 = arith.constant 0 : i32
        %dma_start3A_207 = tpu.memref_slice %arg2[%dma_start3A_205, %dma_start3A_206] : memref<10000x128xf32, #tpu.memory_space<hbm>> -> memref<10000x128xf32, #tpu.memory_space<hbm>>
        tpu.enqueue_indirect_dma source(%dma_start3A_207 : memref<10000x128xf32, #tpu.memory_space<hbm>>) target(%arg12 : memref<128x128xf32, #tpu.memory_space<vmem>>) offsets(%dma_start3A_204 : memref<128xi32, #tpu.memory_space<vmem>>) semaphore(%arg16 : memref<!tpu.dma_semaphore, #tpu.memory_space<semaphore_mem>>)
        %dma_wait3A_208 = arith.constant 0 : i32
        %dma_wait3A_209 = arith.constant 0 : i32
        %dma_wait3A_210 = tpu.memref_slice %arg2[%dma_wait3A_208, %dma_wait3A_209] : memref<10000x128xf32, #tpu.memory_space<hbm>> -> memref<128x128xf32, #tpu.memory_space<hbm>>
        %dma_wait3A_211 = arith.constant 0 : i32
        %dma_wait3A_212 = arith.constant 0 : i32
        %dma_wait3A_213 = tpu.memref_slice %arg2[%dma_wait3A_211, %dma_wait3A_212] : memref<10000x128xf32, #tpu.memory_space<hbm>> -> memref<128x128xf32, #tpu.memory_space<hbm>>
        tpu.wait_dma2 semaphore(%arg15 : memref<!tpu.dma_semaphore, #tpu.memory_space<semaphore_mem>>) src(%dma_wait3A_213 : memref<128x128xf32, #tpu.memory_space<hbm>>) dst(%arg11 : memref<128x128xf32, #tpu.memory_space<vmem>>)
        %run_scoped3A_214 = arith.constant 4 : i32
        "tpu.region"() ({
          %run_scoped3A_250 = tpu.sem_alloc : memref<!tpu.dma_semaphore, #tpu.memory_space<semaphore_mem>>
          %dma_start3A_251 = arith.constant 0 : i32
          %dma_start3A_252 = tpu.memref_slice %arg10[%run_scoped3A_214, %dma_start3A_251] : memref<8x128xi32, #tpu.memory_space<vmem>> -> memref<1x128xi32, #tpu.memory_space<vmem>>
          %dma_start3A_253 = tpu.memref_squeeze %dma_start3A_252 : memref<1x128xi32, #tpu.memory_space<vmem>> -> memref<128xi32, #tpu.memory_space<vmem>>
          %dma_start3A_254 = arith.constant 0 : i32
          %dma_start3A_255 = arith.constant 0 : i32
          %dma_start3A_256 = tpu.memref_slice %arg13[%dma_start3A_254, %dma_start3A_255] : memref<10240x128xf32, #tpu.memory_space<vmem_shared>> -> memref<10240x128xf32, #tpu.memory_space<vmem_shared>>
          tpu.enqueue_indirect_dma source(%arg11 : memref<128x128xf32, #tpu.memory_space<vmem>>) target(%dma_start3A_256 : memref<10240x128xf32, #tpu.memory_space<vmem_shared>>) offsets(%dma_start3A_253 : memref<128xi32, #tpu.memory_space<vmem>>) semaphore(%run_scoped3A_250 : memref<!tpu.dma_semaphore, #tpu.memory_space<semaphore_mem>>) {add = true}
          %dma_wait3A_257 = arith.constant 0 : i32
          %dma_wait3A_258 = tpu.memref_slice %arg10[%run_scoped3A_214, %dma_wait3A_257] : memref<8x128xi32, #tpu.memory_space<vmem>> -> memref<1x128xi32, #tpu.memory_space<vmem>>
          %dma_wait3A_259 = tpu.memref_squeeze %dma_wait3A_258 : memref<1x128xi32, #tpu.memory_space<vmem>> -> memref<128xi32, #tpu.memory_space<vmem>>
          %dma_wait3A_260 = arith.constant 0 : i32
          %dma_wait3A_261 = arith.constant 0 : i32
          %dma_wait3A_262 = tpu.memref_slice %arg13[%dma_wait3A_260, %dma_wait3A_261] : memref<10240x128xf32, #tpu.memory_space<vmem_shared>> -> memref<10240x128xf32, #tpu.memory_space<vmem_shared>>
          tpu.wait_indirect_dma semaphore(%run_scoped3A_250 : memref<!tpu.dma_semaphore, #tpu.memory_space<semaphore_mem>>) src(%arg11 : memref<128x128xf32, #tpu.memory_space<vmem>>) dst(%dma_wait3A_262 : memref<10240x128xf32, #tpu.memory_space<vmem_shared>>)
          tpu.yield
        }) : () -> ()
        %dma_start3A_215 = arith.constant 6 : i32
        %dma_start3A_216 = arith.constant 0 : i32
        %dma_start3A_217 = tpu.memref_slice %arg9[%dma_start3A_215, %dma_start3A_216] : memref<8x128xi32, #tpu.memory_space<vmem>> -> memref<1x128xi32, #tpu.memory_space<vmem>>
        %dma_start3A_218 = tpu.memref_squeeze %dma_start3A_217 : memref<1x128xi32, #tpu.memory_space<vmem>> -> memref<128xi32, #tpu.memory_space<vmem>>
        %dma_start3A_219 = arith.constant 0 : i32
        %dma_start3A_220 = arith.constant 0 : i32
        %dma_start3A_221 = tpu.memref_slice %arg2[%dma_start3A_219, %dma_start3A_220] : memref<10000x128xf32, #tpu.memory_space<hbm>> -> memref<10000x128xf32, #tpu.memory_space<hbm>>
        tpu.enqueue_indirect_dma source(%dma_start3A_221 : memref<10000x128xf32, #tpu.memory_space<hbm>>) target(%arg11 : memref<128x128xf32, #tpu.memory_space<vmem>>) offsets(%dma_start3A_218 : memref<128xi32, #tpu.memory_space<vmem>>) semaphore(%arg15 : memref<!tpu.dma_semaphore, #tpu.memory_space<semaphore_mem>>)
        %dma_wait3A_222 = arith.constant 0 : i32
        %dma_wait3A_223 = arith.constant 0 : i32
        %dma_wait3A_224 = tpu.memref_slice %arg2[%dma_wait3A_222, %dma_wait3A_223] : memref<10000x128xf32, #tpu.memory_space<hbm>> -> memref<128x128xf32, #tpu.memory_space<hbm>>
        %dma_wait3A_225 = arith.constant 0 : i32
        %dma_wait3A_226 = arith.constant 0 : i32
        %dma_wait3A_227 = tpu.memref_slice %arg2[%dma_wait3A_225, %dma_wait3A_226] : memref<10000x128xf32, #tpu.memory_space<hbm>> -> memref<128x128xf32, #tpu.memory_space<hbm>>
        tpu.wait_dma2 semaphore(%arg16 : memref<!tpu.dma_semaphore, #tpu.memory_space<semaphore_mem>>) src(%dma_wait3A_227 : memref<128x128xf32, #tpu.memory_space<hbm>>) dst(%arg12 : memref<128x128xf32, #tpu.memory_space<vmem>>)
        %run_scoped3A_228 = arith.constant 5 : i32
        "tpu.region"() ({
          %run_scoped3A_250 = tpu.sem_alloc : memref<!tpu.dma_semaphore, #tpu.memory_space<semaphore_mem>>
          %dma_start3A_251 = arith.constant 0 : i32
          %dma_start3A_252 = tpu.memref_slice %arg10[%run_scoped3A_228, %dma_start3A_251] : memref<8x128xi32, #tpu.memory_space<vmem>> -> memref<1x128xi32, #tpu.memory_space<vmem>>
          %dma_start3A_253 = tpu.memref_squeeze %dma_start3A_252 : memref<1x128xi32, #tpu.memory_space<vmem>> -> memref<128xi32, #tpu.memory_space<vmem>>
          %dma_start3A_254 = arith.constant 0 : i32
          %dma_start3A_255 = arith.constant 0 : i32
          %dma_start3A_256 = tpu.memref_slice %arg13[%dma_start3A_254, %dma_start3A_255] : memref<10240x128xf32, #tpu.memory_space<vmem_shared>> -> memref<10240x128xf32, #tpu.memory_space<vmem_shared>>
          tpu.enqueue_indirect_dma source(%arg12 : memref<128x128xf32, #tpu.memory_space<vmem>>) target(%dma_start3A_256 : memref<10240x128xf32, #tpu.memory_space<vmem_shared>>) offsets(%dma_start3A_253 : memref<128xi32, #tpu.memory_space<vmem>>) semaphore(%run_scoped3A_250 : memref<!tpu.dma_semaphore, #tpu.memory_space<semaphore_mem>>) {add = true}
          %dma_wait3A_257 = arith.constant 0 : i32
          %dma_wait3A_258 = tpu.memref_slice %arg10[%run_scoped3A_228, %dma_wait3A_257] : memref<8x128xi32, #tpu.memory_space<vmem>> -> memref<1x128xi32, #tpu.memory_space<vmem>>
          %dma_wait3A_259 = tpu.memref_squeeze %dma_wait3A_258 : memref<1x128xi32, #tpu.memory_space<vmem>> -> memref<128xi32, #tpu.memory_space<vmem>>
          %dma_wait3A_260 = arith.constant 0 : i32
          %dma_wait3A_261 = arith.constant 0 : i32
          %dma_wait3A_262 = tpu.memref_slice %arg13[%dma_wait3A_260, %dma_wait3A_261] : memref<10240x128xf32, #tpu.memory_space<vmem_shared>> -> memref<10240x128xf32, #tpu.memory_space<vmem_shared>>
          tpu.wait_indirect_dma semaphore(%run_scoped3A_250 : memref<!tpu.dma_semaphore, #tpu.memory_space<semaphore_mem>>) src(%arg12 : memref<128x128xf32, #tpu.memory_space<vmem>>) dst(%dma_wait3A_262 : memref<10240x128xf32, #tpu.memory_space<vmem_shared>>)
          tpu.yield
        }) : () -> ()
        %dma_start3A_229 = arith.constant 7 : i32
        %dma_start3A_230 = arith.constant 0 : i32
        %dma_start3A_231 = tpu.memref_slice %arg9[%dma_start3A_229, %dma_start3A_230] : memref<8x128xi32, #tpu.memory_space<vmem>> -> memref<1x128xi32, #tpu.memory_space<vmem>>
        %dma_start3A_232 = tpu.memref_squeeze %dma_start3A_231 : memref<1x128xi32, #tpu.memory_space<vmem>> -> memref<128xi32, #tpu.memory_space<vmem>>
        %dma_start3A_233 = arith.constant 0 : i32
        %dma_start3A_234 = arith.constant 0 : i32
        %dma_start3A_235 = tpu.memref_slice %arg2[%dma_start3A_233, %dma_start3A_234] : memref<10000x128xf32, #tpu.memory_space<hbm>> -> memref<10000x128xf32, #tpu.memory_space<hbm>>
        tpu.enqueue_indirect_dma source(%dma_start3A_235 : memref<10000x128xf32, #tpu.memory_space<hbm>>) target(%arg12 : memref<128x128xf32, #tpu.memory_space<vmem>>) offsets(%dma_start3A_232 : memref<128xi32, #tpu.memory_space<vmem>>) semaphore(%arg16 : memref<!tpu.dma_semaphore, #tpu.memory_space<semaphore_mem>>)
        %dma_wait3A_236 = arith.constant 0 : i32
        %dma_wait3A_237 = arith.constant 0 : i32
        %dma_wait3A_238 = tpu.memref_slice %arg2[%dma_wait3A_236, %dma_wait3A_237] : memref<10000x128xf32, #tpu.memory_space<hbm>> -> memref<128x128xf32, #tpu.memory_space<hbm>>
        %dma_wait3A_239 = arith.constant 0 : i32
        %dma_wait3A_240 = arith.constant 0 : i32
        %dma_wait3A_241 = tpu.memref_slice %arg2[%dma_wait3A_239, %dma_wait3A_240] : memref<10000x128xf32, #tpu.memory_space<hbm>> -> memref<128x128xf32, #tpu.memory_space<hbm>>
        tpu.wait_dma2 semaphore(%arg15 : memref<!tpu.dma_semaphore, #tpu.memory_space<semaphore_mem>>) src(%dma_wait3A_241 : memref<128x128xf32, #tpu.memory_space<hbm>>) dst(%arg11 : memref<128x128xf32, #tpu.memory_space<vmem>>)
        %run_scoped3A_242 = arith.constant 6 : i32
        "tpu.region"() ({
          %run_scoped3A_250 = tpu.sem_alloc : memref<!tpu.dma_semaphore, #tpu.memory_space<semaphore_mem>>
          %dma_start3A_251 = arith.constant 0 : i32
          %dma_start3A_252 = tpu.memref_slice %arg10[%run_scoped3A_242, %dma_start3A_251] : memref<8x128xi32, #tpu.memory_space<vmem>> -> memref<1x128xi32, #tpu.memory_space<vmem>>
          %dma_start3A_253 = tpu.memref_squeeze %dma_start3A_252 : memref<1x128xi32, #tpu.memory_space<vmem>> -> memref<128xi32, #tpu.memory_space<vmem>>
          %dma_start3A_254 = arith.constant 0 : i32
          %dma_start3A_255 = arith.constant 0 : i32
          %dma_start3A_256 = tpu.memref_slice %arg13[%dma_start3A_254, %dma_start3A_255] : memref<10240x128xf32, #tpu.memory_space<vmem_shared>> -> memref<10240x128xf32, #tpu.memory_space<vmem_shared>>
          tpu.enqueue_indirect_dma source(%arg11 : memref<128x128xf32, #tpu.memory_space<vmem>>) target(%dma_start3A_256 : memref<10240x128xf32, #tpu.memory_space<vmem_shared>>) offsets(%dma_start3A_253 : memref<128xi32, #tpu.memory_space<vmem>>) semaphore(%run_scoped3A_250 : memref<!tpu.dma_semaphore, #tpu.memory_space<semaphore_mem>>) {add = true}
          %dma_wait3A_257 = arith.constant 0 : i32
          %dma_wait3A_258 = tpu.memref_slice %arg10[%run_scoped3A_242, %dma_wait3A_257] : memref<8x128xi32, #tpu.memory_space<vmem>> -> memref<1x128xi32, #tpu.memory_space<vmem>>
          %dma_wait3A_259 = tpu.memref_squeeze %dma_wait3A_258 : memref<1x128xi32, #tpu.memory_space<vmem>> -> memref<128xi32, #tpu.memory_space<vmem>>
          %dma_wait3A_260 = arith.constant 0 : i32
          %dma_wait3A_261 = arith.constant 0 : i32
          %dma_wait3A_262 = tpu.memref_slice %arg13[%dma_wait3A_260, %dma_wait3A_261] : memref<10240x128xf32, #tpu.memory_space<vmem_shared>> -> memref<10240x128xf32, #tpu.memory_space<vmem_shared>>
          tpu.wait_indirect_dma semaphore(%run_scoped3A_250 : memref<!tpu.dma_semaphore, #tpu.memory_space<semaphore_mem>>) src(%arg11 : memref<128x128xf32, #tpu.memory_space<vmem>>) dst(%dma_wait3A_262 : memref<10240x128xf32, #tpu.memory_space<vmem_shared>>)
          tpu.yield
        }) : () -> ()
        %dma_wait3A_243 = arith.constant 0 : i32
        %dma_wait3A_244 = arith.constant 0 : i32
        %dma_wait3A_245 = tpu.memref_slice %arg2[%dma_wait3A_243, %dma_wait3A_244] : memref<10000x128xf32, #tpu.memory_space<hbm>> -> memref<128x128xf32, #tpu.memory_space<hbm>>
        %dma_wait3A_246 = arith.constant 0 : i32
        %dma_wait3A_247 = arith.constant 0 : i32
        %dma_wait3A_248 = tpu.memref_slice %arg2[%dma_wait3A_246, %dma_wait3A_247] : memref<10000x128xf32, #tpu.memory_space<hbm>> -> memref<128x128xf32, #tpu.memory_space<hbm>>
        tpu.wait_dma2 semaphore(%arg16 : memref<!tpu.dma_semaphore, #tpu.memory_space<semaphore_mem>>) src(%dma_wait3A_248 : memref<128x128xf32, #tpu.memory_space<hbm>>) dst(%arg12 : memref<128x128xf32, #tpu.memory_space<vmem>>)
        %run_scoped3A_249 = arith.constant 7 : i32
        "tpu.region"() ({
          %run_scoped3A_250 = tpu.sem_alloc : memref<!tpu.dma_semaphore, #tpu.memory_space<semaphore_mem>>
          %dma_start3A_251 = arith.constant 0 : i32
          %dma_start3A_252 = tpu.memref_slice %arg10[%run_scoped3A_249, %dma_start3A_251] : memref<8x128xi32, #tpu.memory_space<vmem>> -> memref<1x128xi32, #tpu.memory_space<vmem>>
          %dma_start3A_253 = tpu.memref_squeeze %dma_start3A_252 : memref<1x128xi32, #tpu.memory_space<vmem>> -> memref<128xi32, #tpu.memory_space<vmem>>
          %dma_start3A_254 = arith.constant 0 : i32
          %dma_start3A_255 = arith.constant 0 : i32
          %dma_start3A_256 = tpu.memref_slice %arg13[%dma_start3A_254, %dma_start3A_255] : memref<10240x128xf32, #tpu.memory_space<vmem_shared>> -> memref<10240x128xf32, #tpu.memory_space<vmem_shared>>
          tpu.enqueue_indirect_dma source(%arg12 : memref<128x128xf32, #tpu.memory_space<vmem>>) target(%dma_start3A_256 : memref<10240x128xf32, #tpu.memory_space<vmem_shared>>) offsets(%dma_start3A_253 : memref<128xi32, #tpu.memory_space<vmem>>) semaphore(%run_scoped3A_250 : memref<!tpu.dma_semaphore, #tpu.memory_space<semaphore_mem>>) {add = true}
          %dma_wait3A_257 = arith.constant 0 : i32
          %dma_wait3A_258 = tpu.memref_slice %arg10[%run_scoped3A_249, %dma_wait3A_257] : memref<8x128xi32, #tpu.memory_space<vmem>> -> memref<1x128xi32, #tpu.memory_space<vmem>>
          %dma_wait3A_259 = tpu.memref_squeeze %dma_wait3A_258 : memref<1x128xi32, #tpu.memory_space<vmem>> -> memref<128xi32, #tpu.memory_space<vmem>>
          %dma_wait3A_260 = arith.constant 0 : i32
          %dma_wait3A_261 = arith.constant 0 : i32
          %dma_wait3A_262 = tpu.memref_slice %arg13[%dma_wait3A_260, %dma_wait3A_261] : memref<10240x128xf32, #tpu.memory_space<vmem_shared>> -> memref<10240x128xf32, #tpu.memory_space<vmem_shared>>
          tpu.wait_indirect_dma semaphore(%run_scoped3A_250 : memref<!tpu.dma_semaphore, #tpu.memory_space<semaphore_mem>>) src(%arg12 : memref<128x128xf32, #tpu.memory_space<vmem>>) dst(%dma_wait3A_262 : memref<10240x128xf32, #tpu.memory_space<vmem_shared>>)
          tpu.yield
        }) : () -> ()
      } else {
      }
    }
    %scan3A_7 = arith.constant 10 : i32
    "tpu.trace_stop"() : () -> ()
    "tpu.trace_start"() <{level = 10 : i32, message = "msg_tail"}> : () -> ()
    %barrier3A_8 = arith.constant 0 : index
    tpu.barrier barrier_id(%barrier3A_8)
    %mul3A_9 = arith.constant 640 : i32
    %mul3A_10 = arith.muli %arg1, %mul3A_9 : i32
    %mul3A_11 = arith.constant 640 : i32
    %mul3A_12 = arith.muli %arg1, %mul3A_11 : i32
    "tpu.region"() ({
      %run_scoped3A = tpu.sem_alloc : memref<!tpu.dma_semaphore, #tpu.memory_space<semaphore_mem>>
      %dma_start3A = arith.constant 0 : i32
      %dma_start3A_13 = tpu.memref_slice %arg6[%arg0, %mul3A_12, %dma_start3A] : memref<2x10240x128xf32, #tpu.memory_space<hbm>> -> memref<1x640x128xf32, #tpu.memory_space<hbm>>
      %dma_start3A_14 = tpu.memref_squeeze %dma_start3A_13 : memref<1x640x128xf32, #tpu.memory_space<hbm>> -> memref<640x128xf32, #tpu.memory_space<hbm>>
      %dma_start3A_15 = arith.constant 0 : i32
      %dma_start3A_16 = tpu.memref_slice %arg13[%mul3A_10, %dma_start3A_15] : memref<10240x128xf32, #tpu.memory_space<vmem_shared>> -> memref<640x128xf32, #tpu.memory_space<vmem_shared>>
      tpu.enqueue_dma source(%dma_start3A_16 : memref<640x128xf32, #tpu.memory_space<vmem_shared>>) target(%dma_start3A_14 : memref<640x128xf32, #tpu.memory_space<hbm>>) target_semaphore(%run_scoped3A : memref<!tpu.dma_semaphore, #tpu.memory_space<semaphore_mem>>)
      %dma_wait3A = arith.constant 0 : i32
      %dma_wait3A_17 = tpu.memref_slice %arg6[%arg0, %mul3A_12, %dma_wait3A] : memref<2x10240x128xf32, #tpu.memory_space<hbm>> -> memref<1x640x128xf32, #tpu.memory_space<hbm>>
      %dma_wait3A_18 = tpu.memref_squeeze %dma_wait3A_17 : memref<1x640x128xf32, #tpu.memory_space<hbm>> -> memref<640x128xf32, #tpu.memory_space<hbm>>
      %dma_wait3A_19 = arith.constant 0 : i32
      %dma_wait3A_20 = tpu.memref_slice %arg13[%mul3A_10, %dma_wait3A_19] : memref<10240x128xf32, #tpu.memory_space<vmem_shared>> -> memref<640x128xf32, #tpu.memory_space<vmem_shared>>
      tpu.wait_dma2 semaphore(%run_scoped3A : memref<!tpu.dma_semaphore, #tpu.memory_space<semaphore_mem>>) src(%dma_wait3A_20 : memref<640x128xf32, #tpu.memory_space<vmem_shared>>) dst(%dma_wait3A_18 : memref<640x128xf32, #tpu.memory_space<hbm>>)
      tpu.yield
    }) : () -> ()
    "tpu.trace_stop"() : () -> ()
    return
  }
}

module attributes {stable_mosaic.version = 14 : i64} {
  func.func @_k1_body(%arg0: i32, %arg1: memref<1000x128xf32, #tpu.memory_space<vmem>>, %arg2: memref<128x128xf32, #tpu.memory_space<vmem>>, %arg3: memref<1000x1xf32, #tpu.memory_space<vmem>>, %arg4: memref<1000x1xf32, #tpu.memory_space<vmem>>, %arg5: memref<1000x128xf32, #tpu.memory_space<vmem>>) attributes {dimension_semantics = [#tpu.dimension_semantics<arbitrary>], iteration_bounds = array<i64: 10>, scalar_prefetch = 0 : i64, scratch_operands = 0 : i64, tpu.core_type = #tpu.core_type<tc>, window_params = [{transform_indices = @transform_0, window_bounds = array<i64: 1000, 128>}, {pipeline_mode = #tpu.pipeline_mode<synchronous>, transform_indices = @transform_1, window_bounds = array<i64: 128, 128>}, {transform_indices = @transform_2, window_bounds = array<i64: 1000, 1>}, {transform_indices = @transform_3, window_bounds = array<i64: 1000, 1>}, {transform_indices = @transform_4, window_bounds = array<i64: 1000, 128>}]} {
    %get3A = arith.constant 0 : index
    %get3A_0 = arith.constant 0 : index
    %get3A_1 = vector.load %arg3[%get3A, %get3A_0] : memref<1000x1xf32, #tpu.memory_space<vmem>>, vector<1000x1xf32>
    %add3A = arith.constant 1.000000e+00 : f32
    %add3A_2 = vector.broadcast %add3A : f32 to vector<1000x1xf32>
    %add3A_3 = arith.addf %add3A_2, %get3A_1 : vector<1000x1xf32>
    %get3A_4 = arith.constant 0 : index
    %get3A_5 = arith.constant 0 : index
    %get3A_6 = vector.load %arg4[%get3A_4, %get3A_5] : memref<1000x1xf32, #tpu.memory_space<vmem>>, vector<1000x1xf32>
    %add3A_7 = arith.addf %add3A_3, %get3A_6 : vector<1000x1xf32>
    %rsqrt3A = math.rsqrt %add3A_7 : vector<1000x1xf32>
    %get3A_8 = arith.constant 0 : index
    %get3A_9 = arith.constant 0 : index
    %get3A_10 = vector.load %arg1[%get3A_8, %get3A_9] : memref<1000x128xf32, #tpu.memory_space<vmem>>, vector<1000x128xf32>
    %get3A_11 = arith.constant 0 : index
    %get3A_12 = arith.constant 0 : index
    %get3A_13 = vector.load %arg2[%get3A_11, %get3A_12] : memref<128x128xf32, #tpu.memory_space<vmem>>, vector<128x128xf32>
    %dot_general3A = arith.constant dense<0.000000e+00> : vector<1000x128xf32>
    %dot_general3A_14 = tpu.matmul %get3A_10, %get3A_13, %dot_general3A {dimension_numbers = #tpu.dot_dimension_numbers<[1], [0], [0], [1], [0, 0, 1, 1], [], []>, transpose_lhs_hint = false} : vector<1000x128xf32>, vector<128x128xf32>, vector<1000x128xf32> -> vector<1000x128xf32>
    %mul3A = vector.broadcast %rsqrt3A : vector<1000x1xf32> to vector<1000x128xf32>
    %mul3A_15 = arith.mulf %dot_general3A_14, %mul3A : vector<1000x128xf32>
    %swap3A = arith.constant 0 : index
    %swap3A_16 = arith.constant 0 : index
    %swap3A_17 = vector.load %arg5[%swap3A, %swap3A_16] : memref<1000x128xf32, #tpu.memory_space<vmem>>, vector<1000x128xf32>
    tpu.vector_store %arg5[%swap3A, %swap3A_16], %mul3A_15 {strides = array<i32>} : memref<1000x128xf32, #tpu.memory_space<vmem>>, vector<1000x128xf32>,
    return
  }
  func.func @transform_0(%arg0: i32) -> (i32, i32) {
    %c0_i32 = arith.constant 0 : i32
    %c0_i32_0 = arith.constant 0 : i32
    return %arg0, %c0_i32 : i32, i32
  }
  func.func @transform_1(%arg0: i32) -> (i32, i32) {
    %c0_i32 = arith.constant 0 : i32
    %c0_i32_0 = arith.constant 0 : i32
    %c0_i32_1 = arith.constant 0 : i32
    return %c0_i32, %c0_i32_0 : i32, i32
  }
  func.func @transform_2(%arg0: i32) -> (i32, i32) {
    %c0_i32 = arith.constant 0 : i32
    %c0_i32_0 = arith.constant 0 : i32
    return %arg0, %c0_i32 : i32, i32
  }
  func.func @transform_3(%arg0: i32) -> (i32, i32) {
    %c0_i32 = arith.constant 0 : i32
    %c0_i32_0 = arith.constant 0 : i32
    return %arg0, %c0_i32 : i32, i32
  }
  func.func @transform_4(%arg0: i32) -> (i32, i32) {
    %c0_i32 = arith.constant 0 : i32
    %c0_i32_0 = arith.constant 0 : i32
    return %arg0, %c0_i32 : i32, i32
  }
}

module attributes {stable_mosaic.version = 14 : i64} {
  func.func @_k2_body(%arg0: i32, %arg1: memref<1000x128xf32, #tpu.memory_space<vmem>>, %arg2: memref<1000x128xf32, #tpu.memory_space<vmem>>, %arg3: memref<1000x128xf32, #tpu.memory_space<vmem>>, %arg4: memref<1000x1xf32, #tpu.memory_space<vmem>>, %arg5: memref<1000x1xf32, #tpu.memory_space<vmem>>, %arg6: memref<1x128xf32, #tpu.memory_space<vmem>>, %arg7: memref<1x128xf32, #tpu.memory_space<vmem>>, %arg8: memref<1x128xf32, #tpu.memory_space<vmem>>, %arg9: memref<128x128xf32, #tpu.memory_space<vmem>>, %arg10: memref<1000x128xf32, #tpu.memory_space<vmem>>) attributes {dimension_semantics = [#tpu.dimension_semantics<arbitrary>], iteration_bounds = array<i64: 10>, scalar_prefetch = 0 : i64, scratch_operands = 0 : i64, tpu.core_type = #tpu.core_type<tc>, window_params = [{transform_indices = @transform_0, window_bounds = array<i64: 1000, 128>}, {transform_indices = @transform_1, window_bounds = array<i64: 1000, 128>}, {transform_indices = @transform_2, window_bounds = array<i64: 1000, 128>}, {transform_indices = @transform_3, window_bounds = array<i64: 1000, 1>}, {transform_indices = @transform_4, window_bounds = array<i64: 1000, 1>}, {pipeline_mode = #tpu.pipeline_mode<synchronous>, transform_indices = @transform_5, window_bounds = array<i64: 1, 128>}, {pipeline_mode = #tpu.pipeline_mode<synchronous>, transform_indices = @transform_6, window_bounds = array<i64: 1, 128>}, {pipeline_mode = #tpu.pipeline_mode<synchronous>, transform_indices = @transform_7, window_bounds = array<i64: 1, 128>}, {pipeline_mode = #tpu.pipeline_mode<synchronous>, transform_indices = @transform_8, window_bounds = array<i64: 128, 128>}, {transform_indices = @transform_9, window_bounds = array<i64: 1000, 128>}]} {
    %get3A = arith.constant 0 : index
    %get3A_0 = arith.constant 0 : index
    %get3A_1 = vector.load %arg4[%get3A, %get3A_0] : memref<1000x1xf32, #tpu.memory_space<vmem>>, vector<1000x1xf32>
    %add3A = arith.constant 1.000000e+00 : f32
    %add3A_2 = vector.broadcast %add3A : f32 to vector<1000x1xf32>
    %add3A_3 = arith.addf %add3A_2, %get3A_1 : vector<1000x1xf32>
    %get3A_4 = arith.constant 0 : index
    %get3A_5 = arith.constant 0 : index
    %get3A_6 = vector.load %arg5[%get3A_4, %get3A_5] : memref<1000x1xf32, #tpu.memory_space<vmem>>, vector<1000x1xf32>
    %add3A_7 = arith.addf %add3A_3, %get3A_6 : vector<1000x1xf32>
    %rsqrt3A = math.rsqrt %add3A_7 : vector<1000x1xf32>
    %get3A_8 = arith.constant 0 : index
    %get3A_9 = arith.constant 0 : index
    %get3A_10 = vector.load %arg1[%get3A_8, %get3A_9] : memref<1000x128xf32, #tpu.memory_space<vmem>>, vector<1000x128xf32>
    %get3A_11 = arith.constant 0 : index
    %get3A_12 = arith.constant 0 : index
    %get3A_13 = vector.load %arg2[%get3A_11, %get3A_12] : memref<1000x128xf32, #tpu.memory_space<vmem>>, vector<1000x128xf32>
    %add3A_14 = arith.addf %get3A_10, %get3A_13 : vector<1000x128xf32>
    %get3A_15 = arith.constant 0 : index
    %get3A_16 = arith.constant 0 : index
    %get3A_17 = vector.load %arg3[%get3A_15, %get3A_16] : memref<1000x128xf32, #tpu.memory_space<vmem>>, vector<1000x128xf32>
    %add3A_18 = arith.addf %add3A_14, %get3A_17 : vector<1000x128xf32>
    %mul3A = vector.broadcast %rsqrt3A : vector<1000x1xf32> to vector<1000x128xf32>
    %mul3A_19 = arith.mulf %mul3A, %add3A_18 : vector<1000x128xf32>
    %get3A_20 = arith.constant 0 : index
    %get3A_21 = arith.constant 0 : index
    %get3A_22 = vector.load %arg6[%get3A_20, %get3A_21] : memref<1x128xf32, #tpu.memory_space<vmem>>, vector<1x128xf32>
    %add3A_23 = vector.broadcast %get3A_22 : vector<1x128xf32> to vector<1000x128xf32>
    %add3A_24 = arith.addf %mul3A_19, %add3A_23 : vector<1000x128xf32>
    %get3A_25 = arith.constant 0 : index
    %get3A_26 = arith.constant 0 : index
    %get3A_27 = vector.load %arg7[%get3A_25, %get3A_26] : memref<1x128xf32, #tpu.memory_space<vmem>>, vector<1x128xf32>
    %mul3A_28 = arith.constant 0.999994993 : f32
    %mul3A_29 = vector.broadcast %mul3A_28 : f32 to vector<1x128xf32>
    %mul3A_30 = arith.mulf %get3A_27, %mul3A_29 : vector<1x128xf32>
    %mul3A_31 = vector.broadcast %mul3A_30 : vector<1x128xf32> to vector<1000x128xf32>
    %mul3A_32 = arith.mulf %add3A_24, %mul3A_31 : vector<1000x128xf32>
    %get3A_33 = arith.constant 0 : index
    %get3A_34 = arith.constant 0 : index
    %get3A_35 = vector.load %arg8[%get3A_33, %get3A_34] : memref<1x128xf32, #tpu.memory_space<vmem>>, vector<1x128xf32>
    %add3A_36 = vector.broadcast %get3A_35 : vector<1x128xf32> to vector<1000x128xf32>
    %add3A_37 = arith.addf %mul3A_32, %add3A_36 : vector<1000x128xf32>
    %max3A = arith.constant 0.000000e+00 : f32
    %max3A_38 = vector.broadcast %max3A : f32 to vector<1000x128xf32>
    %max3A_39 = arith.maximumf %add3A_37, %max3A_38 : vector<1000x128xf32>
    %get3A_40 = arith.constant 0 : index
    %get3A_41 = arith.constant 0 : index
    %get3A_42 = vector.load %arg9[%get3A_40, %get3A_41] : memref<128x128xf32, #tpu.memory_space<vmem>>, vector<128x128xf32>
    %dot_general3A = arith.constant dense<0.000000e+00> : vector<1000x128xf32>
    %dot_general3A_43 = tpu.matmul %max3A_39, %get3A_42, %dot_general3A {dimension_numbers = #tpu.dot_dimension_numbers<[1], [0], [0], [1], [0, 0, 1, 1], [], []>, transpose_lhs_hint = false} : vector<1000x128xf32>, vector<128x128xf32>, vector<1000x128xf32> -> vector<1000x128xf32>
    %mul3A_44 = vector.broadcast %rsqrt3A : vector<1000x1xf32> to vector<1000x128xf32>
    %mul3A_45 = arith.mulf %dot_general3A_43, %mul3A_44 : vector<1000x128xf32>
    %swap3A = arith.constant 0 : index
    %swap3A_46 = arith.constant 0 : index
    %swap3A_47 = vector.load %arg10[%swap3A, %swap3A_46] : memref<1000x128xf32, #tpu.memory_space<vmem>>, vector<1000x128xf32>
    tpu.vector_store %arg10[%swap3A, %swap3A_46], %mul3A_45 {strides = array<i32>} : memref<1000x128xf32, #tpu.memory_space<vmem>>, vector<1000x128xf32>,
    return
  }
  func.func @transform_0(%arg0: i32) -> (i32, i32) {
    %c0_i32 = arith.constant 0 : i32
    %c0_i32_0 = arith.constant 0 : i32
    return %arg0, %c0_i32 : i32, i32
  }
  func.func @transform_1(%arg0: i32) -> (i32, i32) {
    %c0_i32 = arith.constant 0 : i32
    %c0_i32_0 = arith.constant 0 : i32
    return %arg0, %c0_i32 : i32, i32
  }
  func.func @transform_2(%arg0: i32) -> (i32, i32) {
    %c0_i32 = arith.constant 0 : i32
    %c0_i32_0 = arith.constant 0 : i32
    return %arg0, %c0_i32 : i32, i32
  }
  func.func @transform_3(%arg0: i32) -> (i32, i32) {
    %c0_i32 = arith.constant 0 : i32
    %c0_i32_0 = arith.constant 0 : i32
    return %arg0, %c0_i32 : i32, i32
  }
  func.func @transform_4(%arg0: i32) -> (i32, i32) {
    %c0_i32 = arith.constant 0 : i32
    %c0_i32_0 = arith.constant 0 : i32
    return %arg0, %c0_i32 : i32, i32
  }
  func.func @transform_5(%arg0: i32) -> (i32, i32) {
    %c0_i32 = arith.constant 0 : i32
    %c0_i32_0 = arith.constant 0 : i32
    %c0_i32_1 = arith.constant 0 : i32
    return %c0_i32, %c0_i32_0 : i32, i32
  }
  func.func @transform_6(%arg0: i32) -> (i32, i32) {
    %c0_i32 = arith.constant 0 : i32
    %c0_i32_0 = arith.constant 0 : i32
    %c0_i32_1 = arith.constant 0 : i32
    return %c0_i32, %c0_i32_0 : i32, i32
  }
  func.func @transform_7(%arg0: i32) -> (i32, i32) {
    %c0_i32 = arith.constant 0 : i32
    %c0_i32_0 = arith.constant 0 : i32
    %c0_i32_1 = arith.constant 0 : i32
    return %c0_i32, %c0_i32_0 : i32, i32
  }
  func.func @transform_8(%arg0: i32) -> (i32, i32) {
    %c0_i32 = arith.constant 0 : i32
    %c0_i32_0 = arith.constant 0 : i32
    %c0_i32_1 = arith.constant 0 : i32
    return %c0_i32, %c0_i32_0 : i32, i32
  }
  func.func @transform_9(%arg0: i32) -> (i32, i32) {
    %c0_i32 = arith.constant 0 : i32
    %c0_i32_0 = arith.constant 0 : i32
    return %arg0, %c0_i32 : i32, i32
  }
}

module attributes {stable_mosaic.version = 14 : i64} {
  func.func @_k3_body(%arg0: i32, %arg1: memref<1000x128xf32, #tpu.memory_space<vmem>>, %arg2: memref<1000x128xf32, #tpu.memory_space<vmem>>, %arg3: memref<1000x128xf32, #tpu.memory_space<vmem>>, %arg4: memref<1000x1xf32, #tpu.memory_space<vmem>>, %arg5: memref<1000x1xf32, #tpu.memory_space<vmem>>, %arg6: memref<1x128xf32, #tpu.memory_space<vmem>>, %arg7: memref<1x128xf32, #tpu.memory_space<vmem>>, %arg8: memref<1x128xf32, #tpu.memory_space<vmem>>, %arg9: memref<1x1x1000xi32, #tpu.memory_space<vmem>>, %arg10: memref<128x128xf32, #tpu.memory_space<vmem>>, %arg11: memref<1x128xf32, #tpu.memory_space<vmem>>, %arg12: memref<128x128xf32, #tpu.memory_space<vmem>>, %arg13: memref<1x128xf32, #tpu.memory_space<vmem>>, %arg14: memref<64x128xf32, #tpu.memory_space<vmem>>, %arg15: memref<64x128xf32, #tpu.memory_space<vmem>>, %arg16: memref<64x128xf32, #tpu.memory_space<vmem>>) attributes {dimension_semantics = [#tpu.dimension_semantics<arbitrary>], iteration_bounds = array<i64: 10>, scalar_prefetch = 0 : i64, scratch_operands = 2 : i64, tpu.core_type = #tpu.core_type<tc>, window_params = [{transform_indices = @transform_0, window_bounds = array<i64: 1000, 128>}, {transform_indices = @transform_1, window_bounds = array<i64: 1000, 128>}, {transform_indices = @transform_2, window_bounds = array<i64: 1000, 128>}, {transform_indices = @transform_3, window_bounds = array<i64: 1000, 1>}, {transform_indices = @transform_4, window_bounds = array<i64: 1000, 1>}, {pipeline_mode = #tpu.pipeline_mode<synchronous>, transform_indices = @transform_5, window_bounds = array<i64: 1, 128>}, {pipeline_mode = #tpu.pipeline_mode<synchronous>, transform_indices = @transform_6, window_bounds = array<i64: 1, 128>}, {pipeline_mode = #tpu.pipeline_mode<synchronous>, transform_indices = @transform_7, window_bounds = array<i64: 1, 128>}, {transform_indices = @transform_8, window_bounds = array<i64: 1, 1, 1000>}, {pipeline_mode = #tpu.pipeline_mode<synchronous>, transform_indices = @transform_9, window_bounds = array<i64: 128, 128>}, {pipeline_mode = #tpu.pipeline_mode<synchronous>, transform_indices = @transform_10, window_bounds = array<i64: 1, 128>}, {pipeline_mode = #tpu.pipeline_mode<synchronous>, transform_indices = @transform_11, window_bounds = array<i64: 128, 128>}, {pipeline_mode = #tpu.pipeline_mode<synchronous>, transform_indices = @transform_12, window_bounds = array<i64: 1, 128>}, {pipeline_mode = #tpu.pipeline_mode<synchronous>, transform_indices = @transform_13, window_bounds = array<i64: 64, 128>}]} {
    %eq3A = arith.constant 0 : i32
    %eq3A_0 = arith.cmpi eq, %arg0, %eq3A : i32
    %convert_element_type3A = arith.extui %eq3A_0 : i1 to i32
    %cond3A = arith.constant 0 : i32
    %cond3A_1 = arith.cmpi ne, %convert_element_type3A, %cond3A : i32
    scf.if %cond3A_1 {
      %broadcast_in_dim3A_73 = arith.constant 0.000000e+00 : f32
      %broadcast_in_dim3A_74 = vector.broadcast %broadcast_in_dim3A_73 : f32 to vector<64x128xf32>
      %swap3A_75 = arith.constant 0 : index
      %swap3A_76 = arith.constant 0 : index
      %swap3A_77 = vector.load %arg15[%swap3A_75, %swap3A_76] : memref<64x128xf32, #tpu.memory_space<vmem>>, vector<64x128xf32>
      tpu.vector_store %arg15[%swap3A_75, %swap3A_76], %broadcast_in_dim3A_74 {strides = array<i32>} : memref<64x128xf32, #tpu.memory_space<vmem>>, vector<64x128xf32>,
      %broadcast_in_dim3A_78 = arith.constant 0.000000e+00 : f32
      %broadcast_in_dim3A_79 = vector.broadcast %broadcast_in_dim3A_78 : f32 to vector<64x128xf32>
      %swap3A_80 = arith.constant 0 : index
      %swap3A_81 = arith.constant 0 : index
      %swap3A_82 = vector.load %arg16[%swap3A_80, %swap3A_81] : memref<64x128xf32, #tpu.memory_space<vmem>>, vector<64x128xf32>
      tpu.vector_store %arg16[%swap3A_80, %swap3A_81], %broadcast_in_dim3A_79 {strides = array<i32>} : memref<64x128xf32, #tpu.memory_space<vmem>>, vector<64x128xf32>,
    } else {
    }
    %get3A = arith.constant 0 : index
    %get3A_2 = arith.constant 0 : index
    %get3A_3 = vector.load %arg4[%get3A, %get3A_2] : memref<1000x1xf32, #tpu.memory_space<vmem>>, vector<1000x1xf32>
    %add3A = arith.constant 1.000000e+00 : f32
    %add3A_4 = vector.broadcast %add3A : f32 to vector<1000x1xf32>
    %add3A_5 = arith.addf %add3A_4, %get3A_3 : vector<1000x1xf32>
    %get3A_6 = arith.constant 0 : index
    %get3A_7 = arith.constant 0 : index
    %get3A_8 = vector.load %arg5[%get3A_6, %get3A_7] : memref<1000x1xf32, #tpu.memory_space<vmem>>, vector<1000x1xf32>
    %add3A_9 = arith.addf %add3A_5, %get3A_8 : vector<1000x1xf32>
    %rsqrt3A = math.rsqrt %add3A_9 : vector<1000x1xf32>
    %get3A_10 = arith.constant 0 : index
    %get3A_11 = arith.constant 0 : index
    %get3A_12 = vector.load %arg1[%get3A_10, %get3A_11] : memref<1000x128xf32, #tpu.memory_space<vmem>>, vector<1000x128xf32>
    %get3A_13 = arith.constant 0 : index
    %get3A_14 = arith.constant 0 : index
    %get3A_15 = vector.load %arg2[%get3A_13, %get3A_14] : memref<1000x128xf32, #tpu.memory_space<vmem>>, vector<1000x128xf32>
    %add3A_16 = arith.addf %get3A_12, %get3A_15 : vector<1000x128xf32>
    %get3A_17 = arith.constant 0 : index
    %get3A_18 = arith.constant 0 : index
    %get3A_19 = vector.load %arg3[%get3A_17, %get3A_18] : memref<1000x128xf32, #tpu.memory_space<vmem>>, vector<1000x128xf32>
    %add3A_20 = arith.addf %add3A_16, %get3A_19 : vector<1000x128xf32>
    %mul3A = vector.broadcast %rsqrt3A : vector<1000x1xf32> to vector<1000x128xf32>
    %mul3A_21 = arith.mulf %mul3A, %add3A_20 : vector<1000x128xf32>
    %get3A_22 = arith.constant 0 : index
    %get3A_23 = arith.constant 0 : index
    %get3A_24 = vector.load %arg6[%get3A_22, %get3A_23] : memref<1x128xf32, #tpu.memory_space<vmem>>, vector<1x128xf32>
    %add3A_25 = vector.broadcast %get3A_24 : vector<1x128xf32> to vector<1000x128xf32>
    %add3A_26 = arith.addf %mul3A_21, %add3A_25 : vector<1000x128xf32>
    %get3A_27 = arith.constant 0 : index
    %get3A_28 = arith.constant 0 : index
    %get3A_29 = vector.load %arg7[%get3A_27, %get3A_28] : memref<1x128xf32, #tpu.memory_space<vmem>>, vector<1x128xf32>
    %mul3A_30 = arith.constant 0.999994993 : f32
    %mul3A_31 = vector.broadcast %mul3A_30 : f32 to vector<1x128xf32>
    %mul3A_32 = arith.mulf %get3A_29, %mul3A_31 : vector<1x128xf32>
    %mul3A_33 = vector.broadcast %mul3A_32 : vector<1x128xf32> to vector<1000x128xf32>
    %mul3A_34 = arith.mulf %add3A_26, %mul3A_33 : vector<1000x128xf32>
    %get3A_35 = arith.constant 0 : index
    %get3A_36 = arith.constant 0 : index
    %get3A_37 = vector.load %arg8[%get3A_35, %get3A_36] : memref<1x128xf32, #tpu.memory_space<vmem>>, vector<1x128xf32>
    %add3A_38 = vector.broadcast %get3A_37 : vector<1x128xf32> to vector<1000x128xf32>
    %add3A_39 = arith.addf %mul3A_34, %add3A_38 : vector<1000x128xf32>
    %max3A = arith.constant 0.000000e+00 : f32
    %max3A_40 = vector.broadcast %max3A : f32 to vector<1000x128xf32>
    %max3A_41 = arith.maximumf %add3A_39, %max3A_40 : vector<1000x128xf32>
    %get3A_42 = arith.constant 0 : index
    %get3A_43 = arith.constant 0 : index
    %get3A_44 = arith.constant 0 : index
    %get3A_45 = vector.load %arg9[%get3A_42, %get3A_43, %get3A_44] : memref<1x1x1000xi32, #tpu.memory_space<vmem>>, vector<1x1x1000xi32>
    %reshape3A = vector.shape_cast %get3A_45 : vector<1x1x1000xi32> to vector<1x1000xi32>
    %iota3A = tpu.iota {dimensions = array<i32: 0>} : vector<64x1000xi32>
    %broadcast_in_dim3A = vector.shape_cast %reshape3A : vector<1x1000xi32> to vector<1x1000xi32>
    %broadcast_in_dim3A_46 = vector.broadcast %broadcast_in_dim3A : vector<1x1000xi32> to vector<64x1000xi32>
    %eq3A_47 = arith.cmpi eq, %iota3A, %broadcast_in_dim3A_46 : vector<64x1000xi32>
    %convert_element_type3A_48 = arith.extui %eq3A_47 : vector<64x1000xi1> to vector<64x1000xi32>
    %convert_element_type3A_49 = arith.sitofp %convert_element_type3A_48 : vector<64x1000xi32> to vector<64x1000xf32>
    %get3A_50 = arith.constant 0 : index
    %get3A_51 = arith.constant 0 : index
    %get3A_52 = vector.load %arg15[%get3A_50, %get3A_51] : memref<64x128xf32, #tpu.memory_space<vmem>>, vector<64x128xf32>
    %dot_general3A = arith.constant dense<0.000000e+00> : vector<64x128xf32>
    %dot_general3A_53 = tpu.matmul %convert_element_type3A_49, %max3A_41, %dot_general3A {dimension_numbers = #tpu.dot_dimension_numbers<[1], [0], [0], [1], [0, 0, 1, 1], [], []>, transpose_lhs_hint = false} : vector<64x1000xf32>, vector<1000x128xf32>, vector<64x128xf32> -> vector<64x128xf32>
    %add3A_54 = arith.addf %get3A_52, %dot_general3A_53 : vector<64x128xf32>
    %swap3A = arith.constant 0 : index
    %swap3A_55 = arith.constant 0 : index
    %swap3A_56 = vector.load %arg15[%swap3A, %swap3A_55] : memref<64x128xf32, #tpu.memory_space<vmem>>, vector<64x128xf32>
    tpu.vector_store %arg15[%swap3A, %swap3A_55], %add3A_54 {strides = array<i32>} : memref<64x128xf32, #tpu.memory_space<vmem>>, vector<64x128xf32>,
    %get3A_57 = arith.constant 0 : index
    %get3A_58 = arith.constant 0 : index
    %get3A_59 = vector.load %arg16[%get3A_57, %get3A_58] : memref<64x128xf32, #tpu.memory_space<vmem>>, vector<64x128xf32>
    %reduce_sum3A = arith.constant dense<0.000000e+00> : vector<64xf32>
    %reduce_sum3A_60 = vector.multi_reduction <add>, %convert_element_type3A_49, %reduce_sum3A [1] : vector<64x1000xf32> to vector<64xf32>
    %broadcast_in_dim3A_61 = vector.shape_cast %reduce_sum3A_60 : vector<64xf32> to vector<64x1xf32>
    %broadcast_in_dim3A_62 = vector.shape_cast %broadcast_in_dim3A_61 : vector<64x1xf32> to vector<64x1xf32>
    %broadcast_in_dim3A_63 = vector.broadcast %broadcast_in_dim3A_62 : vector<64x1xf32> to vector<64x128xf32>
    %add3A_64 = arith.addf %get3A_59, %broadcast_in_dim3A_63 : vector<64x128xf32>
    %swap3A_65 = arith.constant 0 : index
    %swap3A_66 = arith.constant 0 : index
    %swap3A_67 = vector.load %arg16[%swap3A_65, %swap3A_66] : memref<64x128xf32, #tpu.memory_space<vmem>>, vector<64x128xf32>
    tpu.vector_store %arg16[%swap3A_65, %swap3A_66], %add3A_64 {strides = array<i32>} : memref<64x128xf32, #tpu.memory_space<vmem>>, vector<64x128xf32>,
    %eq3A_68 = arith.constant 9 : i32
    %eq3A_69 = arith.cmpi eq, %arg0, %eq3A_68 : i32
    %convert_element_type3A_70 = arith.extui %eq3A_69 : i1 to i32
    %cond3A_71 = arith.constant 0 : i32
    %cond3A_72 = arith.cmpi ne, %convert_element_type3A_70, %cond3A_71 : i32
    scf.if %cond3A_72 {
      %get3A_73 = arith.constant 0 : index
      %get3A_74 = arith.constant 0 : index
      %get3A_75 = vector.load %arg15[%get3A_73, %get3A_74] : memref<64x128xf32, #tpu.memory_space<vmem>>, vector<64x128xf32>
      %get3A_76 = arith.constant 0 : index
      %get3A_77 = arith.constant 0 : index
      %get3A_78 = vector.load %arg16[%get3A_76, %get3A_77] : memref<64x128xf32, #tpu.memory_space<vmem>>, vector<64x128xf32>
      %max3A_79 = arith.constant 1.000000e+00 : f32
      %max3A_80 = vector.broadcast %max3A_79 : f32 to vector<64x128xf32>
      %max3A_81 = arith.maximumf %get3A_78, %max3A_80 : vector<64x128xf32>
      %div3A = arith.divf %get3A_75, %max3A_81 : vector<64x128xf32>
      %get3A_82 = arith.constant 0 : index
      %get3A_83 = arith.constant 0 : index
      %get3A_84 = vector.load %arg10[%get3A_82, %get3A_83] : memref<128x128xf32, #tpu.memory_space<vmem>>, vector<128x128xf32>
      %dot_general3A_85 = arith.constant dense<0.000000e+00> : vector<64x128xf32>
      %dot_general3A_86 = tpu.matmul %div3A, %get3A_84, %dot_general3A_85 {dimension_numbers = #tpu.dot_dimension_numbers<[1], [0], [0], [1], [0, 0, 1, 1], [], []>, transpose_lhs_hint = false} : vector<64x128xf32>, vector<128x128xf32>, vector<64x128xf32> -> vector<64x128xf32>
      %get3A_87 = arith.constant 0 : index
      %get3A_88 = arith.constant 0 : index
      %get3A_89 = vector.load %arg11[%get3A_87, %get3A_88] : memref<1x128xf32, #tpu.memory_space<vmem>>, vector<1x128xf32>
      %add3A_90 = vector.broadcast %get3A_89 : vector<1x128xf32> to vector<64x128xf32>
      %add3A_91 = arith.addf %dot_general3A_86, %add3A_90 : vector<64x128xf32>
      %max3A_92 = arith.constant 0.000000e+00 : f32
      %max3A_93 = vector.broadcast %max3A_92 : f32 to vector<64x128xf32>
      %max3A_94 = arith.maximumf %add3A_91, %max3A_93 : vector<64x128xf32>
      %get3A_95 = arith.constant 0 : index
      %get3A_96 = arith.constant 0 : index
      %get3A_97 = vector.load %arg12[%get3A_95, %get3A_96] : memref<128x128xf32, #tpu.memory_space<vmem>>, vector<128x128xf32>
      %dot_general3A_98 = arith.constant dense<0.000000e+00> : vector<64x128xf32>
      %dot_general3A_99 = tpu.matmul %max3A_94, %get3A_97, %dot_general3A_98 {dimension_numbers = #tpu.dot_dimension_numbers<[1], [0], [0], [1], [0, 0, 1, 1], [], []>, transpose_lhs_hint = false} : vector<64x128xf32>, vector<128x128xf32>, vector<64x128xf32> -> vector<64x128xf32>
      %get3A_100 = arith.constant 0 : index
      %get3A_101 = arith.constant 0 : index
      %get3A_102 = vector.load %arg13[%get3A_100, %get3A_101] : memref<1x128xf32, #tpu.memory_space<vmem>>, vector<1x128xf32>
      %add3A_103 = vector.broadcast %get3A_102 : vector<1x128xf32> to vector<64x128xf32>
      %add3A_104 = arith.addf %dot_general3A_99, %add3A_103 : vector<64x128xf32>
      %swap3A_105 = arith.constant 0 : index
      %swap3A_106 = arith.constant 0 : index
      %swap3A_107 = vector.load %arg14[%swap3A_105, %swap3A_106] : memref<64x128xf32, #tpu.memory_space<vmem>>, vector<64x128xf32>
      tpu.vector_store %arg14[%swap3A_105, %swap3A_106], %add3A_104 {strides = array<i32>} : memref<64x128xf32, #tpu.memory_space<vmem>>, vector<64x128xf32>,
    } else {
    }
    return
  }
  func.func @transform_0(%arg0: i32) -> (i32, i32) {
    %c0_i32 = arith.constant 0 : i32
    %c0_i32_0 = arith.constant 0 : i32
    return %arg0, %c0_i32 : i32, i32
  }
  func.func @transform_1(%arg0: i32) -> (i32, i32) {
    %c0_i32 = arith.constant 0 : i32
    %c0_i32_0 = arith.constant 0 : i32
    return %arg0, %c0_i32 : i32, i32
  }
  func.func @transform_2(%arg0: i32) -> (i32, i32) {
    %c0_i32 = arith.constant 0 : i32
    %c0_i32_0 = arith.constant 0 : i32
    return %arg0, %c0_i32 : i32, i32
  }
  func.func @transform_3(%arg0: i32) -> (i32, i32) {
    %c0_i32 = arith.constant 0 : i32
    %c0_i32_0 = arith.constant 0 : i32
    return %arg0, %c0_i32 : i32, i32
  }
  func.func @transform_4(%arg0: i32) -> (i32, i32) {
    %c0_i32 = arith.constant 0 : i32
    %c0_i32_0 = arith.constant 0 : i32
    return %arg0, %c0_i32 : i32, i32
  }
  func.func @transform_5(%arg0: i32) -> (i32, i32) {
    %c0_i32 = arith.constant 0 : i32
    %c0_i32_0 = arith.constant 0 : i32
    %c0_i32_1 = arith.constant 0 : i32
    return %c0_i32, %c0_i32_0 : i32, i32
  }
  func.func @transform_6(%arg0: i32) -> (i32, i32) {
    %c0_i32 = arith.constant 0 : i32
    %c0_i32_0 = arith.constant 0 : i32
    %c0_i32_1 = arith.constant 0 : i32
    return %c0_i32, %c0_i32_0 : i32, i32
  }
  func.func @transform_7(%arg0: i32) -> (i32, i32) {
    %c0_i32 = arith.constant 0 : i32
    %c0_i32_0 = arith.constant 0 : i32
    %c0_i32_1 = arith.constant 0 : i32
    return %c0_i32, %c0_i32_0 : i32, i32
  }
  func.func @transform_8(%arg0: i32) -> (i32, i32, i32) {
    %c0_i32 = arith.constant 0 : i32
    %c0_i32_0 = arith.constant 0 : i32
    %c0_i32_1 = arith.constant 0 : i32
    return %arg0, %c0_i32, %c0_i32_0 : i32, i32, i32
  }
  func.func @transform_9(%arg0: i32) -> (i32, i32) {
    %c0_i32 = arith.constant 0 : i32
    %c0_i32_0 = arith.constant 0 : i32
    %c0_i32_1 = arith.constant 0 : i32
    return %c0_i32, %c0_i32_0 : i32, i32
  }
  func.func @transform_10(%arg0: i32) -> (i32, i32) {
    %c0_i32 = arith.constant 0 : i32
    %c0_i32_0 = arith.constant 0 : i32
    %c0_i32_1 = arith.constant 0 : i32
    return %c0_i32, %c0_i32_0 : i32, i32
  }
  func.func @transform_11(%arg0: i32) -> (i32, i32) {
    %c0_i32 = arith.constant 0 : i32
    %c0_i32_0 = arith.constant 0 : i32
    %c0_i32_1 = arith.constant 0 : i32
    return %c0_i32, %c0_i32_0 : i32, i32
  }
  func.func @transform_12(%arg0: i32) -> (i32, i32) {
    %c0_i32 = arith.constant 0 : i32
    %c0_i32_0 = arith.constant 0 : i32
    %c0_i32_1 = arith.constant 0 : i32
    return %c0_i32, %c0_i32_0 : i32, i32
  }
  func.func @transform_13(%arg0: i32) -> (i32, i32) {
    %c0_i32 = arith.constant 0 : i32
    %c0_i32_0 = arith.constant 0 : i32
    %c0_i32_1 = arith.constant 0 : i32
    return %c0_i32, %c0_i32_0 : i32, i32
  }
}

</mosaic_0001>

<sc_bundles>
// kernel: kernel.11.cloned.1.call-start
scs
__scs_entry_jumppad:
0x0: {  	(pc) =	sbr.rel $0x88, $3  }
0x1: {  	(tag) =	ssettag $0x0;
	lr =	simm.s32 $0x1  }
0x2: {  	[smem:$0x3F92] =	sst lr;
	_ =	strace $0xD0000000  }
0x3: {  	_ = 	snop  }
0x4: {  	_ = 	snop  }
0x5: {  	_ = 	snop  }
0x6: {  	_ = 	snop  }
0x7: {  	_ = 	snop  }
__scs_overlays_trampoline_lowered:
0x8: {  	[smem:$0x3FA1] =	sst s0  }
0x9: {  	[smem:$0x3FA2] =	sst s1  }
0xa: {  	[smem:$0x3FA3] =	sst s2  }
0xb: {  	[smem:$0x3FA4] =	sst s3  }
0xc: {  	[smem:$0x3FA5] =	sst s4  }
0xd: {  	[smem:$0x3FA6] =	sst s5  }
0xe: {  	[smem:$0x3FA7] =	sst s6  }
0xf: {  	[smem:$0x3FA8] =	sst s7  }
0x10: {  	[smem:$0x3FA9] =	sst s8  }
0x11: {  	[smem:$0x3FAA] =	sst s9;
	s0 =	simm.s32 @!p0 $0x0  }
0x12: {  	s1 =	sld [smem:$0x3F90];
	s0 =	simm.s32 @p0 $0x1  }
0x13: {  	[smem:$0x3FAB] =	sst s0;
	s0 =	simm.s32 @!p1 $0x0  }
0x14: {  	s2 =	sld [smem:$0x3F8F];
	s0 =	simm.s32 @p1 $0x1  }
0x15: {  	[smem:$0x3FAC] =	sst s0;
	s0 =	simm.s32 @!p2 $0x0  }
0x16: {  	s3 =	sld [smem:$0x3FDB];
	s0 =	simm.s32 @p2 $0x1  }
0x17: {  	s4 =	simm.s32 $0x1BF5;
	[smem:$0x3FAE] =	sst s0  }
0x18: {  	s0 =	sld [smem:$0x3F91];
	_ =	swait.ge [sflag:s4], $0x0  }
0x19: {  	s7 =	sld [smem:$0x3F92]  }
0x1a: {  	s8 =	sadd.s32 $0xFFFFE003, lr  }
0x1b: {  	s9 =	sadd.s32 $0xFFFFFEF7, lr;
	s5 =	simm.s32 $0xFFFFFFFF;
	p2 =	slt.u32 s8, $0xFFFFF086  }
0x1c: {  	p1 =	slt.u32 s9, $0xF7A;
	s5 =	simm.s32 @!p2 $0x0  }
0x1d: {  	s5 =	simm.s32 @p1 $0x1;
	p0 =	seq.s32 s7, s2  }
0x1e: {  	s7 =	smul.u32 @!p0 $0xF7A, s2;
	p2 =	seq.s32 @!p0 s5, $0x0  }
0x1f: {  	s9 =	smul.u32 $0xF7A, s1;
	s8 =	simm.s32 @!p0 $0x1BF5;
	p2 =	por !p2, p0  }
0x20: {  	[sflag:s8] =	ssyncset.s32 @!p0 $0xFFFFF086;
	s6 =	sadd.s32 @!p0 s3, s7;
	s7 =	simm.s32 @!p0 $0x108  }
0x21: {  	s3 =	sadd.s32 s3, s9;
	s6 =	sadd.s32 @!p0 $0x88, s6;
	s7 =	simm.s32 @p2 $0x1082  }
0x22: {  	[simem:s7], [sflag:s8] =	dma.local @!p0 [hbm:s6], $0xF7A  }
0x23: {  	s9 =	sor.u32 $0xD0000000, s2;
	s6 =	simm.s32 $0x108;
	_ =	swait.ge @!p0 [sflag:s8], $0x0  }
0x24: {  	s3 =	sadd.s32 $0x88, s3;
	s6 =	simm.s32 @!p1 $0x1082;
	[sflag:s4] =	ssyncset.s32 $0xFFFFF086  }
0x25: {  	[simem:s6], [sflag:s4] =	dma.local [hbm:s3], $0xF7A  }
0x26: {  	[smem:$0x3F92] =	sst s1;
	(tag) =	ssettag s2;
	_ =	strace s9  }
0x27: {  	s1 =	sld [smem:$0x3FA2]  }
0x28: {  	s2 =	sld [smem:$0x3FA3]  }
0x29: {  	s4 =	sld [smem:$0x3FA5]  }
0x2a: {  	p0 =	seq.s32 s5, $0x0;
	s5 =	sld [smem:$0x3FA6]  }
0x2b: {  	s6 =	sld [smem:$0x3FA7]  }
0x2c: {  	s7 =	sld [smem:$0x3FA8]  }
0x2d: {  	s3 =	simm.s32 $0x108;
	s8 =	sld [smem:$0x3FA9]  }
0x2e: {  	s3 =	simm.s32 @!p0 $0x1082;
	s9 =	sld [smem:$0x3FAA]  }
0x2f: {  	lr =	sadd.s32 s0, s3;
	s0 =	sld [smem:$0x3FA1]  }
0x30: {  	s3 =	sld [smem:$0x3FA4]  }
0x31: {  	[smem:$0x3FAD] =	sst s10  }
0x32: {  	s10 =	sld [smem:$0x3FAB];
	_ =	sdelay $0x3  }
0x33: {  	p0 =	seq.s32 s10, $0x1;
	s10 =	sld [smem:$0x3FAD];
	_ =	sdelay $0x3  }
0x34: {  	[smem:$0x3FAD] =	sst s10  }
0x35: {  	s10 =	sld [smem:$0x3FAC];
	_ =	sdelay $0x3  }
0x36: {  	p1 =	seq.s32 s10, $0x1;
	s10 =	sld [smem:$0x3FAD];
	_ =	sdelay $0x3  }
0x37: {  	[smem:$0x3FAD] =	sst s10  }
0x38: {  	s10 =	sld [smem:$0x3FAE]  }
0x39: {  	_ = 	snop;
	(pc) =	sbr.ind lr, $3  }
0x3a: {  	_ = 	snop  }
0x3b: {  	_ = 	snop  }
0x3c: {  	p2 =	seq.s32 s10, $0x1;
	s10 =	sld [smem:$0x3FAD]  }
0x3d: {  	_ =	shalt  }
0x3e: {  	_ =	shalt  }
0x3f: {  	_ =	shalt  }
0x40: {  	_ =	shalt  }
0x41: {  	_ =	shalt  }
0x42: {  	_ =	shalt  }
0x43: {  	_ =	shalt  }
0x44: {  	_ =	shalt  }
0x45: {  	_ =	shalt  }
0x46: {  	_ =	shalt  }
0x47: {  	_ =	shalt  }
0x48: {  	_ =	shalt  }
0x49: {  	_ =	shalt  }
0x4a: {  	_ =	shalt  }
0x4b: {  	_ =	shalt  }
0x4c: {  	_ =	shalt  }
0x4d: {  	_ =	shalt  }
0x4e: {  	_ =	shalt  }
0x4f: {  	_ =	shalt  }
0x50: {  	_ =	shalt  }
0x51: {  	_ =	shalt  }
0x52: {  	_ =	shalt  }
0x53: {  	_ =	shalt  }
0x54: {  	_ =	shalt  }
0x55: {  	_ =	shalt  }
0x56: {  	_ =	shalt  }
0x57: {  	_ =	shalt  }
0x58: {  	_ =	shalt  }
0x59: {  	_ =	shalt  }
0x5a: {  	_ =	shalt  }
0x5b: {  	_ =	shalt  }
0x5c: {  	_ =	shalt  }
0x5d: {  	_ =	shalt  }
0x5e: {  	_ =	shalt  }
0x5f: {  	_ =	shalt  }
0x60: {  	_ =	shalt  }
0x61: {  	_ =	shalt  }
0x62: {  	_ =	shalt  }
0x63: {  	_ =	shalt  }
0x64: {  	_ =	shalt  }
0x65: {  	_ =	shalt  }
0x66: {  	_ =	shalt  }
0x67: {  	_ =	shalt  }
0x68: {  	_ =	shalt  }
0x69: {  	_ =	shalt  }
0x6a: {  	_ =	shalt  }
0x6b: {  	_ =	shalt  }
0x6c: {  	_ =	shalt  }
0x6d: {  	_ =	shalt  }
0x6e: {  	_ =	shalt  }
0x6f: {  	_ =	shalt  }
0x70: {  	_ =	shalt  }
0x71: {  	_ =	shalt  }
0x72: {  	_ =	shalt  }
0x73: {  	_ =	shalt  }
0x74: {  	_ =	shalt  }
0x75: {  	_ =	shalt  }
0x76: {  	_ =	shalt  }
0x77: {  	_ =	shalt  }
0x78: {  	_ =	shalt  }
0x79: {  	_ =	shalt  }
0x7a: {  	_ =	shalt  }
0x7b: {  	_ =	shalt  }
0x7c: {  	_ =	shalt  }
0x7d: {  	_ =	shalt  }
0x7e: {  	_ =	shalt  }
0x7f: {  	_ =	shalt  }
0x80: {  	_ =	shalt  }
0x81: {  	_ =	shalt  }
0x82: {  	_ =	shalt  }
0x83: {  	_ =	shalt  }
0x84: {  	_ =	shalt  }
0x85: {  	_ =	shalt  }
0x86: {  	_ =	shalt  }
0x87: {  	_ =	shalt  }
.Lfunc_end0:
.L_simem_size_0:
called_computation.1_lowered:
.L_overlay_start_0:
0x88: {  	s2 =	sld [smem:$0x3FD9]  }
0x89: {  	s3 =	sld [smem:$0x3FFE];
	_ =	sdelay $0x1  }
0x8a: {  	s1 =	srdreg.scid  }
0x8b: {  	s0 =	sand.u32 $0x1, s1  }
0x8c: {  	s16 =	sshll.u32 s0, $0xA;
	s2 =	sadd.s32 s3, s2  }
0x8d: {  	s2 =	sadd.s32 s2, s16  }
0x8e: {  	[smem:$0x3FB9] =	sst s2  }
0x8f: {  	_ = 	snop  }
0x90: {  	(tm) =	ssettm $0x1  }
0x91: {  	s17 =	sld [smem:$0x3FFB];
	_ =	sdelay $0x3  }
0x92: {  	_ =	strace s17  }
0x93: {  	s2 =	sld [smem:$0x3FFC];
	_ =	sdelay $0x3  }
0x94: {  	_ =	strace s2  }
0x95: {  	s2 =	sld [smem:$0x3FFD];
	_ =	sdelay $0x3  }
0x96: {  	_ =	strace s2  }
0x97: {  	_ =	strace $0x8FFFFFFF  }
0x98: {  	s18 =	sld [smem:$0x3FDB];
	_ =	sdelay $0x1  }
0x99: {  	s19 =	simm.s32 $_scs_section_size  }
0x9a: {  	s4 =	simm.s32 $_size__tile_overlayer_lowered;
	s5 =	simm.s32 $_tile_overlayer_lowered  }
0x9b: {  	s22 =	simm.s32 $0x1BFF;
	s21 =	sshll.u32 s5, $0x1;
	s2 =	sadd.s32 s19, s18  }
0x9c: {  	s6 =	simm.s32 $0x0;
	s20 =	sshll.u32 s4, $0x1;
	s4 =	sadd.s32 s21, s2  }
0x9d: {  	[timem:s6], [sflag:s22] =	dma.local [hbm:s4], s20  }
0x9e: {  	_ =	swait.ge [sflag:s22], s20  }
0x9f: {  	s3 =	ssub.s32 $0x0, s20;
	[sflag:s22] =	ssyncset.done $0x0  }
0xa0: {  	[sflag:s22] =	ssyncadd.s32 s3;
	_ =	sdelay $0x1  }
0xa1: {  	s23 =	simm.s32 $0x1B8B  }
0xa2: {  	_ =	swait.ge [sflag:s23], $0x1  }
0xa3: {  	[sflag:s23] =	ssyncset.done $0x0  }
0xa4: {  	s25 =	simm.s32 $0x1B8E;
	s24 =	sld [smem:$0x3FFE];
	[sflag:s23] =	ssyncadd.s32 $0xFFFFFFFF  }
0xa5: {  	s26 =	simm.s32 $execute0_lowered;
	[smem:$0x3FD2] =	sst s25  }
0xa6: {  	s4 =	sshll.u32 s26, $0x1;
	_ =	strace $0x80000049;
	[dreg:$0x1] =	wrdreg $0xFFFFFFFF  }
0xa7: {  	s28 =	simm.s32 $_size_execute0_lowered;
	s2 =	sadd.s32 s2, s4;
	[dreg:$0x0] =	wrdreg $0x0  }
0xa8: {  	s4 =	sshll.u32 s28, $0x1;
	[dreg:$0x2] =	wrdreg s2  }
0xa9: {  	[dreg:$0x3] =	wrdreg s4  }
0xaa: {  	[dreg:$0x4] =	wrdreg $0xC0  }
0xab: {  	_ =	task [dreg:s6], $0x5FFFF  }
0xac: {  	[dreg:$0x1] =	wrdreg $0xFFFFFFFF  }
0xad: {  	[dreg:$0x0] =	wrdreg $0x60  }
0xae: {  	[dreg:$0x2] =	wrdreg s24  }
0xaf: {  	[dreg:$0x3] =	wrdreg $0x90000  }
0xb0: {  	[dreg:$0x4] =	wrdreg $0x9  }
0xb1: {  	_ =	task.clear_ibuf [dreg:s6], $0x5FFFF;
	_ =	strace $0x90000049  }
0xb2: {  	s29 =	simm.s32 $0x9;
	_ =	strace $0x8000004E  }
0xb3: {  	_ =	swait.ge [sflag:s29], $0x1  }
0xb4: {  	[sflag:s29] =	ssyncadd.s32 $0xFFFFFFFF  }
0xb5: {  	_ =	strace $0x9000004E  }
0xb6: {  	_ =	sfence  }
0xb7: {  	s30 =	sld [smem:$0x0];
	_ =	sdelay $0x2  }
0xb8: {  	s31 =	sshll.u32 s1, $0xD;
	s1 =	sshrl.u32 s1, $0x2  }
0xb9: {  	s3 =	sand.u32 $0x4000, s31;
	s1 =	sadd.s32 s1, s30  }
0xba: {  	s0 =	sor.u32 s3, s0;
	s1 =	sshll.u32 s1, $0x11  }
0xbb: {  	s0 =	sor.u32 s1, s0  }
0xbc: {  	s0 =	sadd.s32 $0x8F2B, s0  }
0xbd: {  	[sflag:s0] =	ssyncadd.remote.s32 $0x1  }
0xbe: {  	_ =	sfence.sel $0xFFFF  }
0xbf: {  	[dreg:$0x0] =	wrdreg $0xFFFFFFFF;
	(pc) =	sbr.abs _section_cstart, $3  }
0xc0: {  	[dreg:$0x1] =	wrdreg $0xFFFFFFFF  }
0xc1: {  	_ =	task.clear_ibuf [dreg:s6], $0x2FFFF;
	_ =	strace $0x9FFFFFFF  }
0xc2: {  	(tm) =	ssettm $0x7FFFFFFF  }
0xc3: {  	_ =	shalt  }
tec
execute0_lowered:
.L_overlay_start_1:
0x0: {  	(tag) =	ssettag $0x1  }
0x1: {  	s0 =	rddreg [dreg:$0x0]  }
0x2: {  	s1 =	rddreg [dreg:$0x1]  }
0x3: {  	s2 =	srdreg.scid;
	s8 =	stileid.u32  }
0x4: {  	s12 =	simm.s32 $0x3;
	s13 =	simm.s32 $0x5;
	s14 =	simm.s32 $0x400  }
0x5: {  	s15 =	simm.s32 $0x800;
	s16 =	simm.s32 $0xC00;
	s17 =	simm.s32 $0x80  }
0x6: {  	s24 =	simm.s32 $0xD00;
	s25 =	simm.s32 $0xA00;
	s26 =	simm.s32 $0xD80  }
0x7: {  	s28 =	simm.s32 $0xA80;
	s29 =	simm.s32 $0xE00;
	s30 =	simm.s32 $0xB00  }
0x8: {  	s31 =	simm.s32 $0xE80;
	s23 =	simm.s32 $0x0;
	s6 =	sand.u32 $0x1, s2  }
0x9: {  	s2 =	simm.s32 $0x0;
	s9 =	smul.u32 $0x14000, s8;
	s3 =	sadd.s32 $0x71E00, s0  }
0xa: {  	s4 =	sadd.s32 $0x19A00, s0;
	s5 =	sadd.s32 $0xFA00, s0;
	s18 =	smul.u32 $0x50000, s8  }
0xb: {  	s10 =	sadd.s32 $0x4E00, s0;
	s22 =	sshll.u32 s8, $0x6;
	p0 =	sne.s32 s8, $0x0  }
0xc: {  	s8 =	simm.s32 $0xF80;
	s7 =	smul.u32 $0x140000, s6;
	[smem:$0x7FF] =	sst s2  }
0xd: {  	s19 =	ssub.s32 $0x2, s6;
	_ =	strace $0x8000004A;
	[dreg:$0x3] =	wrdreg s10  }
0xe: {  	s11 =	sor.u32 $0x1C03, s22;
	s22 =	simm.s32 $0x2;
	[dreg:$0x7] =	wrdreg s23  }
0xf: {  	s20 =	sshrl.u32 s19, $0x1;
	[dreg:$0x6] =	wrdreg s11;
	s7 =	sadd.s32 s9, s7  }
0x10: {  	s9 =	sshrl.u32 s18, $0x2;
	s10 =	ssub.s32 s19, s20;
	s18 =	simm.s32 $0x1000  }
.Ltmp0:
0x11: {  	s19 =	simm.s32 $0x5000;
	s20 =	simm.s32 $0x1;
	(pc) =	sbr.rel .LBB2_1-.Ltmp0, $4  }
0x12: {  	s7 =	sshrl.u32 s7, $0x3;
	s9 =	sadd.s32 s9, s1;
	s21 =	smax.u32 s10, $0x1  }
0x13: {  	s0 =	sadd.s32 s7, s0;
	s7 =	smul.u32 $0x5000, s6;
	[dreg:$0x5] =	wrdreg s21  }
0x14: {  	s21 =	sshrl.u32 s9, $0x3;
	s6 =	simm.s32 $0xF00;
	s0 =	sadd.s32 $0x99000, s0  }
0x15: {  	s9 =	simm.s32 $0x4;
	[dreg:$0x4] =	wrdreg s0;
	s0 =	simm.s32 $0xB80  }
.LBB2_5:
0x16: {  	_ =	strace $0x9000004C  }
0x17: {  	_ =	strace $0x8000004D  }
0x18: {  	[bflag:$0x0] =	sbarrier.arrive $0xFFFF  }
0x19: {  	s10 =	rddreg [dreg:$0x4]  }
0x1a: {  	s11 =	rddreg [dreg:$0x6]  }
0x1b: {  	[hbm:s10], [sflag:s11] =	dma.local [spmem:s21], $0x2800  }
0x1c: {  	_ =	swait.ge [sflag:s12], $0x2800  }
0x1d: {  	s23 =	rddreg [dreg:$0x7]  }
0x1e: {  	s10 =	rddreg [dreg:$0x5];
	s23 =	sadd.s32 $0x1, s23  }
0x1f: {  	p1 =	sne.s32 s23, s10  }
.Ltmp1:
0x20: {  	_ = 	snop;
	(pc) =	sbr.rel @!p1 .LBB2_6-.Ltmp1, $4  }
0x21: {  	_ = 	snop  }
0x22: {  	[sflag:s12] =	ssyncset.done $0x0  }
0x23: {  	[sflag:s12] =	ssyncadd.s32 $0xFFFFD800;
	[dreg:$0x7] =	wrdreg s23  }
0x24: {  	_ =	strace $0x9000004D  }
.LBB2_1:
0x25: {  	s10 =	simm.s32 @!p0 $0x0  }
0x26: {  	[smem:$0x0] =	sst @!p0 s10  }
0x27: {  	_ =	strace $0x8000004B  }
0x28: {  	s23 =	rddreg [dreg:$0x3]  }
0x29: {  	[spmem:s21], [sflag:s11] =	dma.local [hbm:s23], $0x2800  }
0x2a: {  	_ =	swait.ge [sflag:s12], $0x2800  }
.Ltmp2:
0x2b: {  	[sflag:s12] =	ssyncset.done $0x0;
	(pc) =	sbr.rel .LBB2_2-.Ltmp2, $4  }
0x2c: {  	[sflag:s12] =	ssyncadd.s32 $0xFFFFD800  }
0x2d: {  	[bflag:$0x0] =	sbarrier.arrive $0xFFFF  }
0x2e: {  	_ =	strace $0x9000004B  }
0x2f: {  	s10 =	simm.s32 $0xA;
	_ =	strace $0x8000004C  }
.LBB2_4:
0x30: {  	s10 =	sadd.s32 $0xFFFFFFFF, s10  }
0x31: {  	p1 =	sne.s32 s10, $0x0  }
.Ltmp3:
0x32: {  	_ = 	snop;
	(pc) =	sbr.rel @!p1 .LBB2_5-.Ltmp3, $1  }
0x33: {  	_ =	sdelay $0x3  }
.LBB2_2:
0x34: {  	[sflag:s12] =	ssyncset.done $0x0  }
0x35: {  	[smem:s2], [sflag:$0x3] =	smem.add.s32 $0x1  }
0x36: {  	_ =	swait.done [sflag:s12]  }
0x37: {  	s11 =	ssyncread [sflag:$0x3];
	_ =	sdelay $0x2  }
0x38: {  	p1 =	sgt.s32 s11, $0x4F  }
.Ltmp4:
0x39: {  	_ = 	snop;
	(pc) =	sbr.rel @p1 .LBB2_4-.Ltmp4, $3  }
0x3a: {  	_ =	sdelay $0x1  }
0x3b: {  	[sflag:s12] =	ssyncset.s32 $0x0  }
0x3c: {  	[sflag:s12] =	ssyncset.done $0x0  }
0x3d: {  	s11 =	sshll.u32 s11, $0x8  }
0x3e: {  	s11 =	sadd.s32 s7, s11  }
0x3f: {  	s23 =	smov.u32 s21;
	s21 =	sadd.s32 s4, s11  }
0x40: {  	[tilespmem:s2], [sflag:$0x5] =	stream.linear.gather [hbm4b:s21+s2], $0x400, $0x200038;
	[tilespmem:$0x1D000] =	vst v63  }
0x41: {  	_ =	swait.ge [sflag:s13], $0x400  }
0x42: {  	[sflag:s13] =	ssyncset.done $0x0  }
0x43: {  	s21 =	sadd.s32 s5, s11;
	[sflag:s13] =	ssyncadd.s32 $0xFFFFFC00  }
0x44: {  	[tilespmem:s14], [sflag:$0x5] =	stream.linear.gather [hbm4b:s21+s2], $0x400, $0x200038;
	[tilespmem:$0x1D000] =	vst v63  }
0x45: {  	s11 =	sand.u32 $0x1FFFFF00, s11;
	_ =	swait.ge [sflag:s13], $0x400  }
0x46: {  	s11 =	sor.u32 $0x80, s11;
	[sflag:s13] =	ssyncset.done $0x0  }
0x47: {  	s21 =	sadd.s32 s4, s11;
	[sflag:s13] =	ssyncadd.s32 $0xFFFFFC00  }
0x48: {  	[tilespmem:s15], [sflag:$0x5] =	stream.linear.gather [hbm4b:s21+s2], $0x400, $0x200038;
	[tilespmem:$0x1D000] =	vst v63  }
0x49: {  	_ =	swait.ge [sflag:s13], $0x400  }
0x4a: {  	[sflag:s13] =	ssyncset.done $0x0  }
0x4b: {  	s11 =	sadd.s32 s5, s11;
	[sflag:s13] =	ssyncadd.s32 $0xFFFFFC00  }
0x4c: {  	[tilespmem:s16], [sflag:$0x5] =	stream.linear.gather [hbm4b:s11+s2], $0x400, $0x200038;
	[tilespmem:$0x1D000] =	vst v63  }
0x4d: {  	_ =	swait.ge [sflag:s13], $0x400  }
0x4e: {  	[sflag:s13] =	ssyncset.done $0x0  }
0x4f: {  	[sflag:s13] =	ssyncadd.s32 $0xFFFFFC00  }
0x50: {  	[tilespmem:s18], [sflag:$0x1] =	stream.indirect.gather [hbm4b:s3+s17], $0x80, s2, s17, $0x2000b8;
	[tilespmem:$0x1D000] =	vst v63  }
0x51: {  	_ = 	snop  }
0x52: {  	[tilespmem:s19], [sflag:$0x2] =	stream.indirect.gather [hbm4b:s3+s17], $0x80, s17, s17, $0x2000b8;
	[tilespmem:$0x1D000] =	vst v63  }
0x53: {  	_ =	swait.ge [sflag:s20], $0x4000  }
0x54: {  	[sflag:s20] =	ssyncset.done $0x0  }
0x55: {  	[sflag:s20] =	ssyncadd.s32 $0xFFFFC000  }
0x56: {  	[spmem:s1] =	stream.indirect.scatter.add.f32 [tilespmem:s18], [sflag:$0x5], $0x80, s14, s17, $0x2000b8;
	[tilespmem:$0x1D000] =	vst v63  }
0x57: {  	_ =	swait.ge [sflag:s13], $0x4000  }
0x58: {  	[sflag:s13] =	ssyncset.done $0x0  }
0x59: {  	s21 =	smov.u32 s23;
	s23 =	simm.s32 $0x100;
	[sflag:s13] =	ssyncadd.s32 $0xFFFFC000  }
0x5a: {  	[tilespmem:s18], [sflag:$0x1] =	stream.indirect.gather [hbm4b:s3+s17], $0x80, s23, s17, $0x2000b8;
	[tilespmem:$0x1D000] =	vst v63  }
0x5b: {  	_ =	swait.ge [sflag:s22], $0x4000  }
0x5c: {  	[sflag:s22] =	ssyncset.done $0x0  }
0x5d: {  	s23 =	simm.s32 $0x480;
	[sflag:s22] =	ssyncadd.s32 $0xFFFFC000  }
0x5e: {  	[spmem:s1] =	stream.indirect.scatter.add.f32 [tilespmem:s19], [sflag:$0x5], $0x80, s23, s17, $0x2000b8;
	[tilespmem:$0x1D000] =	vst v63  }
0x5f: {  	_ =	swait.ge [sflag:s13], $0x4000  }
0x60: {  	[sflag:s13] =	ssyncset.done $0x0  }
0x61: {  	s23 =	simm.s32 $0x180;
	[sflag:s13] =	ssyncadd.s32 $0xFFFFC000  }
0x62: {  	[tilespmem:s19], [sflag:$0x2] =	stream.indirect.gather [hbm4b:s3+s17], $0x80, s23, s17, $0x2000b8;
	[tilespmem:$0x1D000] =	vst v63  }
0x63: {  	_ =	swait.ge [sflag:s20], $0x4000  }
0x64: {  	[sflag:s20] =	ssyncset.done $0x0  }
0x65: {  	s23 =	simm.s32 $0x500;
	[sflag:s20] =	ssyncadd.s32 $0xFFFFC000  }
0x66: {  	[spmem:s1] =	stream.indirect.scatter.add.f32 [tilespmem:s18], [sflag:$0x5], $0x80, s23, s17, $0x2000b8;
	[tilespmem:$0x1D000] =	vst v63  }
0x67: {  	_ =	swait.ge [sflag:s13], $0x4000  }
0x68: {  	[sflag:s13] =	ssyncset.done $0x0  }
0x69: {  	s23 =	simm.s32 $0x200;
	[sflag:s13] =	ssyncadd.s32 $0xFFFFC000  }
0x6a: {  	[tilespmem:s18], [sflag:$0x1] =	stream.indirect.gather [hbm4b:s3+s17], $0x80, s23, s17, $0x2000b8;
	[tilespmem:$0x1D000] =	vst v63  }
0x6b: {  	_ =	swait.ge [sflag:s22], $0x4000  }
0x6c: {  	[sflag:s22] =	ssyncset.done $0x0  }
0x6d: {  	s23 =	simm.s32 $0x580;
	[sflag:s22] =	ssyncadd.s32 $0xFFFFC000  }
0x6e: {  	[spmem:s1] =	stream.indirect.scatter.add.f32 [tilespmem:s19], [sflag:$0x5], $0x80, s23, s17, $0x2000b8;
	[tilespmem:$0x1D000] =	vst v63  }
0x6f: {  	_ =	swait.ge [sflag:s13], $0x4000  }
0x70: {  	[sflag:s13] =	ssyncset.done $0x0  }
0x71: {  	s23 =	simm.s32 $0x280;
	[sflag:s13] =	ssyncadd.s32 $0xFFFFC000  }
0x72: {  	[tilespmem:s19], [sflag:$0x2] =	stream.indirect.gather [hbm4b:s3+s17], $0x80, s23, s17, $0x2000b8;
	[tilespmem:$0x1D000] =	vst v63  }
0x73: {  	_ =	swait.ge [sflag:s20], $0x4000  }
0x74: {  	[sflag:s20] =	ssyncset.done $0x0  }
0x75: {  	s23 =	simm.s32 $0x600;
	[sflag:s20] =	ssyncadd.s32 $0xFFFFC000  }
0x76: {  	[spmem:s1] =	stream.indirect.scatter.add.f32 [tilespmem:s18], [sflag:$0x5], $0x80, s23, s17, $0x2000b8;
	[tilespmem:$0x1D000] =	vst v63  }
0x77: {  	_ =	swait.ge [sflag:s13], $0x4000  }
0x78: {  	[sflag:s13] =	ssyncset.done $0x0  }
0x79: {  	s23 =	simm.s32 $0x300;
	[sflag:s13] =	ssyncadd.s32 $0xFFFFC000  }
0x7a: {  	[tilespmem:s18], [sflag:$0x1] =	stream.indirect.gather [hbm4b:s3+s17], $0x80, s23, s17, $0x2000b8;
	[tilespmem:$0x1D000] =	vst v63  }
0x7b: {  	_ =	swait.ge [sflag:s22], $0x4000  }
0x7c: {  	[sflag:s22] =	ssyncset.done $0x0  }
0x7d: {  	s23 =	simm.s32 $0x680;
	[sflag:s22] =	ssyncadd.s32 $0xFFFFC000  }
0x7e: {  	[spmem:s1] =	stream.indirect.scatter.add.f32 [tilespmem:s19], [sflag:$0x5], $0x80, s23, s17, $0x2000b8;
	[tilespmem:$0x1D000] =	vst v63  }
0x7f: {  	_ =	swait.ge [sflag:s13], $0x4000  }
0x80: {  	[sflag:s13] =	ssyncset.done $0x0  }
0x81: {  	s23 =	simm.s32 $0x380;
	[sflag:s13] =	ssyncadd.s32 $0xFFFFC000  }
0x82: {  	[tilespmem:s19], [sflag:$0x2] =	stream.indirect.gather [hbm4b:s3+s17], $0x80, s23, s17, $0x2000b8;
	[tilespmem:$0x1D000] =	vst v63  }
0x83: {  	_ =	swait.ge [sflag:s20], $0x4000  }
0x84: {  	[sflag:s20] =	ssyncset.done $0x0  }
0x85: {  	s23 =	simm.s32 $0x700;
	[sflag:s20] =	ssyncadd.s32 $0xFFFFC000  }
0x86: {  	[spmem:s1] =	stream.indirect.scatter.add.f32 [tilespmem:s18], [sflag:$0x5], $0x80, s23, s17, $0x2000b8;
	[tilespmem:$0x1D000] =	vst v63  }
0x87: {  	_ =	swait.ge [sflag:s13], $0x4000  }
0x88: {  	[sflag:s13] =	ssyncset.done $0x0  }
0x89: {  	[sflag:s13] =	ssyncadd.s32 $0xFFFFC000  }
0x8a: {  	[tilespmem:s18], [sflag:$0x1] =	stream.indirect.gather [hbm4b:s3+s17], $0x80, s15, s17, $0x2000b8;
	[tilespmem:$0x1D000] =	vst v63  }
0x8b: {  	_ =	swait.ge [sflag:s22], $0x4000  }
0x8c: {  	[sflag:s22] =	ssyncset.done $0x0  }
0x8d: {  	s23 =	simm.s32 $0x780;
	[sflag:s22] =	ssyncadd.s32 $0xFFFFC000  }
0x8e: {  	[spmem:s1] =	stream.indirect.scatter.add.f32 [tilespmem:s19], [sflag:$0x5], $0x80, s23, s17, $0x2000b8;
	[tilespmem:$0x1D000] =	vst v63  }
0x8f: {  	_ =	swait.ge [sflag:s13], $0x4000  }
0x90: {  	[sflag:s13] =	ssyncset.done $0x0  }
0x91: {  	s23 =	simm.s32 $0x880;
	[sflag:s13] =	ssyncadd.s32 $0xFFFFC000  }
0x92: {  	[tilespmem:s19], [sflag:$0x2] =	stream.indirect.gather [hbm4b:s3+s17], $0x80, s23, s17, $0x2000b8;
	[tilespmem:$0x1D000] =	vst v63  }
0x93: {  	_ =	swait.ge [sflag:s20], $0x4000  }
0x94: {  	[sflag:s20] =	ssyncset.done $0x0  }
0x95: {  	[sflag:s20] =	ssyncadd.s32 $0xFFFFC000  }
0x96: {  	[spmem:s1] =	stream.indirect.scatter.add.f32 [tilespmem:s18], [sflag:$0x5], $0x80, s16, s17, $0x2000b8;
	[tilespmem:$0x1D000] =	vst v63  }
0x97: {  	_ =	swait.ge [sflag:s13], $0x4000  }
0x98: {  	[sflag:s13] =	ssyncset.done $0x0  }
0x99: {  	s23 =	simm.s32 $0x900;
	[sflag:s13] =	ssyncadd.s32 $0xFFFFC000  }
0x9a: {  	[tilespmem:s18], [sflag:$0x1] =	stream.indirect.gather [hbm4b:s3+s17], $0x80, s23, s17, $0x2000b8;
	[tilespmem:$0x1D000] =	vst v63  }
0x9b: {  	_ =	swait.ge [sflag:s22], $0x4000  }
0x9c: {  	[sflag:s22] =	ssyncset.done $0x0  }
0x9d: {  	s23 =	simm.s32 $0xC80;
	[sflag:s22] =	ssyncadd.s32 $0xFFFFC000  }
0x9e: {  	[spmem:s1] =	stream.indirect.scatter.add.f32 [tilespmem:s19], [sflag:$0x5], $0x80, s23, s17, $0x2000b8;
	[tilespmem:$0x1D000] =	vst v63  }
0x9f: {  	_ =	swait.ge [sflag:s13], $0x4000  }
0xa0: {  	[sflag:s13] =	ssyncset.done $0x0  }
0xa1: {  	s23 =	simm.s32 $0x980;
	[sflag:s13] =	ssyncadd.s32 $0xFFFFC000  }
0xa2: {  	[tilespmem:s19], [sflag:$0x2] =	stream.indirect.gather [hbm4b:s3+s17], $0x80, s23, s17, $0x2000b8;
	[tilespmem:$0x1D000] =	vst v63  }
0xa3: {  	_ =	swait.ge [sflag:s20], $0x4000  }
0xa4: {  	[sflag:s20] =	ssyncset.done $0x0  }
0xa5: {  	[sflag:s20] =	ssyncadd.s32 $0xFFFFC000  }
0xa6: {  	[spmem:s1] =	stream.indirect.scatter.add.f32 [tilespmem:s18], [sflag:$0x5], $0x80, s24, s17, $0x2000b8;
	[tilespmem:$0x1D000] =	vst v63  }
0xa7: {  	_ =	swait.ge [sflag:s13], $0x4000  }
0xa8: {  	[sflag:s13] =	ssyncset.done $0x0  }
0xa9: {  	[sflag:s13] =	ssyncadd.s32 $0xFFFFC000  }
0xaa: {  	[tilespmem:s18], [sflag:$0x1] =	stream.indirect.gather [hbm4b:s3+s17], $0x80, s25, s17, $0x2000b8;
	[tilespmem:$0x1D000] =	vst v63  }
0xab: {  	_ =	swait.ge [sflag:s22], $0x4000  }
0xac: {  	[sflag:s22] =	ssyncset.done $0x0  }
0xad: {  	[sflag:s22] =	ssyncadd.s32 $0xFFFFC000  }
0xae: {  	[spmem:s1] =	stream.indirect.scatter.add.f32 [tilespmem:s19], [sflag:$0x5], $0x80, s26, s17, $0x2000b8;
	[tilespmem:$0x1D000] =	vst v63  }
0xaf: {  	_ =	swait.ge [sflag:s13], $0x4000  }
0xb0: {  	[sflag:s13] =	ssyncset.done $0x0  }
0xb1: {  	[sflag:s13] =	ssyncadd.s32 $0xFFFFC000  }
0xb2: {  	[tilespmem:s19], [sflag:$0x2] =	stream.indirect.gather [hbm4b:s3+s17], $0x80, s28, s17, $0x2000b8;
	[tilespmem:$0x1D000] =	vst v63  }
0xb3: {  	_ =	swait.ge [sflag:s20], $0x4000  }
0xb4: {  	[sflag:s20] =	ssyncset.done $0x0  }
0xb5: {  	[sflag:s20] =	ssyncadd.s32 $0xFFFFC000  }
0xb6: {  	[spmem:s1] =	stream.indirect.scatter.add.f32 [tilespmem:s18], [sflag:$0x5], $0x80, s29, s17, $0x2000b8;
	[tilespmem:$0x1D000] =	vst v63  }
0xb7: {  	_ =	swait.ge [sflag:s13], $0x4000  }
0xb8: {  	[sflag:s13] =	ssyncset.done $0x0  }
0xb9: {  	[sflag:s13] =	ssyncadd.s32 $0xFFFFC000  }
0xba: {  	[tilespmem:s18], [sflag:$0x1] =	stream.indirect.gather [hbm4b:s3+s17], $0x80, s30, s17, $0x2000b8;
	[tilespmem:$0x1D000] =	vst v63  }
0xbb: {  	_ =	swait.ge [sflag:s22], $0x4000  }
0xbc: {  	[sflag:s22] =	ssyncset.done $0x0  }
0xbd: {  	[sflag:s22] =	ssyncadd.s32 $0xFFFFC000  }
0xbe: {  	[spmem:s1] =	stream.indirect.scatter.add.f32 [tilespmem:s19], [sflag:$0x5], $0x80, s31, s17, $0x2000b8;
	[tilespmem:$0x1D000] =	vst v63  }
0xbf: {  	_ =	swait.ge [sflag:s13], $0x4000  }
0xc0: {  	[sflag:s13] =	ssyncset.done $0x0  }
0xc1: {  	[sflag:s13] =	ssyncadd.s32 $0xFFFFC000  }
0xc2: {  	[tilespmem:s19], [sflag:$0x2] =	stream.indirect.gather [hbm4b:s3+s17], $0x80, s0, s17, $0x2000b8;
	[tilespmem:$0x1D000] =	vst v63  }
0xc3: {  	_ =	swait.ge [sflag:s20], $0x4000  }
0xc4: {  	[sflag:s20] =	ssyncset.done $0x0  }
0xc5: {  	[sflag:s20] =	ssyncadd.s32 $0xFFFFC000  }
0xc6: {  	[spmem:s1] =	stream.indirect.scatter.add.f32 [tilespmem:s18], [sflag:$0x5], $0x80, s6, s17, $0x2000b8;
	[tilespmem:$0x1D000] =	vst v63  }
0xc7: {  	_ =	swait.ge [sflag:s13], $0x4000  }
0xc8: {  	[sflag:s13] =	ssyncset.done $0x0  }
0xc9: {  	[sflag:s13] =	ssyncadd.s32 $0xFFFFC000  }
0xca: {  	_ =	swait.ge [sflag:s22], $0x4000  }
0xcb: {  	[sflag:s22] =	ssyncset.done $0x0  }
.Ltmp5:
0xcc: {  	[sflag:s22] =	ssyncadd.s32 $0xFFFFC000;
	(pc) =	sbr.rel .LBB2_4-.Ltmp5, $4  }
0xcd: {  	[spmem:s1] =	stream.indirect.scatter.add.f32 [tilespmem:s19], [sflag:$0x4], $0x80, s8, s17, $0x2000b8;
	[tilespmem:$0x1D000] =	vst v63  }
0xce: {  	_ =	swait.ge [sflag:s9], $0x4000  }
0xcf: {  	[sflag:s9] =	ssyncset.done $0x0  }
0xd0: {  	[sflag:s9] =	ssyncadd.s32 $0xFFFFC000  }
.LBB2_6:
0xd1: {  	_ =	sfence.sel $0x180000  }
0xd2: {  	[bflag:$0x0] =	sbarrier.arrive $0xFFFF  }
0xd3: {  	_ =	strace $0x9000004A  }
0xd4: {  	[bflag:$0x2] =	sbarrier.arrive $0xFFFF  }
0xd5: {  	s0 =	rddreg [dreg:$0x2]  }
0xd6: {  	s0 =	sadd.s32 @!p0 $0x100000, s0  }
0xd7: {  	[sflag:s0] =	ssyncadd.tile.s32 @!p0 $0x1;
	_ =	shalt  }
.Lfunc_end2:
_tile_overlayer_lowered:
.L_overlay_start_2:
0xd8: {  	(tag) =	ssettag $0x2  }
0xd9: {  	s0 =	rddreg [dreg:$0x0];
	s2 =	stileid.u32  }
0xda: {  	s1 =	rddreg [dreg:$0x1];
	p0 =	sne.s32 s2, $0x0  }
0xdb: {  	s3 =	rddreg [dreg:$0x2];
	[bflag:$0x3] =	sbarrier.arrive $0xFFFF;
	s2 =	simm.s32 @!p0 $0x1C03  }
0xdc: {  	[timem:s3], [sflag:s2] =	dma.local @!p0 [hbm:s0], s1  }
0xdd: {  	s0 =	simm.s32 @!p0 $0x3  }
0xde: {  	_ =	swait.ge @!p0 [sflag:s0], s1  }
0xdf: {  	s1 =	ssub.s32 @!p0 $0x0, s1;
	[sflag:s0] =	ssyncset.done @!p0 $0x0  }
0xe0: {  	[sflag:s0] =	ssyncadd.s32 @!p0 s1  }
0xe1: {  	[bflag:$0x3] =	sbarrier.arrive $0xFFFF  }
0xe2: {  	_ =	shalt  }

// kernel: kernel.14.cloned.1.call-start
scs
__scs_entry_jumppad:
0x0: {  	(pc) =	sbr.rel $0x88, $3  }
0x1: {  	(tag) =	ssettag $0x0;
	lr =	simm.s32 $0x1  }
0x2: {  	[smem:$0x3F92] =	sst lr;
	_ =	strace $0xD0000000  }
0x3: {  	_ = 	snop  }
0x4: {  	_ = 	snop  }
0x5: {  	_ = 	snop  }
0x6: {  	_ = 	snop  }
0x7: {  	_ = 	snop  }
__scs_overlays_trampoline_lowered:
0x8: {  	[smem:$0x3FA1] =	sst s0  }
0x9: {  	[smem:$0x3FA2] =	sst s1  }
0xa: {  	[smem:$0x3FA3] =	sst s2  }
0xb: {  	[smem:$0x3FA4] =	sst s3  }
0xc: {  	[smem:$0x3FA5] =	sst s4  }
0xd: {  	[smem:$0x3FA6] =	sst s5  }
0xe: {  	[smem:$0x3FA7] =	sst s6  }
0xf: {  	[smem:$0x3FA8] =	sst s7  }
0x10: {  	[smem:$0x3FA9] =	sst s8  }
0x11: {  	[smem:$0x3FAA] =	sst s9;
	s0 =	simm.s32 @!p0 $0x0  }
0x12: {  	s1 =	sld [smem:$0x3F90];
	s0 =	simm.s32 @p0 $0x1  }
0x13: {  	[smem:$0x3FAB] =	sst s0;
	s0 =	simm.s32 @!p1 $0x0  }
0x14: {  	s2 =	sld [smem:$0x3F8F];
	s0 =	simm.s32 @p1 $0x1  }
0x15: {  	[smem:$0x3FAC] =	sst s0;
	s0 =	simm.s32 @!p2 $0x0  }
0x16: {  	s3 =	sld [smem:$0x3FDB];
	s0 =	simm.s32 @p2 $0x1  }
0x17: {  	s4 =	simm.s32 $0x1BF5;
	[smem:$0x3FAE] =	sst s0  }
0x18: {  	s0 =	sld [smem:$0x3F91];
	_ =	swait.ge [sflag:s4], $0x0  }
0x19: {  	s7 =	sld [smem:$0x3F92]  }
0x1a: {  	s8 =	sadd.s32 $0xFFFFE003, lr  }
0x1b: {  	s9 =	sadd.s32 $0xFFFFFEF7, lr;
	s5 =	simm.s32 $0xFFFFFFFF;
	p2 =	slt.u32 s8, $0xFFFFF086  }
0x1c: {  	p1 =	slt.u32 s9, $0xF7A;
	s5 =	simm.s32 @!p2 $0x0  }
0x1d: {  	s5 =	simm.s32 @p1 $0x1;
	p0 =	seq.s32 s7, s2  }
0x1e: {  	s7 =	smul.u32 @!p0 $0xF7A, s2;
	p2 =	seq.s32 @!p0 s5, $0x0  }
0x1f: {  	s9 =	smul.u32 $0xF7A, s1;
	s8 =	simm.s32 @!p0 $0x1BF5;
	p2 =	por !p2, p0  }
0x20: {  	[sflag:s8] =	ssyncset.s32 @!p0 $0xFFFFF086;
	s6 =	sadd.s32 @!p0 s3, s7;
	s7 =	simm.s32 @!p0 $0x108  }
0x21: {  	s3 =	sadd.s32 s3, s9;
	s6 =	sadd.s32 @!p0 $0x88, s6;
	s7 =	simm.s32 @p2 $0x1082  }
0x22: {  	[simem:s7], [sflag:s8] =	dma.local @!p0 [hbm:s6], $0xF7A  }
0x23: {  	s9 =	sor.u32 $0xD0000000, s2;
	s6 =	simm.s32 $0x108;
	_ =	swait.ge @!p0 [sflag:s8], $0x0  }
0x24: {  	s3 =	sadd.s32 $0x88, s3;
	s6 =	simm.s32 @!p1 $0x1082;
	[sflag:s4] =	ssyncset.s32 $0xFFFFF086  }
0x25: {  	[simem:s6], [sflag:s4] =	dma.local [hbm:s3], $0xF7A  }
0x26: {  	[smem:$0x3F92] =	sst s1;
	(tag) =	ssettag s2;
	_ =	strace s9  }
0x27: {  	s1 =	sld [smem:$0x3FA2]  }
0x28: {  	s2 =	sld [smem:$0x3FA3]  }
0x29: {  	s4 =	sld [smem:$0x3FA5]  }
0x2a: {  	p0 =	seq.s32 s5, $0x0;
	s5 =	sld [smem:$0x3FA6]  }
0x2b: {  	s6 =	sld [smem:$0x3FA7]  }
0x2c: {  	s7 =	sld [smem:$0x3FA8]  }
0x2d: {  	s3 =	simm.s32 $0x108;
	s8 =	sld [smem:$0x3FA9]  }
0x2e: {  	s3 =	simm.s32 @!p0 $0x1082;
	s9 =	sld [smem:$0x3FAA]  }
0x2f: {  	lr =	sadd.s32 s0, s3;
	s0 =	sld [smem:$0x3FA1]  }
0x30: {  	s3 =	sld [smem:$0x3FA4]  }
0x31: {  	[smem:$0x3FAD] =	sst s10  }
0x32: {  	s10 =	sld [smem:$0x3FAB];
	_ =	sdelay $0x3  }
0x33: {  	p0 =	seq.s32 s10, $0x1;
	s10 =	sld [smem:$0x3FAD];
	_ =	sdelay $0x3  }
0x34: {  	[smem:$0x3FAD] =	sst s10  }
0x35: {  	s10 =	sld [smem:$0x3FAC];
	_ =	sdelay $0x3  }
0x36: {  	p1 =	seq.s32 s10, $0x1;
	s10 =	sld [smem:$0x3FAD];
	_ =	sdelay $0x3  }
0x37: {  	[smem:$0x3FAD] =	sst s10  }
0x38: {  	s10 =	sld [smem:$0x3FAE]  }
0x39: {  	_ = 	snop;
	(pc) =	sbr.ind lr, $3  }
0x3a: {  	_ = 	snop  }
0x3b: {  	_ = 	snop  }
0x3c: {  	p2 =	seq.s32 s10, $0x1;
	s10 =	sld [smem:$0x3FAD]  }
0x3d: {  	_ =	shalt  }
0x3e: {  	_ =	shalt  }
0x3f: {  	_ =	shalt  }
0x40: {  	_ =	shalt  }
0x41: {  	_ =	shalt  }
0x42: {  	_ =	shalt  }
0x43: {  	_ =	shalt  }
0x44: {  	_ =	shalt  }
0x45: {  	_ =	shalt  }
0x46: {  	_ =	shalt  }
0x47: {  	_ =	shalt  }
0x48: {  	_ =	shalt  }
0x49: {  	_ =	shalt  }
0x4a: {  	_ =	shalt  }
0x4b: {  	_ =	shalt  }
0x4c: {  	_ =	shalt  }
0x4d: {  	_ =	shalt  }
0x4e: {  	_ =	shalt  }
0x4f: {  	_ =	shalt  }
0x50: {  	_ =	shalt  }
0x51: {  	_ =	shalt  }
0x52: {  	_ =	shalt  }
0x53: {  	_ =	shalt  }
0x54: {  	_ =	shalt  }
0x55: {  	_ =	shalt  }
0x56: {  	_ =	shalt  }
0x57: {  	_ =	shalt  }
0x58: {  	_ =	shalt  }
0x59: {  	_ =	shalt  }
0x5a: {  	_ =	shalt  }
0x5b: {  	_ =	shalt  }
0x5c: {  	_ =	shalt  }
0x5d: {  	_ =	shalt  }
0x5e: {  	_ =	shalt  }
0x5f: {  	_ =	shalt  }
0x60: {  	_ =	shalt  }
0x61: {  	_ =	shalt  }
0x62: {  	_ =	shalt  }
0x63: {  	_ =	shalt  }
0x64: {  	_ =	shalt  }
0x65: {  	_ =	shalt  }
0x66: {  	_ =	shalt  }
0x67: {  	_ =	shalt  }
0x68: {  	_ =	shalt  }
0x69: {  	_ =	shalt  }
0x6a: {  	_ =	shalt  }
0x6b: {  	_ =	shalt  }
0x6c: {  	_ =	shalt  }
0x6d: {  	_ =	shalt  }
0x6e: {  	_ =	shalt  }
0x6f: {  	_ =	shalt  }
0x70: {  	_ =	shalt  }
0x71: {  	_ =	shalt  }
0x72: {  	_ =	shalt  }
0x73: {  	_ =	shalt  }
0x74: {  	_ =	shalt  }
0x75: {  	_ =	shalt  }
0x76: {  	_ =	shalt  }
0x77: {  	_ =	shalt  }
0x78: {  	_ =	shalt  }
0x79: {  	_ =	shalt  }
0x7a: {  	_ =	shalt  }
0x7b: {  	_ =	shalt  }
0x7c: {  	_ =	shalt  }
0x7d: {  	_ =	shalt  }
0x7e: {  	_ =	shalt  }
0x7f: {  	_ =	shalt  }
0x80: {  	_ =	shalt  }
0x81: {  	_ =	shalt  }
0x82: {  	_ =	shalt  }
0x83: {  	_ =	shalt  }
0x84: {  	_ =	shalt  }
0x85: {  	_ =	shalt  }
0x86: {  	_ =	shalt  }
0x87: {  	_ =	shalt  }
.Lfunc_end0:
.L_simem_size_0:
called_computation.2_lowered:
.L_overlay_start_0:
0x88: {  	s2 =	sld [smem:$0x3FD9]  }
0x89: {  	s3 =	sld [smem:$0x3FFE];
	_ =	sdelay $0x1  }
0x8a: {  	s1 =	srdreg.scid  }
0x8b: {  	s0 =	sand.u32 $0x1, s1  }
0x8c: {  	s16 =	sshll.u32 s0, $0xA;
	s2 =	sadd.s32 s3, s2  }
0x8d: {  	s2 =	sadd.s32 s2, s16  }
0x8e: {  	[smem:$0x3FB9] =	sst s2  }
0x8f: {  	_ = 	snop  }
0x90: {  	(tm) =	ssettm $0x1  }
0x91: {  	s17 =	sld [smem:$0x3FFB];
	_ =	sdelay $0x3  }
0x92: {  	_ =	strace s17  }
0x93: {  	s2 =	sld [smem:$0x3FFC];
	_ =	sdelay $0x3  }
0x94: {  	_ =	strace s2  }
0x95: {  	s2 =	sld [smem:$0x3FFD];
	_ =	sdelay $0x3  }
0x96: {  	_ =	strace s2  }
0x97: {  	_ =	strace $0x8FFFFFFF  }
0x98: {  	s18 =	sld [smem:$0x3FDB];
	_ =	sdelay $0x1  }
0x99: {  	s19 =	simm.s32 $_scs_section_size  }
0x9a: {  	s4 =	simm.s32 $_size__tile_overlayer_lowered;
	s5 =	simm.s32 $_tile_overlayer_lowered  }
0x9b: {  	s22 =	simm.s32 $0x1BFF;
	s21 =	sshll.u32 s5, $0x1;
	s2 =	sadd.s32 s19, s18  }
0x9c: {  	s6 =	simm.s32 $0x0;
	s20 =	sshll.u32 s4, $0x1;
	s4 =	sadd.s32 s21, s2  }
0x9d: {  	[timem:s6], [sflag:s22] =	dma.local [hbm:s4], s20  }
0x9e: {  	_ =	swait.ge [sflag:s22], s20  }
0x9f: {  	s3 =	ssub.s32 $0x0, s20;
	[sflag:s22] =	ssyncset.done $0x0  }
0xa0: {  	[sflag:s22] =	ssyncadd.s32 s3;
	_ =	sdelay $0x1  }
0xa1: {  	s23 =	simm.s32 $0x1B8B  }
0xa2: {  	_ =	swait.ge [sflag:s23], $0x1  }
0xa3: {  	[sflag:s23] =	ssyncset.done $0x0  }
0xa4: {  	s25 =	simm.s32 $0x1B8E;
	s24 =	sld [smem:$0x3FFE];
	[sflag:s23] =	ssyncadd.s32 $0xFFFFFFFF  }
0xa5: {  	s26 =	simm.s32 $execute0_lowered;
	[smem:$0x3FD2] =	sst s25  }
0xa6: {  	s4 =	sshll.u32 s26, $0x1;
	_ =	strace $0x8000004F;
	[dreg:$0x1] =	wrdreg $0xFFFFFFFF  }
0xa7: {  	s28 =	simm.s32 $_size_execute0_lowered;
	s2 =	sadd.s32 s2, s4;
	[dreg:$0x0] =	wrdreg $0x0  }
0xa8: {  	s4 =	sshll.u32 s28, $0x1;
	[dreg:$0x2] =	wrdreg s2  }
0xa9: {  	[dreg:$0x3] =	wrdreg s4  }
0xaa: {  	[dreg:$0x4] =	wrdreg $0xC0  }
0xab: {  	_ =	task [dreg:s6], $0x5FFFF  }
0xac: {  	[dreg:$0x1] =	wrdreg $0xFFFFFFFF  }
0xad: {  	[dreg:$0x0] =	wrdreg $0x60  }
0xae: {  	[dreg:$0x2] =	wrdreg s24  }
0xaf: {  	[dreg:$0x3] =	wrdreg $0x90000  }
0xb0: {  	[dreg:$0x4] =	wrdreg $0x9  }
0xb1: {  	_ =	task.clear_ibuf [dreg:s6], $0x5FFFF;
	_ =	strace $0x9000004F  }
0xb2: {  	s29 =	simm.s32 $0x9;
	_ =	strace $0x80000054  }
0xb3: {  	_ =	swait.ge [sflag:s29], $0x1  }
0xb4: {  	[sflag:s29] =	ssyncadd.s32 $0xFFFFFFFF  }
0xb5: {  	_ =	strace $0x90000054  }
0xb6: {  	_ =	sfence  }
0xb7: {  	s30 =	sld [smem:$0x0];
	_ =	sdelay $0x2  }
0xb8: {  	s31 =	sshll.u32 s1, $0xD;
	s1 =	sshrl.u32 s1, $0x2  }
0xb9: {  	s3 =	sand.u32 $0x4000, s31;
	s1 =	sadd.s32 s1, s30  }
0xba: {  	s0 =	sor.u32 s3, s0;
	s1 =	sshll.u32 s1, $0x11  }
0xbb: {  	s0 =	sor.u32 s1, s0  }
0xbc: {  	s0 =	sadd.s32 $0x8F2B, s0  }
0xbd: {  	[sflag:s0] =	ssyncadd.remote.s32 $0x1  }
0xbe: {  	_ =	sfence.sel $0xFFFF  }
0xbf: {  	[dreg:$0x0] =	wrdreg $0xFFFFFFFF;
	(pc) =	sbr.abs _section_cstart, $3  }
0xc0: {  	[dreg:$0x1] =	wrdreg $0xFFFFFFFF  }
0xc1: {  	_ =	task.clear_ibuf [dreg:s6], $0x2FFFF;
	_ =	strace $0x9FFFFFFF  }
0xc2: {  	(tm) =	ssettm $0x7FFFFFFF  }
0xc3: {  	_ =	shalt  }
tec
execute0_lowered:
.L_overlay_start_1:
0x0: {  	(tag) =	ssettag $0x1  }
0x1: {  	s0 =	rddreg [dreg:$0x0]  }
0x2: {  	s1 =	rddreg [dreg:$0x1]  }
0x3: {  	s2 =	srdreg.scid;
	s8 =	stileid.u32  }
0x4: {  	s12 =	simm.s32 $0x3;
	s13 =	simm.s32 $0x5;
	s14 =	simm.s32 $0x400  }
0x5: {  	s15 =	simm.s32 $0x800;
	s16 =	simm.s32 $0xC00;
	s17 =	simm.s32 $0x80  }
0x6: {  	s24 =	simm.s32 $0xD00;
	s25 =	simm.s32 $0xA00;
	s26 =	simm.s32 $0xD80  }
0x7: {  	s28 =	simm.s32 $0xA80;
	s29 =	simm.s32 $0xE00;
	s30 =	simm.s32 $0xB00  }
0x8: {  	s31 =	simm.s32 $0xE80;
	s23 =	simm.s32 $0x0;
	s6 =	sand.u32 $0x1, s2  }
0x9: {  	s2 =	simm.s32 $0x0;
	s9 =	smul.u32 $0x14000, s8;
	s3 =	sadd.s32 $0x71E00, s0  }
0xa: {  	s4 =	sadd.s32 $0x19A00, s0;
	s5 =	sadd.s32 $0xFA00, s0;
	s18 =	smul.u32 $0x50000, s8  }
0xb: {  	s10 =	sadd.s32 $0x4E00, s0;
	s22 =	sshll.u32 s8, $0x6;
	p0 =	sne.s32 s8, $0x0  }
0xc: {  	s8 =	simm.s32 $0xF80;
	s7 =	smul.u32 $0x140000, s6;
	[smem:$0x7FF] =	sst s2  }
0xd: {  	s19 =	ssub.s32 $0x2, s6;
	_ =	strace $0x80000050;
	[dreg:$0x3] =	wrdreg s10  }
0xe: {  	s11 =	sor.u32 $0x1C03, s22;
	s22 =	simm.s32 $0x2;
	[dreg:$0x7] =	wrdreg s23  }
0xf: {  	s20 =	sshrl.u32 s19, $0x1;
	[dreg:$0x6] =	wrdreg s11;
	s7 =	sadd.s32 s9, s7  }
0x10: {  	s9 =	sshrl.u32 s18, $0x2;
	s10 =	ssub.s32 s19, s20;
	s18 =	simm.s32 $0x1000  }
.Ltmp0:
0x11: {  	s19 =	simm.s32 $0x5000;
	s20 =	simm.s32 $0x1;
	(pc) =	sbr.rel .LBB2_1-.Ltmp0, $4  }
0x12: {  	s7 =	sshrl.u32 s7, $0x3;
	s9 =	sadd.s32 s9, s1;
	s21 =	smax.u32 s10, $0x1  }
0x13: {  	s0 =	sadd.s32 s7, s0;
	s7 =	smul.u32 $0x5000, s6;
	[dreg:$0x5] =	wrdreg s21  }
0x14: {  	s21 =	sshrl.u32 s9, $0x3;
	s6 =	simm.s32 $0xF00;
	s0 =	sadd.s32 $0x99000, s0  }
0x15: {  	s9 =	simm.s32 $0x4;
	[dreg:$0x4] =	wrdreg s0;
	s0 =	simm.s32 $0xB80  }
.LBB2_5:
0x16: {  	_ =	strace $0x90000052  }
0x17: {  	_ =	strace $0x80000053  }
0x18: {  	[bflag:$0x0] =	sbarrier.arrive $0xFFFF  }
0x19: {  	s10 =	rddreg [dreg:$0x4]  }
0x1a: {  	s11 =	rddreg [dreg:$0x6]  }
0x1b: {  	[hbm:s10], [sflag:s11] =	dma.local [spmem:s21], $0x2800  }
0x1c: {  	_ =	swait.ge [sflag:s12], $0x2800  }
0x1d: {  	s23 =	rddreg [dreg:$0x7]  }
0x1e: {  	s10 =	rddreg [dreg:$0x5];
	s23 =	sadd.s32 $0x1, s23  }
0x1f: {  	p1 =	sne.s32 s23, s10  }
.Ltmp1:
0x20: {  	_ = 	snop;
	(pc) =	sbr.rel @!p1 .LBB2_6-.Ltmp1, $4  }
0x21: {  	_ = 	snop  }
0x22: {  	[sflag:s12] =	ssyncset.done $0x0  }
0x23: {  	[sflag:s12] =	ssyncadd.s32 $0xFFFFD800;
	[dreg:$0x7] =	wrdreg s23  }
0x24: {  	_ =	strace $0x90000053  }
.LBB2_1:
0x25: {  	s10 =	simm.s32 @!p0 $0x0  }
0x26: {  	[smem:$0x0] =	sst @!p0 s10  }
0x27: {  	_ =	strace $0x80000051  }
0x28: {  	s23 =	rddreg [dreg:$0x3]  }
0x29: {  	[spmem:s21], [sflag:s11] =	dma.local [hbm:s23], $0x2800  }
0x2a: {  	_ =	swait.ge [sflag:s12], $0x2800  }
.Ltmp2:
0x2b: {  	[sflag:s12] =	ssyncset.done $0x0;
	(pc) =	sbr.rel .LBB2_2-.Ltmp2, $4  }
0x2c: {  	[sflag:s12] =	ssyncadd.s32 $0xFFFFD800  }
0x2d: {  	[bflag:$0x0] =	sbarrier.arrive $0xFFFF  }
0x2e: {  	_ =	strace $0x90000051  }
0x2f: {  	s10 =	simm.s32 $0xA;
	_ =	strace $0x80000052  }
.LBB2_4:
0x30: {  	s10 =	sadd.s32 $0xFFFFFFFF, s10  }
0x31: {  	p1 =	sne.s32 s10, $0x0  }
.Ltmp3:
0x32: {  	_ = 	snop;
	(pc) =	sbr.rel @!p1 .LBB2_5-.Ltmp3, $1  }
0x33: {  	_ =	sdelay $0x3  }
.LBB2_2:
0x34: {  	[sflag:s12] =	ssyncset.done $0x0  }
0x35: {  	[smem:s2], [sflag:$0x3] =	smem.add.s32 $0x1  }
0x36: {  	_ =	swait.done [sflag:s12]  }
0x37: {  	s11 =	ssyncread [sflag:$0x3];
	_ =	sdelay $0x2  }
0x38: {  	p1 =	sgt.s32 s11, $0x4F  }
.Ltmp4:
0x39: {  	_ = 	snop;
	(pc) =	sbr.rel @p1 .LBB2_4-.Ltmp4, $3  }
0x3a: {  	_ =	sdelay $0x1  }
0x3b: {  	[sflag:s12] =	ssyncset.s32 $0x0  }
0x3c: {  	[sflag:s12] =	ssyncset.done $0x0  }
0x3d: {  	s11 =	sshll.u32 s11, $0x8  }
0x3e: {  	s11 =	sadd.s32 s7, s11  }
0x3f: {  	s23 =	smov.u32 s21;
	s21 =	sadd.s32 s4, s11  }
0x40: {  	[tilespmem:s2], [sflag:$0x5] =	stream.linear.gather [hbm4b:s21+s2], $0x400, $0x200038;
	[tilespmem:$0x1D000] =	vst v63  }
0x41: {  	_ =	swait.ge [sflag:s13], $0x400  }
0x42: {  	[sflag:s13] =	ssyncset.done $0x0  }
0x43: {  	s21 =	sadd.s32 s5, s11;
	[sflag:s13] =	ssyncadd.s32 $0xFFFFFC00  }
0x44: {  	[tilespmem:s14], [sflag:$0x5] =	stream.linear.gather [hbm4b:s21+s2], $0x400, $0x200038;
	[tilespmem:$0x1D000] =	vst v63  }
0x45: {  	s11 =	sand.u32 $0x1FFFFF00, s11;
	_ =	swait.ge [sflag:s13], $0x400  }
0x46: {  	s11 =	sor.u32 $0x80, s11;
	[sflag:s13] =	ssyncset.done $0x0  }
0x47: {  	s21 =	sadd.s32 s4, s11;
	[sflag:s13] =	ssyncadd.s32 $0xFFFFFC00  }
0x48: {  	[tilespmem:s15], [sflag:$0x5] =	stream.linear.gather [hbm4b:s21+s2], $0x400, $0x200038;
	[tilespmem:$0x1D000] =	vst v63  }
0x49: {  	_ =	swait.ge [sflag:s13], $0x400  }
0x4a: {  	[sflag:s13] =	ssyncset.done $0x0  }
0x4b: {  	s11 =	sadd.s32 s5, s11;
	[sflag:s13] =	ssyncadd.s32 $0xFFFFFC00  }
0x4c: {  	[tilespmem:s16], [sflag:$0x5] =	stream.linear.gather [hbm4b:s11+s2], $0x400, $0x200038;
	[tilespmem:$0x1D000] =	vst v63  }
0x4d: {  	_ =	swait.ge [sflag:s13], $0x400  }
0x4e: {  	[sflag:s13] =	ssyncset.done $0x0  }
0x4f: {  	[sflag:s13] =	ssyncadd.s32 $0xFFFFFC00  }
0x50: {  	[tilespmem:s18], [sflag:$0x1] =	stream.indirect.gather [hbm4b:s3+s17], $0x80, s2, s17, $0x2000b8;
	[tilespmem:$0x1D000] =	vst v63  }
0x51: {  	_ = 	snop  }
0x52: {  	[tilespmem:s19], [sflag:$0x2] =	stream.indirect.gather [hbm4b:s3+s17], $0x80, s17, s17, $0x2000b8;
	[tilespmem:$0x1D000] =	vst v63  }
0x53: {  	_ =	swait.ge [sflag:s20], $0x4000  }
0x54: {  	[sflag:s20] =	ssyncset.done $0x0  }
0x55: {  	[sflag:s20] =	ssyncadd.s32 $0xFFFFC000  }
0x56: {  	[spmem:s1] =	stream.indirect.scatter.add.f32 [tilespmem:s18], [sflag:$0x5], $0x80, s14, s17, $0x2000b8;
	[tilespmem:$0x1D000] =	vst v63  }
0x57: {  	_ =	swait.ge [sflag:s13], $0x4000  }
0x58: {  	[sflag:s13] =	ssyncset.done $0x0  }
0x59: {  	s21 =	smov.u32 s23;
	s23 =	simm.s32 $0x100;
	[sflag:s13] =	ssyncadd.s32 $0xFFFFC000  }
0x5a: {  	[tilespmem:s18], [sflag:$0x1] =	stream.indirect.gather [hbm4b:s3+s17], $0x80, s23, s17, $0x2000b8;
	[tilespmem:$0x1D000] =	vst v63  }
0x5b: {  	_ =	swait.ge [sflag:s22], $0x4000  }
0x5c: {  	[sflag:s22] =	ssyncset.done $0x0  }
0x5d: {  	s23 =	simm.s32 $0x480;
	[sflag:s22] =	ssyncadd.s32 $0xFFFFC000  }
0x5e: {  	[spmem:s1] =	stream.indirect.scatter.add.f32 [tilespmem:s19], [sflag:$0x5], $0x80, s23, s17, $0x2000b8;
	[tilespmem:$0x1D000] =	vst v63  }
0x5f: {  	_ =	swait.ge [sflag:s13], $0x4000  }
0x60: {  	[sflag:s13] =	ssyncset.done $0x0  }
0x61: {  	s23 =	simm.s32 $0x180;
	[sflag:s13] =	ssyncadd.s32 $0xFFFFC000  }
0x62: {  	[tilespmem:s19], [sflag:$0x2] =	stream.indirect.gather [hbm4b:s3+s17], $0x80, s23, s17, $0x2000b8;
	[tilespmem:$0x1D000] =	vst v63  }
0x63: {  	_ =	swait.ge [sflag:s20], $0x4000  }
0x64: {  	[sflag:s20] =	ssyncset.done $0x0  }
0x65: {  	s23 =	simm.s32 $0x500;
	[sflag:s20] =	ssyncadd.s32 $0xFFFFC000  }
0x66: {  	[spmem:s1] =	stream.indirect.scatter.add.f32 [tilespmem:s18], [sflag:$0x5], $0x80, s23, s17, $0x2000b8;
	[tilespmem:$0x1D000] =	vst v63  }
0x67: {  	_ =	swait.ge [sflag:s13], $0x4000  }
0x68: {  	[sflag:s13] =	ssyncset.done $0x0  }
0x69: {  	s23 =	simm.s32 $0x200;
	[sflag:s13] =	ssyncadd.s32 $0xFFFFC000  }
0x6a: {  	[tilespmem:s18], [sflag:$0x1] =	stream.indirect.gather [hbm4b:s3+s17], $0x80, s23, s17, $0x2000b8;
	[tilespmem:$0x1D000] =	vst v63  }
0x6b: {  	_ =	swait.ge [sflag:s22], $0x4000  }
0x6c: {  	[sflag:s22] =	ssyncset.done $0x0  }
0x6d: {  	s23 =	simm.s32 $0x580;
	[sflag:s22] =	ssyncadd.s32 $0xFFFFC000  }
0x6e: {  	[spmem:s1] =	stream.indirect.scatter.add.f32 [tilespmem:s19], [sflag:$0x5], $0x80, s23, s17, $0x2000b8;
	[tilespmem:$0x1D000] =	vst v63  }
0x6f: {  	_ =	swait.ge [sflag:s13], $0x4000  }
0x70: {  	[sflag:s13] =	ssyncset.done $0x0  }
0x71: {  	s23 =	simm.s32 $0x280;
	[sflag:s13] =	ssyncadd.s32 $0xFFFFC000  }
0x72: {  	[tilespmem:s19], [sflag:$0x2] =	stream.indirect.gather [hbm4b:s3+s17], $0x80, s23, s17, $0x2000b8;
	[tilespmem:$0x1D000] =	vst v63  }
0x73: {  	_ =	swait.ge [sflag:s20], $0x4000  }
0x74: {  	[sflag:s20] =	ssyncset.done $0x0  }
0x75: {  	s23 =	simm.s32 $0x600;
	[sflag:s20] =	ssyncadd.s32 $0xFFFFC000  }
0x76: {  	[spmem:s1] =	stream.indirect.scatter.add.f32 [tilespmem:s18], [sflag:$0x5], $0x80, s23, s17, $0x2000b8;
	[tilespmem:$0x1D000] =	vst v63  }
0x77: {  	_ =	swait.ge [sflag:s13], $0x4000  }
0x78: {  	[sflag:s13] =	ssyncset.done $0x0  }
0x79: {  	s23 =	simm.s32 $0x300;
	[sflag:s13] =	ssyncadd.s32 $0xFFFFC000  }
0x7a: {  	[tilespmem:s18], [sflag:$0x1] =	stream.indirect.gather [hbm4b:s3+s17], $0x80, s23, s17, $0x2000b8;
	[tilespmem:$0x1D000] =	vst v63  }
0x7b: {  	_ =	swait.ge [sflag:s22], $0x4000  }
0x7c: {  	[sflag:s22] =	ssyncset.done $0x0  }
0x7d: {  	s23 =	simm.s32 $0x680;
	[sflag:s22] =	ssyncadd.s32 $0xFFFFC000  }
0x7e: {  	[spmem:s1] =	stream.indirect.scatter.add.f32 [tilespmem:s19], [sflag:$0x5], $0x80, s23, s17, $0x2000b8;
	[tilespmem:$0x1D000] =	vst v63  }
0x7f: {  	_ =	swait.ge [sflag:s13], $0x4000  }
0x80: {  	[sflag:s13] =	ssyncset.done $0x0  }
0x81: {  	s23 =	simm.s32 $0x380;
	[sflag:s13] =	ssyncadd.s32 $0xFFFFC000  }
0x82: {  	[tilespmem:s19], [sflag:$0x2] =	stream.indirect.gather [hbm4b:s3+s17], $0x80, s23, s17, $0x2000b8;
	[tilespmem:$0x1D000] =	vst v63  }
0x83: {  	_ =	swait.ge [sflag:s20], $0x4000  }
0x84: {  	[sflag:s20] =	ssyncset.done $0x0  }
0x85: {  	s23 =	simm.s32 $0x700;
	[sflag:s20] =	ssyncadd.s32 $0xFFFFC000  }
0x86: {  	[spmem:s1] =	stream.indirect.scatter.add.f32 [tilespmem:s18], [sflag:$0x5], $0x80, s23, s17, $0x2000b8;
	[tilespmem:$0x1D000] =	vst v63  }
0x87: {  	_ =	swait.ge [sflag:s13], $0x4000  }
0x88: {  	[sflag:s13] =	ssyncset.done $0x0  }
0x89: {  	[sflag:s13] =	ssyncadd.s32 $0xFFFFC000  }
0x8a: {  	[tilespmem:s18], [sflag:$0x1] =	stream.indirect.gather [hbm4b:s3+s17], $0x80, s15, s17, $0x2000b8;
	[tilespmem:$0x1D000] =	vst v63  }
0x8b: {  	_ =	swait.ge [sflag:s22], $0x4000  }
0x8c: {  	[sflag:s22] =	ssyncset.done $0x0  }
0x8d: {  	s23 =	simm.s32 $0x780;
	[sflag:s22] =	ssyncadd.s32 $0xFFFFC000  }
0x8e: {  	[spmem:s1] =	stream.indirect.scatter.add.f32 [tilespmem:s19], [sflag:$0x5], $0x80, s23, s17, $0x2000b8;
	[tilespmem:$0x1D000] =	vst v63  }
0x8f: {  	_ =	swait.ge [sflag:s13], $0x4000  }
0x90: {  	[sflag:s13] =	ssyncset.done $0x0  }
0x91: {  	s23 =	simm.s32 $0x880;
	[sflag:s13] =	ssyncadd.s32 $0xFFFFC000  }
0x92: {  	[tilespmem:s19], [sflag:$0x2] =	stream.indirect.gather [hbm4b:s3+s17], $0x80, s23, s17, $0x2000b8;
	[tilespmem:$0x1D000] =	vst v63  }
0x93: {  	_ =	swait.ge [sflag:s20], $0x4000  }
0x94: {  	[sflag:s20] =	ssyncset.done $0x0  }
0x95: {  	[sflag:s20] =	ssyncadd.s32 $0xFFFFC000  }
0x96: {  	[spmem:s1] =	stream.indirect.scatter.add.f32 [tilespmem:s18], [sflag:$0x5], $0x80, s16, s17, $0x2000b8;
	[tilespmem:$0x1D000] =	vst v63  }
0x97: {  	_ =	swait.ge [sflag:s13], $0x4000  }
0x98: {  	[sflag:s13] =	ssyncset.done $0x0  }
0x99: {  	s23 =	simm.s32 $0x900;
	[sflag:s13] =	ssyncadd.s32 $0xFFFFC000  }
0x9a: {  	[tilespmem:s18], [sflag:$0x1] =	stream.indirect.gather [hbm4b:s3+s17], $0x80, s23, s17, $0x2000b8;
	[tilespmem:$0x1D000] =	vst v63  }
0x9b: {  	_ =	swait.ge [sflag:s22], $0x4000  }
0x9c: {  	[sflag:s22] =	ssyncset.done $0x0  }
0x9d: {  	s23 =	simm.s32 $0xC80;
	[sflag:s22] =	ssyncadd.s32 $0xFFFFC000  }
0x9e: {  	[spmem:s1] =	stream.indirect.scatter.add.f32 [tilespmem:s19], [sflag:$0x5], $0x80, s23, s17, $0x2000b8;
	[tilespmem:$0x1D000] =	vst v63  }
0x9f: {  	_ =	swait.ge [sflag:s13], $0x4000  }
0xa0: {  	[sflag:s13] =	ssyncset.done $0x0  }
0xa1: {  	s23 =	simm.s32 $0x980;
	[sflag:s13] =	ssyncadd.s32 $0xFFFFC000  }
0xa2: {  	[tilespmem:s19], [sflag:$0x2] =	stream.indirect.gather [hbm4b:s3+s17], $0x80, s23, s17, $0x2000b8;
	[tilespmem:$0x1D000] =	vst v63  }
0xa3: {  	_ =	swait.ge [sflag:s20], $0x4000  }
0xa4: {  	[sflag:s20] =	ssyncset.done $0x0  }
0xa5: {  	[sflag:s20] =	ssyncadd.s32 $0xFFFFC000  }
0xa6: {  	[spmem:s1] =	stream.indirect.scatter.add.f32 [tilespmem:s18], [sflag:$0x5], $0x80, s24, s17, $0x2000b8;
	[tilespmem:$0x1D000] =	vst v63  }
0xa7: {  	_ =	swait.ge [sflag:s13], $0x4000  }
0xa8: {  	[sflag:s13] =	ssyncset.done $0x0  }
0xa9: {  	[sflag:s13] =	ssyncadd.s32 $0xFFFFC000  }
0xaa: {  	[tilespmem:s18], [sflag:$0x1] =	stream.indirect.gather [hbm4b:s3+s17], $0x80, s25, s17, $0x2000b8;
	[tilespmem:$0x1D000] =	vst v63  }
0xab: {  	_ =	swait.ge [sflag:s22], $0x4000  }
0xac: {  	[sflag:s22] =	ssyncset.done $0x0  }
0xad: {  	[sflag:s22] =	ssyncadd.s32 $0xFFFFC000  }
0xae: {  	[spmem:s1] =	stream.indirect.scatter.add.f32 [tilespmem:s19], [sflag:$0x5], $0x80, s26, s17, $0x2000b8;
	[tilespmem:$0x1D000] =	vst v63  }
0xaf: {  	_ =	swait.ge [sflag:s13], $0x4000  }
0xb0: {  	[sflag:s13] =	ssyncset.done $0x0  }
0xb1: {  	[sflag:s13] =	ssyncadd.s32 $0xFFFFC000  }
0xb2: {  	[tilespmem:s19], [sflag:$0x2] =	stream.indirect.gather [hbm4b:s3+s17], $0x80, s28, s17, $0x2000b8;
	[tilespmem:$0x1D000] =	vst v63  }
0xb3: {  	_ =	swait.ge [sflag:s20], $0x4000  }
0xb4: {  	[sflag:s20] =	ssyncset.done $0x0  }
0xb5: {  	[sflag:s20] =	ssyncadd.s32 $0xFFFFC000  }
0xb6: {  	[spmem:s1] =	stream.indirect.scatter.add.f32 [tilespmem:s18], [sflag:$0x5], $0x80, s29, s17, $0x2000b8;
	[tilespmem:$0x1D000] =	vst v63  }
0xb7: {  	_ =	swait.ge [sflag:s13], $0x4000  }
0xb8: {  	[sflag:s13] =	ssyncset.done $0x0  }
0xb9: {  	[sflag:s13] =	ssyncadd.s32 $0xFFFFC000  }
0xba: {  	[tilespmem:s18], [sflag:$0x1] =	stream.indirect.gather [hbm4b:s3+s17], $0x80, s30, s17, $0x2000b8;
	[tilespmem:$0x1D000] =	vst v63  }
0xbb: {  	_ =	swait.ge [sflag:s22], $0x4000  }
0xbc: {  	[sflag:s22] =	ssyncset.done $0x0  }
0xbd: {  	[sflag:s22] =	ssyncadd.s32 $0xFFFFC000  }
0xbe: {  	[spmem:s1] =	stream.indirect.scatter.add.f32 [tilespmem:s19], [sflag:$0x5], $0x80, s31, s17, $0x2000b8;
	[tilespmem:$0x1D000] =	vst v63  }
0xbf: {  	_ =	swait.ge [sflag:s13], $0x4000  }
0xc0: {  	[sflag:s13] =	ssyncset.done $0x0  }
0xc1: {  	[sflag:s13] =	ssyncadd.s32 $0xFFFFC000  }
0xc2: {  	[tilespmem:s19], [sflag:$0x2] =	stream.indirect.gather [hbm4b:s3+s17], $0x80, s0, s17, $0x2000b8;
	[tilespmem:$0x1D000] =	vst v63  }
0xc3: {  	_ =	swait.ge [sflag:s20], $0x4000  }
0xc4: {  	[sflag:s20] =	ssyncset.done $0x0  }
0xc5: {  	[sflag:s20] =	ssyncadd.s32 $0xFFFFC000  }
0xc6: {  	[spmem:s1] =	stream.indirect.scatter.add.f32 [tilespmem:s18], [sflag:$0x5], $0x80, s6, s17, $0x2000b8;
	[tilespmem:$0x1D000] =	vst v63  }
0xc7: {  	_ =	swait.ge [sflag:s13], $0x4000  }
0xc8: {  	[sflag:s13] =	ssyncset.done $0x0  }
0xc9: {  	[sflag:s13] =	ssyncadd.s32 $0xFFFFC000  }
0xca: {  	_ =	swait.ge [sflag:s22], $0x4000  }
0xcb: {  	[sflag:s22] =	ssyncset.done $0x0  }
.Ltmp5:
0xcc: {  	[sflag:s22] =	ssyncadd.s32 $0xFFFFC000;
	(pc) =	sbr.rel .LBB2_4-.Ltmp5, $4  }
0xcd: {  	[spmem:s1] =	stream.indirect.scatter.add.f32 [tilespmem:s19], [sflag:$0x4], $0x80, s8, s17, $0x2000b8;
	[tilespmem:$0x1D000] =	vst v63  }
0xce: {  	_ =	swait.ge [sflag:s9], $0x4000  }
0xcf: {  	[sflag:s9] =	ssyncset.done $0x0  }
0xd0: {  	[sflag:s9] =	ssyncadd.s32 $0xFFFFC000  }
.LBB2_6:
0xd1: {  	_ =	sfence.sel $0x180000  }
0xd2: {  	[bflag:$0x0] =	sbarrier.arrive $0xFFFF  }
0xd3: {  	_ =	strace $0x90000050  }
0xd4: {  	[bflag:$0x2] =	sbarrier.arrive $0xFFFF  }
0xd5: {  	s0 =	rddreg [dreg:$0x2]  }
0xd6: {  	s0 =	sadd.s32 @!p0 $0x100000, s0  }
0xd7: {  	[sflag:s0] =	ssyncadd.tile.s32 @!p0 $0x1;
	_ =	shalt  }
.Lfunc_end2:
_tile_overlayer_lowered:
.L_overlay_start_2:
0xd8: {  	(tag) =	ssettag $0x2  }
0xd9: {  	s0 =	rddreg [dreg:$0x0];
	s2 =	stileid.u32  }
0xda: {  	s1 =	rddreg [dreg:$0x1];
	p0 =	sne.s32 s2, $0x0  }
0xdb: {  	s3 =	rddreg [dreg:$0x2];
	[bflag:$0x3] =	sbarrier.arrive $0xFFFF;
	s2 =	simm.s32 @!p0 $0x1C03  }
0xdc: {  	[timem:s3], [sflag:s2] =	dma.local @!p0 [hbm:s0], s1  }
0xdd: {  	s0 =	simm.s32 @!p0 $0x3  }
0xde: {  	_ =	swait.ge @!p0 [sflag:s0], s1  }
0xdf: {  	s1 =	ssub.s32 @!p0 $0x0, s1;
	[sflag:s0] =	ssyncset.done @!p0 $0x0  }
0xe0: {  	[sflag:s0] =	ssyncadd.s32 @!p0 s1  }
0xe1: {  	[bflag:$0x3] =	sbarrier.arrive $0xFFFF  }
0xe2: {  	_ =	shalt  }

// kernel: kernel.8.cloned.1.call-start
scs
__scs_entry_jumppad:
0x0: {  	(pc) =	sbr.rel $0x88, $3  }
0x1: {  	(tag) =	ssettag $0x0;
	lr =	simm.s32 $0x1  }
0x2: {  	[smem:$0x3F92] =	sst lr;
	_ =	strace $0xD0000000  }
0x3: {  	_ = 	snop  }
0x4: {  	_ = 	snop  }
0x5: {  	_ = 	snop  }
0x6: {  	_ = 	snop  }
0x7: {  	_ = 	snop  }
__scs_overlays_trampoline_lowered:
0x8: {  	[smem:$0x3FA1] =	sst s0  }
0x9: {  	[smem:$0x3FA2] =	sst s1  }
0xa: {  	[smem:$0x3FA3] =	sst s2  }
0xb: {  	[smem:$0x3FA4] =	sst s3  }
0xc: {  	[smem:$0x3FA5] =	sst s4  }
0xd: {  	[smem:$0x3FA6] =	sst s5  }
0xe: {  	[smem:$0x3FA7] =	sst s6  }
0xf: {  	[smem:$0x3FA8] =	sst s7  }
0x10: {  	[smem:$0x3FA9] =	sst s8  }
0x11: {  	[smem:$0x3FAA] =	sst s9;
	s0 =	simm.s32 @!p0 $0x0  }
0x12: {  	s1 =	sld [smem:$0x3F90];
	s0 =	simm.s32 @p0 $0x1  }
0x13: {  	[smem:$0x3FAB] =	sst s0;
	s0 =	simm.s32 @!p1 $0x0  }
0x14: {  	s2 =	sld [smem:$0x3F8F];
	s0 =	simm.s32 @p1 $0x1  }
0x15: {  	[smem:$0x3FAC] =	sst s0;
	s0 =	simm.s32 @!p2 $0x0  }
0x16: {  	s3 =	sld [smem:$0x3FDB];
	s0 =	simm.s32 @p2 $0x1  }
0x17: {  	s4 =	simm.s32 $0x1BF5;
	[smem:$0x3FAE] =	sst s0  }
0x18: {  	s0 =	sld [smem:$0x3F91];
	_ =	swait.ge [sflag:s4], $0x0  }
0x19: {  	s7 =	sld [smem:$0x3F92]  }
0x1a: {  	s8 =	sadd.s32 $0xFFFFE003, lr  }
0x1b: {  	s9 =	sadd.s32 $0xFFFFFEF7, lr;
	s5 =	simm.s32 $0xFFFFFFFF;
	p2 =	slt.u32 s8, $0xFFFFF086  }
0x1c: {  	p1 =	slt.u32 s9, $0xF7A;
	s5 =	simm.s32 @!p2 $0x0  }
0x1d: {  	s5 =	simm.s32 @p1 $0x1;
	p0 =	seq.s32 s7, s2  }
0x1e: {  	s7 =	smul.u32 @!p0 $0xF7A, s2;
	p2 =	seq.s32 @!p0 s5, $0x0  }
0x1f: {  	s9 =	smul.u32 $0xF7A, s1;
	s8 =	simm.s32 @!p0 $0x1BF5;
	p2 =	por !p2, p0  }
0x20: {  	[sflag:s8] =	ssyncset.s32 @!p0 $0xFFFFF086;
	s6 =	sadd.s32 @!p0 s3, s7;
	s7 =	simm.s32 @!p0 $0x108  }
0x21: {  	s3 =	sadd.s32 s3, s9;
	s6 =	sadd.s32 @!p0 $0x88, s6;
	s7 =	simm.s32 @p2 $0x1082  }
0x22: {  	[simem:s7], [sflag:s8] =	dma.local @!p0 [hbm:s6], $0xF7A  }
0x23: {  	s9 =	sor.u32 $0xD0000000, s2;
	s6 =	simm.s32 $0x108;
	_ =	swait.ge @!p0 [sflag:s8], $0x0  }
0x24: {  	s3 =	sadd.s32 $0x88, s3;
	s6 =	simm.s32 @!p1 $0x1082;
	[sflag:s4] =	ssyncset.s32 $0xFFFFF086  }
0x25: {  	[simem:s6], [sflag:s4] =	dma.local [hbm:s3], $0xF7A  }
0x26: {  	[smem:$0x3F92] =	sst s1;
	(tag) =	ssettag s2;
	_ =	strace s9  }
0x27: {  	s1 =	sld [smem:$0x3FA2]  }
0x28: {  	s2 =	sld [smem:$0x3FA3]  }
0x29: {  	s4 =	sld [smem:$0x3FA5]  }
0x2a: {  	p0 =	seq.s32 s5, $0x0;
	s5 =	sld [smem:$0x3FA6]  }
0x2b: {  	s6 =	sld [smem:$0x3FA7]  }
0x2c: {  	s7 =	sld [smem:$0x3FA8]  }
0x2d: {  	s3 =	simm.s32 $0x108;
	s8 =	sld [smem:$0x3FA9]  }
0x2e: {  	s3 =	simm.s32 @!p0 $0x1082;
	s9 =	sld [smem:$0x3FAA]  }
0x2f: {  	lr =	sadd.s32 s0, s3;
	s0 =	sld [smem:$0x3FA1]  }
0x30: {  	s3 =	sld [smem:$0x3FA4]  }
0x31: {  	[smem:$0x3FAD] =	sst s10  }
0x32: {  	s10 =	sld [smem:$0x3FAB];
	_ =	sdelay $0x3  }
0x33: {  	p0 =	seq.s32 s10, $0x1;
	s10 =	sld [smem:$0x3FAD];
	_ =	sdelay $0x3  }
0x34: {  	[smem:$0x3FAD] =	sst s10  }
0x35: {  	s10 =	sld [smem:$0x3FAC];
	_ =	sdelay $0x3  }
0x36: {  	p1 =	seq.s32 s10, $0x1;
	s10 =	sld [smem:$0x3FAD];
	_ =	sdelay $0x3  }
0x37: {  	[smem:$0x3FAD] =	sst s10  }
0x38: {  	s10 =	sld [smem:$0x3FAE]  }
0x39: {  	_ = 	snop;
	(pc) =	sbr.ind lr, $3  }
0x3a: {  	_ = 	snop  }
0x3b: {  	_ = 	snop  }
0x3c: {  	p2 =	seq.s32 s10, $0x1;
	s10 =	sld [smem:$0x3FAD]  }
0x3d: {  	_ =	shalt  }
0x3e: {  	_ =	shalt  }
0x3f: {  	_ =	shalt  }
0x40: {  	_ =	shalt  }
0x41: {  	_ =	shalt  }
0x42: {  	_ =	shalt  }
0x43: {  	_ =	shalt  }
0x44: {  	_ =	shalt  }
0x45: {  	_ =	shalt  }
0x46: {  	_ =	shalt  }
0x47: {  	_ =	shalt  }
0x48: {  	_ =	shalt  }
0x49: {  	_ =	shalt  }
0x4a: {  	_ =	shalt  }
0x4b: {  	_ =	shalt  }
0x4c: {  	_ =	shalt  }
0x4d: {  	_ =	shalt  }
0x4e: {  	_ =	shalt  }
0x4f: {  	_ =	shalt  }
0x50: {  	_ =	shalt  }
0x51: {  	_ =	shalt  }
0x52: {  	_ =	shalt  }
0x53: {  	_ =	shalt  }
0x54: {  	_ =	shalt  }
0x55: {  	_ =	shalt  }
0x56: {  	_ =	shalt  }
0x57: {  	_ =	shalt  }
0x58: {  	_ =	shalt  }
0x59: {  	_ =	shalt  }
0x5a: {  	_ =	shalt  }
0x5b: {  	_ =	shalt  }
0x5c: {  	_ =	shalt  }
0x5d: {  	_ =	shalt  }
0x5e: {  	_ =	shalt  }
0x5f: {  	_ =	shalt  }
0x60: {  	_ =	shalt  }
0x61: {  	_ =	shalt  }
0x62: {  	_ =	shalt  }
0x63: {  	_ =	shalt  }
0x64: {  	_ =	shalt  }
0x65: {  	_ =	shalt  }
0x66: {  	_ =	shalt  }
0x67: {  	_ =	shalt  }
0x68: {  	_ =	shalt  }
0x69: {  	_ =	shalt  }
0x6a: {  	_ =	shalt  }
0x6b: {  	_ =	shalt  }
0x6c: {  	_ =	shalt  }
0x6d: {  	_ =	shalt  }
0x6e: {  	_ =	shalt  }
0x6f: {  	_ =	shalt  }
0x70: {  	_ =	shalt  }
0x71: {  	_ =	shalt  }
0x72: {  	_ =	shalt  }
0x73: {  	_ =	shalt  }
0x74: {  	_ =	shalt  }
0x75: {  	_ =	shalt  }
0x76: {  	_ =	shalt  }
0x77: {  	_ =	shalt  }
0x78: {  	_ =	shalt  }
0x79: {  	_ =	shalt  }
0x7a: {  	_ =	shalt  }
0x7b: {  	_ =	shalt  }
0x7c: {  	_ =	shalt  }
0x7d: {  	_ =	shalt  }
0x7e: {  	_ =	shalt  }
0x7f: {  	_ =	shalt  }
0x80: {  	_ =	shalt  }
0x81: {  	_ =	shalt  }
0x82: {  	_ =	shalt  }
0x83: {  	_ =	shalt  }
0x84: {  	_ =	shalt  }
0x85: {  	_ =	shalt  }
0x86: {  	_ =	shalt  }
0x87: {  	_ =	shalt  }
.Lfunc_end0:
.L_simem_size_0:
called_computation_lowered:
.L_overlay_start_0:
0x88: {  	s2 =	sld [smem:$0x3FD9]  }
0x89: {  	s3 =	sld [smem:$0x3FFE];
	_ =	sdelay $0x1  }
0x8a: {  	s1 =	srdreg.scid  }
0x8b: {  	s0 =	sand.u32 $0x1, s1  }
0x8c: {  	s17 =	sshll.u32 s0, $0xA;
	s2 =	sadd.s32 s3, s2  }
0x8d: {  	s2 =	sadd.s32 s2, s17  }
0x8e: {  	[smem:$0x3FB9] =	sst s2  }
0x8f: {  	_ = 	snop  }
0x90: {  	s2 =	sld [smem:$0x3FD0];
	(tm) =	ssettm $0x1  }
0x91: {  	s18 =	sld [smem:$0x3FFB];
	_ =	sdelay $0x3  }
0x92: {  	_ =	strace s18  }
0x93: {  	s3 =	sld [smem:$0x3FFC];
	_ =	sdelay $0x3  }
0x94: {  	_ =	strace s3  }
0x95: {  	s3 =	sld [smem:$0x3FFD];
	_ =	sdelay $0x3  }
0x96: {  	_ =	strace s3  }
0x97: {  	_ =	strace $0x8FFFFFFF  }
0x98: {  	s19 =	sld [smem:$0x3FDB];
	_ =	sdelay $0x1  }
0x99: {  	s4 =	simm.s32 $_scs_section_size  }
0x9a: {  	s5 =	simm.s32 $_size__tile_overlayer_lowered;
	s6 =	simm.s32 $_tile_overlayer_lowered  }
0x9b: {  	s22 =	simm.s32 $0x1BFF;
	s21 =	sshll.u32 s6, $0x1;
	s3 =	sadd.s32 s4, s19  }
0x9c: {  	s7 =	simm.s32 $0x0;
	s20 =	sshll.u32 s5, $0x1;
	s5 =	sadd.s32 s21, s3  }
0x9d: {  	[timem:s7], [sflag:s22] =	dma.local [hbm:s5], s20  }
0x9e: {  	_ =	swait.ge [sflag:s22], s20  }
0x9f: {  	s4 =	ssub.s32 $0x0, s20;
	[sflag:s22] =	ssyncset.done $0x0  }
0xa0: {  	[sflag:s22] =	ssyncadd.s32 s4;
	_ =	sdelay $0x1  }
0xa1: {  	s23 =	simm.s32 $0x1B8B  }
0xa2: {  	_ =	swait.ge [sflag:s23], $0x1  }
0xa3: {  	[sflag:s23] =	ssyncset.done $0x0  }
0xa4: {  	s25 =	simm.s32 $0x1B8E;
	s24 =	sld [smem:$0x3FFE];
	[sflag:s23] =	ssyncadd.s32 $0xFFFFFFFF  }
0xa5: {  	s26 =	simm.s32 $execute0_lowered;
	[smem:$0x3FD2] =	sst s25  }
0xa6: {  	s5 =	sshll.u32 s26, $0x1;
	_ =	strace $0x80000046;
	[dreg:$0x1] =	wrdreg $0xFFFFFFFF  }
0xa7: {  	s28 =	simm.s32 $_size_execute0_lowered;
	s3 =	sadd.s32 s3, s5;
	[dreg:$0x0] =	wrdreg $0x0  }
0xa8: {  	s5 =	sshll.u32 s28, $0x1;
	[dreg:$0x2] =	wrdreg s3  }
0xa9: {  	[dreg:$0x3] =	wrdreg s5  }
0xaa: {  	[dreg:$0x4] =	wrdreg $0xC0  }
0xab: {  	_ =	task [dreg:s7], $0x5FFFF  }
0xac: {  	[dreg:$0x1] =	wrdreg $0xFFFFFFFF  }
0xad: {  	[dreg:$0x0] =	wrdreg $0x60  }
0xae: {  	[dreg:$0x2] =	wrdreg s24  }
0xaf: {  	[dreg:$0x3] =	wrdreg s2  }
0xb0: {  	[dreg:$0x4] =	wrdreg $0x28800  }
0xb1: {  	[dreg:$0x5] =	wrdreg $0x9  }
0xb2: {  	_ =	task.clear_ibuf [dreg:s7], $0x6FFFF;
	_ =	strace $0x90000046  }
0xb3: {  	s29 =	simm.s32 $0x9;
	_ =	strace $0x80000048  }
0xb4: {  	_ =	swait.ge [sflag:s29], $0x1  }
0xb5: {  	[sflag:s29] =	ssyncadd.s32 $0xFFFFFFFF  }
0xb6: {  	_ =	strace $0x90000048  }
0xb7: {  	_ =	sfence  }
0xb8: {  	s30 =	sld [smem:$0x0];
	_ =	sdelay $0x2  }
0xb9: {  	s31 =	sshll.u32 s1, $0xD;
	s1 =	sshrl.u32 s1, $0x2  }
0xba: {  	s3 =	sand.u32 $0x4000, s31;
	s1 =	sadd.s32 s1, s30  }
0xbb: {  	s0 =	sor.u32 s3, s0;
	s1 =	sshll.u32 s1, $0x11  }
0xbc: {  	s0 =	sor.u32 s1, s0  }
0xbd: {  	s0 =	sadd.s32 $0x8F2B, s0  }
0xbe: {  	[sflag:s0] =	ssyncadd.remote.s32 $0x1  }
0xbf: {  	_ =	sfence.sel $0xFFFF  }
0xc0: {  	[dreg:$0x0] =	wrdreg $0xFFFFFFFF;
	(pc) =	sbr.abs _section_cstart, $3  }
0xc1: {  	[dreg:$0x1] =	wrdreg $0xFFFFFFFF  }
0xc2: {  	_ =	task.clear_ibuf [dreg:s7], $0x2FFFF;
	_ =	strace $0x9FFFFFFF  }
0xc3: {  	(tm) =	ssettm $0x7FFFFFFF  }
tec
execute0_lowered:
.L_overlay_start_1:
0x0: {  	(tag) =	ssettag $0x1  }
0x1: {  	s6 =	rddreg [dreg:$0x0]  }
0x2: {  	s2 =	rddreg [dreg:$0x1]  }
0x3: {  	s0 =	srdreg.scid;
	s3 =	rddreg [dreg:$0x2];
	s4 =	simm.s32 $0x0  }
0x4: {  	s12 =	simm.s32 $0x2800;
	s13 =	simm.s32 $0x80;
	s14 =	simm.s32 $0x20  }
0x5: {  	s15 =	simm.s32 $0x10;
	s16 =	simm.s32 $0x0;
	s5 =	sand.u32 $0x1, s0  }
0x6: {  	s0 =	stileid.u32;
	[smem:$0x7FF] =	sst s4;
	s1 =	sshll.u32 s5, $0x4  }
0x7: {  	s8 =	smul.u32 $0x500, s0;
	s9 =	sshll.u32 s5, $0x7;
	s28 =	ssub.s32 $0x2, s5  }
0x8: {  	s10 =	smul.u32 $0xA00, s0;
	s5 =	sadd.s32 $0xEE00, s6;
	s1 =	sor.u32 s0, s1  }
0x9: {  	s31 =	sshll.u32 s0, $0x6;
	s29 =	sshrl.u32 s28, $0x1;
	s7 =	smul.u32 $0x500, s1  }
0xa: {  	s1 =	rddreg [dreg:$0x3];
	_ =	strace $0x80000047;
	s8 =	sor.u32 s9, s8  }
0xb: {  	s9 =	ssub.s32 s28, s29;
	s30 =	sshrl.u32 s10, $0x2;
	s8 =	sshrl.u32 s8, $0x3  }
0xc: {  	s11 =	sadd.s32 s30, s3;
	s9 =	smax.u32 s9, $0x1;
	s7 =	sadd.s32 s7, s6  }
0xd: {  	s8 =	sadd.s32 s8, s6;
	s6 =	sor.u32 $0x1C01, s31;
	s10 =	sshrl.u32 s11, $0x3  }
0xe: {  	s11 =	simm.s32 $0x1;
	s7 =	sadd.s32 $0x4E00, s7;
	s8 =	sadd.s32 $0xF000, s8  }
.LBB2_1:
0xf: {  	[spmem:s10], [sflag:s6] =	dma.local [hbm:s5], $0x50  }
0x10: {  	_ =	swait.ge [sflag:s11], $0x50  }
0x11: {  	[sflag:s11] =	ssyncset.done $0x0  }
0x12: {  	[sflag:s11] =	ssyncadd.s32 $0xFFFFFFB0  }
0x13: {  	[tilespmem:s12], [sflag:$0x1] =	stream.linear.gather [hbm4b:s2+s4], $0x80, $0x38;
	[tilespmem:$0x2B00] =	vst v63  }
0x14: {  	_ =	swait.ge [sflag:s11], $0x80  }
0x15: {  	[sflag:s11] =	ssyncset.done $0x0  }
0x16: {  	[sflag:s11] =	ssyncadd.s32 $0xFFFFFF80  }
0x17: {  	[tilespmem:s4], [sflag:$0x1] =	stream.linear.gather [hbm4b:s7+s4], $0x2800, $0x38;
	[tilespmem:$0x2B00] =	vst v63  }
0x18: {  	_ =	swait.ge [sflag:s11], $0x2800  }
0x19: {  	[sflag:s11] =	ssyncset.done $0x0  }
0x1a: {  	[sflag:s11] =	ssyncadd.s32 $0xFFFFD800  }
0x1b: {  	s17 =	simm.s32 $0x0;
	[bflag:$0x0] =	sbarrier.arrive $0xFFFF  }
0x1c: {  	[spmem:s3] =	stream.indirect.scatter.add.f32 [tilespmem:s12], [sflag:$0x1], $0x1, s17, s13, $0xb8;
	[tilespmem:$0x2B00] =	vst v63  }
0x1d: {  	_ =	swait.ge [sflag:s11], $0x80  }
0x1e: {  	s17 =	simm.s32 $0x200;
	[sflag:s11] =	ssyncset.done $0x0  }
.LBB2_2:
0x1f: {  	s18 =	sshra.s32 s17, $0x2;
	[sflag:s11] =	ssyncadd.s32 $0xFFFFFF80;
	p0 =	sne.s32 s17, $0x9E00  }
0x20: {  	[spmem:s3] =	stream.indirect.scatter.add.f32 [tilespmem:s12], [sflag:$0x1], $0x1, s18, s13, $0xb8;
	[tilespmem:$0x2B00] =	vst v63  }
.Ltmp0:
0x21: {  	_ = 	snop;
	(pc) =	sbr.rel @p0 .LBB2_2-.Ltmp0, $4  }
0x22: {  	_ = 	snop  }
0x23: {  	s17 =	sadd.s32 $0x200, s17  }
0x24: {  	_ =	swait.ge [sflag:s11], $0x80  }
0x25: {  	[sflag:s11] =	ssyncset.done $0x0  }
0x26: {  	s16 =	sadd.s32 $0x1, s16  }
0x27: {  	[sflag:s11] =	ssyncadd.s32 $0xFFFFFF80;
	p0 =	sne.s32 s16, s9  }
.Ltmp1:
0x28: {  	[bflag:$0x0] =	sbarrier.arrive $0xFFFF;
	(pc) =	sbr.rel @p0 .LBB2_1-.Ltmp1, $4  }
0x29: {  	[hbm:s8@s14], [sflag:s6] =	dma.strided [spmem:s10@s15], $0x50, s11, $0x10   }
0x2a: {  	_ =	swait.ge [sflag:s11], $0x50  }
0x2b: {  	[sflag:s11] =	ssyncset.done $0x0  }
0x2c: {  	[sflag:s11] =	ssyncadd.s32 $0xFFFFFFB0  }
0x2d: {  	_ =	sfence.sel $0x180000  }
0x2e: {  	[bflag:$0x0] =	sbarrier.arrive $0xFFFF  }
0x2f: {  	p0 =	sne.s32 s0, $0x0;
	_ =	strace $0x90000047  }
0x30: {  	s0 =	sadd.s32 @!p0 $0x100000, s1;
	[bflag:$0x2] =	sbarrier.arrive $0xFFFF  }
0x31: {  	[sflag:s0] =	ssyncadd.tile.s32 @!p0 $0x1;
	_ =	shalt  }
.Lfunc_end2:
_tile_overlayer_lowered:
.L_overlay_start_2:
0x32: {  	(tag) =	ssettag $0x2  }
0x33: {  	s0 =	rddreg [dreg:$0x0];
	s2 =	stileid.u32  }
0x34: {  	s1 =	rddreg [dreg:$0x1];
	p0 =	sne.s32 s2, $0x0  }
0x35: {  	s3 =	rddreg [dreg:$0x2];
	[bflag:$0x3] =	sbarrier.arrive $0xFFFF;
	s2 =	simm.s32 @!p0 $0x1C01  }
0x36: {  	[timem:s3], [sflag:s2] =	dma.local @!p0 [hbm:s0], s1  }
0x37: {  	s0 =	simm.s32 @!p0 $0x1  }
0x38: {  	_ =	swait.ge @!p0 [sflag:s0], s1  }
0x39: {  	s1 =	ssub.s32 @!p0 $0x0, s1;
	[sflag:s0] =	ssyncset.done @!p0 $0x0  }
0x3a: {  	[sflag:s0] =	ssyncadd.s32 @!p0 s1  }
0x3b: {  	[bflag:$0x3] =	sbarrier.arrive $0xFFFF  }
0x3c: {  	_ =	shalt  }

</sc_bundles>
